<compile_context>
chip_gen: v7x
topology: tpu7x:2x2x1
jax: 0.10.2.dev20260603
libtpu: 0.0.44.dev20260713+nightly
codegen_flags: <defaults>
</compile_context>

<pallas_src>
import functools

import jax
import jax.numpy as jnp
from jax import lax
from jax.experimental import pallas as pl
from jax.experimental.pallas import tpu as pltpu
from jax.experimental.pallas import tpu_sc as plsc

N = 10000
D = 128
D_OUT = 40
NW = 32
NCORES = 2
NSUB = 16
CH = 128
NCHUNK = 80
EPAD = NW * NCHUNK * CH
NPAD = 10240
ROWS_PER_TILE = NPAD // NSUB
DEGW = 128
NSTAGE = 2
STAGE = NCHUNK // NSTAGE

BN = 1000
GRID = N // BN

_mesh = plsc.VectorSubcoreMesh(core_axis_name="c", subcore_axis_name="s")


@functools.partial(
    pl.kernel,
    mesh=_mesh,
    out_type=jax.ShapeDtypeStruct((NCORES, NPAD, DEGW), jnp.float32),
    scratch_types=[
        pltpu.VMEM((NCHUNK, CH), jnp.int32),
        pltpu.VMEM((CH, DEGW), jnp.float32),
        pltpu.VMEM_SHARED((NPAD, DEGW), jnp.float32),
    ],
)
def _sc_degree(dst_hbm, ones_hbm, zeros_hbm, out_hbm, dst_v, ones_v, acc):
    cid = lax.axis_index("c")
    sid = lax.axis_index("s")
    wid = cid * NSUB + sid
    pltpu.sync_copy(dst_hbm.at[wid], dst_v)
    pltpu.sync_copy(ones_hbm, ones_v)
    r0 = sid * ROWS_PER_TILE
    pltpu.sync_copy(zeros_hbm.at[pl.ds(r0, ROWS_PER_TILE)],
                    acc.at[pl.ds(r0, ROWS_PER_TILE)])
    plsc.subcore_barrier()

    @pl.loop(0, NCHUNK)
    def _(c):
        pltpu.sync_copy(ones_v, acc.at[dst_v.at[c]], add=True)

    plsc.subcore_barrier()
    pltpu.sync_copy(acc.at[pl.ds(r0, ROWS_PER_TILE)],
                    out_hbm.at[cid, pl.ds(r0, ROWS_PER_TILE)])


@functools.partial(
    pl.kernel,
    mesh=_mesh,
    out_type=jax.ShapeDtypeStruct((NCORES, NPAD, D), jnp.float32),
    scratch_types=[
        pltpu.VMEM((STAGE, CH), jnp.int32),
        pltpu.VMEM((STAGE, CH), jnp.int32),
        pltpu.VMEM((CH, D), jnp.float32),
        pltpu.VMEM((CH, D), jnp.float32),
        pltpu.VMEM_SHARED((NPAD, D), jnp.float32),
        pltpu.SemaphoreType.DMA,
        pltpu.SemaphoreType.DMA,
    ],
)
def _sc_scatter(y_hbm, src_hbm, dst_hbm, zeros_hbm,
                out_hbm, src_v, dst_v, bufa, bufb, acc, sema, semb):
    cid = lax.axis_index("c")
    sid = lax.axis_index("s")
    wid = cid * NSUB + sid
    r0 = sid * ROWS_PER_TILE
    pltpu.sync_copy(zeros_hbm.at[pl.ds(r0, ROWS_PER_TILE)],
                    acc.at[pl.ds(r0, ROWS_PER_TILE)])
    plsc.subcore_barrier()

    for h in range(NSTAGE):
        pltpu.sync_copy(src_hbm.at[wid, pl.ds(h * STAGE, STAGE)], src_v)
        pltpu.sync_copy(dst_hbm.at[wid, pl.ds(h * STAGE, STAGE)], dst_v)
        pltpu.async_copy(y_hbm.at[src_v.at[0]], bufa, sema)

        @pl.loop(0, STAGE, step=2)
        def _(c):
            pltpu.async_copy(y_hbm.at[src_v.at[c + 1]], bufb, semb)
            pltpu.make_async_copy(y_hbm.at[src_v.at[c]], bufa, sema).wait()
            pltpu.sync_copy(bufa, acc.at[dst_v.at[c]], add=True)

            @pl.when(c + 2 < STAGE)
            def _():
                pltpu.async_copy(y_hbm.at[src_v.at[c + 2]], bufa, sema)

            pltpu.make_async_copy(y_hbm.at[src_v.at[c + 1]], bufb,
                                  semb).wait()
            pltpu.sync_copy(bufb, acc.at[dst_v.at[c + 1]], add=True)

    plsc.subcore_barrier()
    pltpu.sync_copy(acc.at[pl.ds(r0, ROWS_PER_TILE)],
                    out_hbm.at[cid, pl.ds(r0, ROWS_PER_TILE)])


_PREC = lax.Precision.HIGHEST


def _tc_first_body(x_ref, w_ref, degp_ref, y_ref, dis_ref):
    deg = degp_ref[0, :, 0:1] + degp_ref[1, :, 0:1] + 1.0
    dis = lax.rsqrt(deg)
    xw = jnp.dot(x_ref[...], w_ref[...],
                 preferred_element_type=jnp.float32, precision=_PREC)
    y_ref[...] = xw * dis
    dis_ref[...] = dis


def _tc_first(x, w, degp):
    return pl.pallas_call(
        _tc_first_body,
        grid=(GRID,),
        in_specs=[
            pl.BlockSpec((BN, D), lambda i: (i, 0)),
            pl.BlockSpec((D, D), lambda i: (0, 0)),
            pl.BlockSpec((NCORES, BN, DEGW), lambda i: (0, i, 0)),
        ],
        out_specs=[
            pl.BlockSpec((BN, D), lambda i: (i, 0)),
            pl.BlockSpec((BN, 1), lambda i: (i, 0)),
        ],
        out_shape=[
            jax.ShapeDtypeStruct((N, D), jnp.float32),
            jax.ShapeDtypeStruct((N, 1), jnp.float32),
        ],
    )(x, w, degp)


def _tc_mid_body(p_ref, y_ref, dis_ref, b_ref, w_ref, o_ref):
    s = p_ref[0] + p_ref[1] + y_ref[...]
    dis = dis_ref[...]
    h = jnp.maximum(dis * s + b_ref[...], 0.0)
    o_ref[...] = jnp.dot(h, w_ref[...],
                         preferred_element_type=jnp.float32,
                         precision=_PREC) * dis


def _tc_mid(p, y, dis, b, w):
    return pl.pallas_call(
        _tc_mid_body,
        grid=(GRID,),
        in_specs=[
            pl.BlockSpec((NCORES, BN, D), lambda i: (0, i, 0)),
            pl.BlockSpec((BN, D), lambda i: (i, 0)),
            pl.BlockSpec((BN, 1), lambda i: (i, 0)),
            pl.BlockSpec((1, D), lambda i: (0, 0)),
            pl.BlockSpec((D, D), lambda i: (0, 0)),
        ],
        out_specs=pl.BlockSpec((BN, D), lambda i: (i, 0)),
        out_shape=jax.ShapeDtypeStruct((N, D), jnp.float32),
    )(p, y, dis, b, w)


def _tc_final_body(p_ref, y_ref, dis_ref, b_ref, wp1_ref, bp1_ref,
                   wp2_ref, bp2_ref, o_ref):
    s = p_ref[0] + p_ref[1] + y_ref[...]
    h = jnp.maximum(dis_ref[...] * s + b_ref[...], 0.0)
    t = jnp.dot(h, wp1_ref[...],
                preferred_element_type=jnp.float32, precision=_PREC)
    t = t + bp1_ref[...]
    o = jnp.dot(t, wp2_ref[...],
                preferred_element_type=jnp.float32, precision=_PREC)
    o = o + bp2_ref[...]
    m = jnp.max(o, axis=1, keepdims=True)
    lse = jnp.log(jnp.sum(jnp.exp(o - m), axis=1, keepdims=True)) + m
    o_ref[...] = o - lse


def _tc_final(p, y, dis, b, wp1, bp1, wp2, bp2):
    return pl.pallas_call(
        _tc_final_body,
        grid=(GRID,),
        in_specs=[
            pl.BlockSpec((NCORES, BN, D), lambda i: (0, i, 0)),
            pl.BlockSpec((BN, D), lambda i: (i, 0)),
            pl.BlockSpec((BN, 1), lambda i: (i, 0)),
            pl.BlockSpec((1, D), lambda i: (0, 0)),
            pl.BlockSpec((D, D), lambda i: (0, 0)),
            pl.BlockSpec((1, D), lambda i: (0, 0)),
            pl.BlockSpec((D, D_OUT), lambda i: (0, 0)),
            pl.BlockSpec((1, D_OUT), lambda i: (0, 0)),
        ],
        out_specs=pl.BlockSpec((BN, D_OUT), lambda i: (i, 0)),
        out_shape=jax.ShapeDtypeStruct((N, D_OUT), jnp.float32),
    )(p, y, dis, b, wp1, bp1, wp2, bp2)


def kernel(x, edge_index, W1, b1, W2, b2, W3, b3, Wp1, bp1, Wp2, bp2):
    src = edge_index[0].astype(jnp.int32)
    dst = edge_index[1].astype(jnp.int32)
    e = src.shape[0]
    pad = EPAD - e
    src_p = jnp.concatenate([src, jnp.zeros((pad,), jnp.int32)])
    dst_p = jnp.concatenate([dst, jnp.full((pad,), N, jnp.int32)])
    src_bal = src_p.reshape(NW, NCHUNK, CH)
    dst_bal = dst_p.reshape(NW, NCHUNK, CH)

    zeros_d = jnp.zeros((NPAD, D), jnp.float32)
    ones_g = jnp.ones((CH, DEGW), jnp.float32)

    degp = _sc_degree(dst_bal, ones_g, zeros_d)
    y1, dis = _tc_first(x, W1, degp)
    p1 = _sc_scatter(y1, src_bal, dst_bal, zeros_d)
    y2 = _tc_mid(p1, y1, dis, b1.reshape(1, D), W2)
    p2 = _sc_scatter(y2, src_bal, dst_bal, zeros_d)
    y3 = _tc_mid(p2, y2, dis, b2.reshape(1, D), W3)
    p3 = _sc_scatter(y3, src_bal, dst_bal, zeros_d)
    out = _tc_final(p3, y3, dis, b3.reshape(1, D), Wp1,
                    bp1.reshape(1, D), Wp2, bp2.reshape(1, D_OUT))
    return out

# --- scband reference (transcript-rebuilt; emitter-appended) ---
"""Pipeline reference for scband-gnn-12713103196622 (READ-ONLY COPY).

The authoritative reference and input builder live on the scoring server;
editing this copy changes nothing except your own understanding.
"""

import jax, jax.numpy as jnp
import numpy as np

N_NODES = 10000
N_EDGES = 320000
D_IN = 128
D_HID = 128
D_OUT = 40


def setup_inputs(seed: int = 0) -> dict:
    key = jax.random.key(seed)
    ks = jax.random.split(key, 16)
    x = jax.random.normal(ks[0], (N_NODES, D_IN), dtype=jnp.float32)
    edge_index = jax.random.randint(ks[1], (2, N_EDGES), 0, N_NODES, dtype=jnp.int64)
    s = 1.0 / np.sqrt(D_HID)
    W1 = jax.random.uniform(ks[2], (D_IN, D_HID), jnp.float32, -s, s)
    b1 = jnp.zeros((D_HID,), jnp.float32)
    W2 = jax.random.uniform(ks[3], (D_HID, D_HID), jnp.float32, -s, s)
    b2 = jnp.zeros((D_HID,), jnp.float32)
    W3 = jax.random.uniform(ks[4], (D_HID, D_HID), jnp.float32, -s, s)
    b3 = jnp.zeros((D_HID,), jnp.float32)
    Wp1 = jax.random.uniform(ks[5], (D_HID, D_HID), jnp.float32, -s, s)
    bp1 = jax.random.uniform(ks[6], (D_HID,), jnp.float32, -s, s)
    Wp2 = jax.random.uniform(ks[7], (D_HID, D_OUT), jnp.float32, -s, s)
    bp2 = jax.random.uniform(ks[8], (D_OUT,), jnp.float32, -s, s)
    return {"x": x, "edge_index": edge_index, "W1": W1, "b1": b1, "W2": W2, "b2": b2,
            "W3": W3, "b3": b3, "Wp1": Wp1, "bp1": bp1, "Wp2": Wp2, "bp2": bp2}


def _gcn_conv(x, edge_index, W, b):
    # GCNConv: add self-loops, symmetric normalization, linear transform, aggregate, bias
    n = x.shape[0]
    loop = jnp.arange(n, dtype=edge_index.dtype)
    src = jnp.concatenate([edge_index[0], loop])
    dst = jnp.concatenate([edge_index[1], loop])
    ones = jnp.ones(src.shape[0], dtype=x.dtype)
    deg = jax.ops.segment_sum(ones, dst, num_segments=n)
    deg_inv_sqrt = jnp.where(deg > 0, deg ** -0.5, 0.0)
    norm = deg_inv_sqrt[src] * deg_inv_sqrt[dst]
    xw = x @ W
    msg = xw[src] * norm[:, None]
    out = jax.ops.segment_sum(msg, dst, num_segments=n)
    return out + b


def reference(x, edge_index, W1, b1, W2, b2, W3, b3, Wp1, bp1, Wp2, bp2):
    h = _gcn_conv(x, edge_index, W1, b1)
    h = jax.nn.relu(h)
    h = _gcn_conv(h, edge_index, W2, b2)
    h = jax.nn.relu(h)
    h = _gcn_conv(h, edge_index, W3, b3)
    h = jax.nn.relu(h)
    # post_mp: Linear -> (dropout eval = identity) -> Linear
    h = h @ Wp1 + bp1
    h = h @ Wp2 + bp2
    return jax.nn.log_softmax(h, axis=1)

if __name__ == "__main__":
    import jax
    _d = setup_inputs()
    print(jax.jit(kernel)(*tuple(_d.values())))

</pallas_src>

<mosaic_0001>
#map = affine_map<(d0, d1) -> (0, 0)>
#map1 = affine_map<(d0, d1) -> (0, 0, 0)>
module attributes {stable_mosaic.version = 14 : i64} {
  func.func @_sc_scatter(%arg0: i32, %arg1: i32, %arg2: memref<10000x128xf32, #tpu.memory_space<hbm>>, %arg3: memref<32x80x128xi32, #tpu.memory_space<hbm>>, %arg4: memref<32x80x128xi32, #tpu.memory_space<hbm>>, %arg5: memref<10240x128xf32, #tpu.memory_space<hbm>>, %arg6: memref<2x10240x128xf32, #tpu.memory_space<hbm>>, %arg7: memref<40x128xi32, #tpu.memory_space<vmem>>, %arg8: memref<40x128xi32, #tpu.memory_space<vmem>>, %arg9: memref<128x128xf32, #tpu.memory_space<vmem>>, %arg10: memref<128x128xf32, #tpu.memory_space<vmem>>, %arg11: memref<10240x128xf32, #tpu.memory_space<vmem_shared>>, %arg12: memref<!tpu.dma_semaphore, #tpu.memory_space<semaphore_mem>>, %arg13: memref<!tpu.dma_semaphore, #tpu.memory_space<semaphore_mem>>) attributes {dimension_semantics = [#tpu.dimension_semantics<core_parallel>, #tpu.dimension_semantics<subcore_parallel>], iteration_bounds = array<i64: 2, 16>, scalar_prefetch = 0 : i64, scratch_operands = 7 : i64, tpu.core_type = #tpu.core_type<sc_vector_subcore>, window_params = [{transform_indices = #map}, {transform_indices = #map1}, {transform_indices = #map1}, {transform_indices = #map}, {transform_indices = #map1}]} {
    %mul3A = arith.constant 16 : i32
    %mul3A_0 = arith.muli %arg0, %mul3A : i32
    %add3A = arith.addi %mul3A_0, %arg1 : i32
    %mul3A_1 = arith.constant 640 : i32
    %mul3A_2 = arith.muli %arg1, %mul3A_1 : i32
    "tpu.region"() ({
      %run_scoped3A = tpu.sem_alloc : memref<!tpu.dma_semaphore, #tpu.memory_space<semaphore_mem>>
      %dma_start3A_26 = arith.constant 0 : i32
      %dma_start3A_27 = tpu.memref_slice %arg11[%mul3A_2, %dma_start3A_26] : memref<10240x128xf32, #tpu.memory_space<vmem_shared>> -> memref<640x128xf32, #tpu.memory_space<vmem_shared>>
      %dma_start3A_28 = arith.constant 0 : i32
      %dma_start3A_29 = tpu.memref_slice %arg5[%mul3A_2, %dma_start3A_28] : memref<10240x128xf32, #tpu.memory_space<hbm>> -> memref<640x128xf32, #tpu.memory_space<hbm>>
      tpu.enqueue_dma source(%dma_start3A_29 : memref<640x128xf32, #tpu.memory_space<hbm>>) target(%dma_start3A_27 : memref<640x128xf32, #tpu.memory_space<vmem_shared>>) target_semaphore(%run_scoped3A : memref<!tpu.dma_semaphore, #tpu.memory_space<semaphore_mem>>)
      %dma_wait3A = arith.constant 0 : i32
      %dma_wait3A_30 = tpu.memref_slice %arg11[%mul3A_2, %dma_wait3A] : memref<10240x128xf32, #tpu.memory_space<vmem_shared>> -> memref<640x128xf32, #tpu.memory_space<vmem_shared>>
      %dma_wait3A_31 = arith.constant 0 : i32
      %dma_wait3A_32 = tpu.memref_slice %arg5[%mul3A_2, %dma_wait3A_31] : memref<10240x128xf32, #tpu.memory_space<hbm>> -> memref<640x128xf32, #tpu.memory_space<hbm>>
      tpu.wait_dma2 semaphore(%run_scoped3A : memref<!tpu.dma_semaphore, #tpu.memory_space<semaphore_mem>>) src(%dma_wait3A_32 : memref<640x128xf32, #tpu.memory_space<hbm>>) dst(%dma_wait3A_30 : memref<640x128xf32, #tpu.memory_space<vmem_shared>>)
      tpu.yield
    }) : () -> ()
    %barrier3A = arith.constant 0 : index
    tpu.barrier barrier_id(%barrier3A)
    "tpu.region"() ({
      %run_scoped3A = tpu.sem_alloc : memref<!tpu.dma_semaphore, #tpu.memory_space<semaphore_mem>>
      %dma_start3A_26 = arith.constant 0 : i32
      %dma_start3A_27 = arith.constant 0 : i32
      %dma_start3A_28 = tpu.memref_slice %arg3[%add3A, %dma_start3A_26, %dma_start3A_27] : memref<32x80x128xi32, #tpu.memory_space<hbm>> -> memref<1x40x128xi32, #tpu.memory_space<hbm>>
      %dma_start3A_29 = tpu.memref_squeeze %dma_start3A_28 : memref<1x40x128xi32, #tpu.memory_space<hbm>> -> memref<40x128xi32, #tpu.memory_space<hbm>>
      %dma_start3A_30 = arith.constant 0 : i32
      %dma_start3A_31 = arith.constant 0 : i32
      %dma_start3A_32 = tpu.memref_slice %arg3[%add3A, %dma_start3A_30, %dma_start3A_31] : memref<32x80x128xi32, #tpu.memory_space<hbm>> -> memref<1x40x128xi32, #tpu.memory_space<hbm>>
      %dma_start3A_33 = tpu.memref_squeeze %dma_start3A_32 : memref<1x40x128xi32, #tpu.memory_space<hbm>> -> memref<40x128xi32, #tpu.memory_space<hbm>>
      tpu.enqueue_dma source(%dma_start3A_33 : memref<40x128xi32, #tpu.memory_space<hbm>>) target(%arg7 : memref<40x128xi32, #tpu.memory_space<vmem>>) target_semaphore(%run_scoped3A : memref<!tpu.dma_semaphore, #tpu.memory_space<semaphore_mem>>)
      %dma_wait3A = arith.constant 0 : i32
      %dma_wait3A_34 = arith.constant 0 : i32
      %dma_wait3A_35 = tpu.memref_slice %arg3[%add3A, %dma_wait3A, %dma_wait3A_34] : memref<32x80x128xi32, #tpu.memory_space<hbm>> -> memref<1x40x128xi32, #tpu.memory_space<hbm>>
      %dma_wait3A_36 = tpu.memref_squeeze %dma_wait3A_35 : memref<1x40x128xi32, #tpu.memory_space<hbm>> -> memref<40x128xi32, #tpu.memory_space<hbm>>
      %dma_wait3A_37 = arith.constant 0 : i32
      %dma_wait3A_38 = arith.constant 0 : i32
      %dma_wait3A_39 = tpu.memref_slice %arg3[%add3A, %dma_wait3A_37, %dma_wait3A_38] : memref<32x80x128xi32, #tpu.memory_space<hbm>> -> memref<1x40x128xi32, #tpu.memory_space<hbm>>
      %dma_wait3A_40 = tpu.memref_squeeze %dma_wait3A_39 : memref<1x40x128xi32, #tpu.memory_space<hbm>> -> memref<40x128xi32, #tpu.memory_space<hbm>>
      tpu.wait_dma2 semaphore(%run_scoped3A : memref<!tpu.dma_semaphore, #tpu.memory_space<semaphore_mem>>) src(%dma_wait3A_40 : memref<40x128xi32, #tpu.memory_space<hbm>>) dst(%arg7 : memref<40x128xi32, #tpu.memory_space<vmem>>)
      tpu.yield
    }) : () -> ()
    "tpu.region"() ({
      %run_scoped3A = tpu.sem_alloc : memref<!tpu.dma_semaphore, #tpu.memory_space<semaphore_mem>>
      %dma_start3A_26 = arith.constant 0 : i32
      %dma_start3A_27 = arith.constant 0 : i32
      %dma_start3A_28 = tpu.memref_slice %arg4[%add3A, %dma_start3A_26, %dma_start3A_27] : memref<32x80x128xi32, #tpu.memory_space<hbm>> -> memref<1x40x128xi32, #tpu.memory_space<hbm>>
      %dma_start3A_29 = tpu.memref_squeeze %dma_start3A_28 : memref<1x40x128xi32, #tpu.memory_space<hbm>> -> memref<40x128xi32, #tpu.memory_space<hbm>>
      %dma_start3A_30 = arith.constant 0 : i32
      %dma_start3A_31 = arith.constant 0 : i32
      %dma_start3A_32 = tpu.memref_slice %arg4[%add3A, %dma_start3A_30, %dma_start3A_31] : memref<32x80x128xi32, #tpu.memory_space<hbm>> -> memref<1x40x128xi32, #tpu.memory_space<hbm>>
      %dma_start3A_33 = tpu.memref_squeeze %dma_start3A_32 : memref<1x40x128xi32, #tpu.memory_space<hbm>> -> memref<40x128xi32, #tpu.memory_space<hbm>>
      tpu.enqueue_dma source(%dma_start3A_33 : memref<40x128xi32, #tpu.memory_space<hbm>>) target(%arg8 : memref<40x128xi32, #tpu.memory_space<vmem>>) target_semaphore(%run_scoped3A : memref<!tpu.dma_semaphore, #tpu.memory_space<semaphore_mem>>)
      %dma_wait3A = arith.constant 0 : i32
      %dma_wait3A_34 = arith.constant 0 : i32
      %dma_wait3A_35 = tpu.memref_slice %arg4[%add3A, %dma_wait3A, %dma_wait3A_34] : memref<32x80x128xi32, #tpu.memory_space<hbm>> -> memref<1x40x128xi32, #tpu.memory_space<hbm>>
      %dma_wait3A_36 = tpu.memref_squeeze %dma_wait3A_35 : memref<1x40x128xi32, #tpu.memory_space<hbm>> -> memref<40x128xi32, #tpu.memory_space<hbm>>
      %dma_wait3A_37 = arith.constant 0 : i32
      %dma_wait3A_38 = arith.constant 0 : i32
      %dma_wait3A_39 = tpu.memref_slice %arg4[%add3A, %dma_wait3A_37, %dma_wait3A_38] : memref<32x80x128xi32, #tpu.memory_space<hbm>> -> memref<1x40x128xi32, #tpu.memory_space<hbm>>
      %dma_wait3A_40 = tpu.memref_squeeze %dma_wait3A_39 : memref<1x40x128xi32, #tpu.memory_space<hbm>> -> memref<40x128xi32, #tpu.memory_space<hbm>>
      tpu.wait_dma2 semaphore(%run_scoped3A : memref<!tpu.dma_semaphore, #tpu.memory_space<semaphore_mem>>) src(%dma_wait3A_40 : memref<40x128xi32, #tpu.memory_space<hbm>>) dst(%arg8 : memref<40x128xi32, #tpu.memory_space<vmem>>)
      tpu.yield
    }) : () -> ()
    %dma_start3A = arith.constant 0 : i32
    %dma_start3A_3 = arith.constant 0 : i32
    %dma_start3A_4 = tpu.memref_slice %arg7[%dma_start3A, %dma_start3A_3] : memref<40x128xi32, #tpu.memory_space<vmem>> -> memref<1x128xi32, #tpu.memory_space<vmem>>
    %dma_start3A_5 = tpu.memref_squeeze %dma_start3A_4 : memref<1x128xi32, #tpu.memory_space<vmem>> -> memref<128xi32, #tpu.memory_space<vmem>>
    %dma_start3A_6 = arith.constant 0 : i32
    %dma_start3A_7 = arith.constant 0 : i32
    %dma_start3A_8 = tpu.memref_slice %arg2[%dma_start3A_6, %dma_start3A_7] : memref<10000x128xf32, #tpu.memory_space<hbm>> -> memref<10000x128xf32, #tpu.memory_space<hbm>>
    tpu.enqueue_indirect_dma source(%dma_start3A_8 : memref<10000x128xf32, #tpu.memory_space<hbm>>) target(%arg9 : memref<128x128xf32, #tpu.memory_space<vmem>>) offsets(%dma_start3A_5 : memref<128xi32, #tpu.memory_space<vmem>>) semaphore(%arg12 : memref<!tpu.dma_semaphore, #tpu.memory_space<semaphore_mem>>)
    %scan3A = arith.constant 0 : i32
    %scan3A_9 = arith.constant 20 : i32
    %scan3A_10 = arith.addi %scan3A, %scan3A_9 : i32
    %scan3A_11 = arith.constant 1 : i32
    scf.for %scan3A_26 = %scan3A to %scan3A_10 step %scan3A_11  : i32 {
      %mul3A_27 = arith.constant 2 : i32
      %mul3A_28 = arith.muli %scan3A_26, %mul3A_27 : i32
      %add3A_29 = arith.constant 0 : i32
      %add3A_30 = arith.addi %add3A_29, %mul3A_28 : i32
      %add3A_31 = arith.constant 1 : i32
      %add3A_32 = arith.addi %add3A_30, %add3A_31 : i32
      %dma_start3A_33 = arith.constant 0 : i32
      %dma_start3A_34 = tpu.memref_slice %arg7[%add3A_32, %dma_start3A_33] : memref<40x128xi32, #tpu.memory_space<vmem>> -> memref<1x128xi32, #tpu.memory_space<vmem>>
      %dma_start3A_35 = tpu.memref_squeeze %dma_start3A_34 : memref<1x128xi32, #tpu.memory_space<vmem>> -> memref<128xi32, #tpu.memory_space<vmem>>
      %dma_start3A_36 = arith.constant 0 : i32
      %dma_start3A_37 = arith.constant 0 : i32
      %dma_start3A_38 = tpu.memref_slice %arg2[%dma_start3A_36, %dma_start3A_37] : memref<10000x128xf32, #tpu.memory_space<hbm>> -> memref<10000x128xf32, #tpu.memory_space<hbm>>
      tpu.enqueue_indirect_dma source(%dma_start3A_38 : memref<10000x128xf32, #tpu.memory_space<hbm>>) target(%arg10 : memref<128x128xf32, #tpu.memory_space<vmem>>) offsets(%dma_start3A_35 : memref<128xi32, #tpu.memory_space<vmem>>) semaphore(%arg13 : memref<!tpu.dma_semaphore, #tpu.memory_space<semaphore_mem>>)
      %dma_wait3A = arith.constant 0 : i32
      %dma_wait3A_39 = tpu.memref_slice %arg7[%add3A_30, %dma_wait3A] : memref<40x128xi32, #tpu.memory_space<vmem>> -> memref<1x128xi32, #tpu.memory_space<vmem>>
      %dma_wait3A_40 = tpu.memref_squeeze %dma_wait3A_39 : memref<1x128xi32, #tpu.memory_space<vmem>> -> memref<128xi32, #tpu.memory_space<vmem>>
      %dma_wait3A_41 = arith.constant 0 : i32
      %dma_wait3A_42 = arith.constant 0 : i32
      %dma_wait3A_43 = tpu.memref_slice %arg2[%dma_wait3A_41, %dma_wait3A_42] : memref<10000x128xf32, #tpu.memory_space<hbm>> -> memref<10000x128xf32, #tpu.memory_space<hbm>>
      tpu.wait_indirect_dma semaphore(%arg12 : memref<!tpu.dma_semaphore, #tpu.memory_space<semaphore_mem>>) src(%dma_wait3A_43 : memref<10000x128xf32, #tpu.memory_space<hbm>>) dst(%arg9 : memref<128x128xf32, #tpu.memory_space<vmem>>)
      "tpu.region"() ({
        %run_scoped3A = tpu.sem_alloc : memref<!tpu.dma_semaphore, #tpu.memory_space<semaphore_mem>>
        %dma_start3A_58 = arith.constant 0 : i32
        %dma_start3A_59 = tpu.memref_slice %arg8[%add3A_30, %dma_start3A_58] : memref<40x128xi32, #tpu.memory_space<vmem>> -> memref<1x128xi32, #tpu.memory_space<vmem>>
        %dma_start3A_60 = tpu.memref_squeeze %dma_start3A_59 : memref<1x128xi32, #tpu.memory_space<vmem>> -> memref<128xi32, #tpu.memory_space<vmem>>
        %dma_start3A_61 = arith.constant 0 : i32
        %dma_start3A_62 = arith.constant 0 : i32
        %dma_start3A_63 = tpu.memref_slice %arg11[%dma_start3A_61, %dma_start3A_62] : memref<10240x128xf32, #tpu.memory_space<vmem_shared>> -> memref<10240x128xf32, #tpu.memory_space<vmem_shared>>
        tpu.enqueue_indirect_dma source(%arg9 : memref<128x128xf32, #tpu.memory_space<vmem>>) target(%dma_start3A_63 : memref<10240x128xf32, #tpu.memory_space<vmem_shared>>) offsets(%dma_start3A_60 : memref<128xi32, #tpu.memory_space<vmem>>) semaphore(%run_scoped3A : memref<!tpu.dma_semaphore, #tpu.memory_space<semaphore_mem>>) {add = true}
        %dma_wait3A_64 = arith.constant 0 : i32
        %dma_wait3A_65 = tpu.memref_slice %arg8[%add3A_30, %dma_wait3A_64] : memref<40x128xi32, #tpu.memory_space<vmem>> -> memref<1x128xi32, #tpu.memory_space<vmem>>
        %dma_wait3A_66 = tpu.memref_squeeze %dma_wait3A_65 : memref<1x128xi32, #tpu.memory_space<vmem>> -> memref<128xi32, #tpu.memory_space<vmem>>
        %dma_wait3A_67 = arith.constant 0 : i32
        %dma_wait3A_68 = arith.constant 0 : i32
        %dma_wait3A_69 = tpu.memref_slice %arg11[%dma_wait3A_67, %dma_wait3A_68] : memref<10240x128xf32, #tpu.memory_space<vmem_shared>> -> memref<10240x128xf32, #tpu.memory_space<vmem_shared>>
        tpu.wait_indirect_dma semaphore(%run_scoped3A : memref<!tpu.dma_semaphore, #tpu.memory_space<semaphore_mem>>) src(%arg9 : memref<128x128xf32, #tpu.memory_space<vmem>>) dst(%dma_wait3A_69 : memref<10240x128xf32, #tpu.memory_space<vmem_shared>>)
        tpu.yield
      }) : () -> ()
      %add3A_44 = arith.constant 2 : i32
      %add3A_45 = arith.addi %add3A_30, %add3A_44 : i32
      %lt3A = arith.constant 40 : i32
      %lt3A_46 = arith.cmpi slt, %add3A_45, %lt3A : i32
      %convert_element_type3A = arith.extui %lt3A_46 : i1 to i32
      %cond3A = arith.constant 0 : i32
      %cond3A_47 = arith.cmpi ne, %convert_element_type3A, %cond3A : i32
      scf.if %cond3A_47 {
        %add3A_58 = arith.constant 2 : i32
        %add3A_59 = arith.addi %add3A_30, %add3A_58 : i32
        %dma_start3A_60 = arith.constant 0 : i32
        %dma_start3A_61 = tpu.memref_slice %arg7[%add3A_59, %dma_start3A_60] : memref<40x128xi32, #tpu.memory_space<vmem>> -> memref<1x128xi32, #tpu.memory_space<vmem>>
        %dma_start3A_62 = tpu.memref_squeeze %dma_start3A_61 : memref<1x128xi32, #tpu.memory_space<vmem>> -> memref<128xi32, #tpu.memory_space<vmem>>
        %dma_start3A_63 = arith.constant 0 : i32
        %dma_start3A_64 = arith.constant 0 : i32
        %dma_start3A_65 = tpu.memref_slice %arg2[%dma_start3A_63, %dma_start3A_64] : memref<10000x128xf32, #tpu.memory_space<hbm>> -> memref<10000x128xf32, #tpu.memory_space<hbm>>
        tpu.enqueue_indirect_dma source(%dma_start3A_65 : memref<10000x128xf32, #tpu.memory_space<hbm>>) target(%arg9 : memref<128x128xf32, #tpu.memory_space<vmem>>) offsets(%dma_start3A_62 : memref<128xi32, #tpu.memory_space<vmem>>) semaphore(%arg12 : memref<!tpu.dma_semaphore, #tpu.memory_space<semaphore_mem>>)
      } else {
      }
      %add3A_48 = arith.constant 1 : i32
      %add3A_49 = arith.addi %add3A_30, %add3A_48 : i32
      %dma_wait3A_50 = arith.constant 0 : i32
      %dma_wait3A_51 = tpu.memref_slice %arg7[%add3A_49, %dma_wait3A_50] : memref<40x128xi32, #tpu.memory_space<vmem>> -> memref<1x128xi32, #tpu.memory_space<vmem>>
      %dma_wait3A_52 = tpu.memref_squeeze %dma_wait3A_51 : memref<1x128xi32, #tpu.memory_space<vmem>> -> memref<128xi32, #tpu.memory_space<vmem>>
      %dma_wait3A_53 = arith.constant 0 : i32
      %dma_wait3A_54 = arith.constant 0 : i32
      %dma_wait3A_55 = tpu.memref_slice %arg2[%dma_wait3A_53, %dma_wait3A_54] : memref<10000x128xf32, #tpu.memory_space<hbm>> -> memref<10000x128xf32, #tpu.memory_space<hbm>>
      tpu.wait_indirect_dma semaphore(%arg13 : memref<!tpu.dma_semaphore, #tpu.memory_space<semaphore_mem>>) src(%dma_wait3A_55 : memref<10000x128xf32, #tpu.memory_space<hbm>>) dst(%arg10 : memref<128x128xf32, #tpu.memory_space<vmem>>)
      %add3A_56 = arith.constant 1 : i32
      %add3A_57 = arith.addi %add3A_30, %add3A_56 : i32
      "tpu.region"() ({
        %run_scoped3A = tpu.sem_alloc : memref<!tpu.dma_semaphore, #tpu.memory_space<semaphore_mem>>
        %dma_start3A_58 = arith.constant 0 : i32
        %dma_start3A_59 = tpu.memref_slice %arg8[%add3A_57, %dma_start3A_58] : memref<40x128xi32, #tpu.memory_space<vmem>> -> memref<1x128xi32, #tpu.memory_space<vmem>>
        %dma_start3A_60 = tpu.memref_squeeze %dma_start3A_59 : memref<1x128xi32, #tpu.memory_space<vmem>> -> memref<128xi32, #tpu.memory_space<vmem>>
        %dma_start3A_61 = arith.constant 0 : i32
        %dma_start3A_62 = arith.constant 0 : i32
        %dma_start3A_63 = tpu.memref_slice %arg11[%dma_start3A_61, %dma_start3A_62] : memref<10240x128xf32, #tpu.memory_space<vmem_shared>> -> memref<10240x128xf32, #tpu.memory_space<vmem_shared>>
        tpu.enqueue_indirect_dma source(%arg10 : memref<128x128xf32, #tpu.memory_space<vmem>>) target(%dma_start3A_63 : memref<10240x128xf32, #tpu.memory_space<vmem_shared>>) offsets(%dma_start3A_60 : memref<128xi32, #tpu.memory_space<vmem>>) semaphore(%run_scoped3A : memref<!tpu.dma_semaphore, #tpu.memory_space<semaphore_mem>>) {add = true}
        %dma_wait3A_64 = arith.constant 0 : i32
        %dma_wait3A_65 = tpu.memref_slice %arg8[%add3A_57, %dma_wait3A_64] : memref<40x128xi32, #tpu.memory_space<vmem>> -> memref<1x128xi32, #tpu.memory_space<vmem>>
        %dma_wait3A_66 = tpu.memref_squeeze %dma_wait3A_65 : memref<1x128xi32, #tpu.memory_space<vmem>> -> memref<128xi32, #tpu.memory_space<vmem>>
        %dma_wait3A_67 = arith.constant 0 : i32
        %dma_wait3A_68 = arith.constant 0 : i32
        %dma_wait3A_69 = tpu.memref_slice %arg11[%dma_wait3A_67, %dma_wait3A_68] : memref<10240x128xf32, #tpu.memory_space<vmem_shared>> -> memref<10240x128xf32, #tpu.memory_space<vmem_shared>>
        tpu.wait_indirect_dma semaphore(%run_scoped3A : memref<!tpu.dma_semaphore, #tpu.memory_space<semaphore_mem>>) src(%arg10 : memref<128x128xf32, #tpu.memory_space<vmem>>) dst(%dma_wait3A_69 : memref<10240x128xf32, #tpu.memory_space<vmem_shared>>)
        tpu.yield
      }) : () -> ()
    }
    %scan3A_12 = arith.constant 20 : i32
    "tpu.region"() ({
      %run_scoped3A = tpu.sem_alloc : memref<!tpu.dma_semaphore, #tpu.memory_space<semaphore_mem>>
      %dma_start3A_26 = arith.constant 40 : i32
      %dma_start3A_27 = arith.constant 0 : i32
      %dma_start3A_28 = tpu.memref_slice %arg3[%add3A, %dma_start3A_26, %dma_start3A_27] : memref<32x80x128xi32, #tpu.memory_space<hbm>> -> memref<1x40x128xi32, #tpu.memory_space<hbm>>
      %dma_start3A_29 = tpu.memref_squeeze %dma_start3A_28 : memref<1x40x128xi32, #tpu.memory_space<hbm>> -> memref<40x128xi32, #tpu.memory_space<hbm>>
      %dma_start3A_30 = arith.constant 40 : i32
      %dma_start3A_31 = arith.constant 0 : i32
      %dma_start3A_32 = tpu.memref_slice %arg3[%add3A, %dma_start3A_30, %dma_start3A_31] : memref<32x80x128xi32, #tpu.memory_space<hbm>> -> memref<1x40x128xi32, #tpu.memory_space<hbm>>
      %dma_start3A_33 = tpu.memref_squeeze %dma_start3A_32 : memref<1x40x128xi32, #tpu.memory_space<hbm>> -> memref<40x128xi32, #tpu.memory_space<hbm>>
      tpu.enqueue_dma source(%dma_start3A_33 : memref<40x128xi32, #tpu.memory_space<hbm>>) target(%arg7 : memref<40x128xi32, #tpu.memory_space<vmem>>) target_semaphore(%run_scoped3A : memref<!tpu.dma_semaphore, #tpu.memory_space<semaphore_mem>>)
      %dma_wait3A = arith.constant 40 : i32
      %dma_wait3A_34 = arith.constant 0 : i32
      %dma_wait3A_35 = tpu.memref_slice %arg3[%add3A, %dma_wait3A, %dma_wait3A_34] : memref<32x80x128xi32, #tpu.memory_space<hbm>> -> memref<1x40x128xi32, #tpu.memory_space<hbm>>
      %dma_wait3A_36 = tpu.memref_squeeze %dma_wait3A_35 : memref<1x40x128xi32, #tpu.memory_space<hbm>> -> memref<40x128xi32, #tpu.memory_space<hbm>>
      %dma_wait3A_37 = arith.constant 40 : i32
      %dma_wait3A_38 = arith.constant 0 : i32
      %dma_wait3A_39 = tpu.memref_slice %arg3[%add3A, %dma_wait3A_37, %dma_wait3A_38] : memref<32x80x128xi32, #tpu.memory_space<hbm>> -> memref<1x40x128xi32, #tpu.memory_space<hbm>>
      %dma_wait3A_40 = tpu.memref_squeeze %dma_wait3A_39 : memref<1x40x128xi32, #tpu.memory_space<hbm>> -> memref<40x128xi32, #tpu.memory_space<hbm>>
      tpu.wait_dma2 semaphore(%run_scoped3A : memref<!tpu.dma_semaphore, #tpu.memory_space<semaphore_mem>>) src(%dma_wait3A_40 : memref<40x128xi32, #tpu.memory_space<hbm>>) dst(%arg7 : memref<40x128xi32, #tpu.memory_space<vmem>>)
      tpu.yield
    }) : () -> ()
    "tpu.region"() ({
      %run_scoped3A = tpu.sem_alloc : memref<!tpu.dma_semaphore, #tpu.memory_space<semaphore_mem>>
      %dma_start3A_26 = arith.constant 40 : i32
      %dma_start3A_27 = arith.constant 0 : i32
      %dma_start3A_28 = tpu.memref_slice %arg4[%add3A, %dma_start3A_26, %dma_start3A_27] : memref<32x80x128xi32, #tpu.memory_space<hbm>> -> memref<1x40x128xi32, #tpu.memory_space<hbm>>
      %dma_start3A_29 = tpu.memref_squeeze %dma_start3A_28 : memref<1x40x128xi32, #tpu.memory_space<hbm>> -> memref<40x128xi32, #tpu.memory_space<hbm>>
      %dma_start3A_30 = arith.constant 40 : i32
      %dma_start3A_31 = arith.constant 0 : i32
      %dma_start3A_32 = tpu.memref_slice %arg4[%add3A, %dma_start3A_30, %dma_start3A_31] : memref<32x80x128xi32, #tpu.memory_space<hbm>> -> memref<1x40x128xi32, #tpu.memory_space<hbm>>
      %dma_start3A_33 = tpu.memref_squeeze %dma_start3A_32 : memref<1x40x128xi32, #tpu.memory_space<hbm>> -> memref<40x128xi32, #tpu.memory_space<hbm>>
      tpu.enqueue_dma source(%dma_start3A_33 : memref<40x128xi32, #tpu.memory_space<hbm>>) target(%arg8 : memref<40x128xi32, #tpu.memory_space<vmem>>) target_semaphore(%run_scoped3A : memref<!tpu.dma_semaphore, #tpu.memory_space<semaphore_mem>>)
      %dma_wait3A = arith.constant 40 : i32
      %dma_wait3A_34 = arith.constant 0 : i32
      %dma_wait3A_35 = tpu.memref_slice %arg4[%add3A, %dma_wait3A, %dma_wait3A_34] : memref<32x80x128xi32, #tpu.memory_space<hbm>> -> memref<1x40x128xi32, #tpu.memory_space<hbm>>
      %dma_wait3A_36 = tpu.memref_squeeze %dma_wait3A_35 : memref<1x40x128xi32, #tpu.memory_space<hbm>> -> memref<40x128xi32, #tpu.memory_space<hbm>>
      %dma_wait3A_37 = arith.constant 40 : i32
      %dma_wait3A_38 = arith.constant 0 : i32
      %dma_wait3A_39 = tpu.memref_slice %arg4[%add3A, %dma_wait3A_37, %dma_wait3A_38] : memref<32x80x128xi32, #tpu.memory_space<hbm>> -> memref<1x40x128xi32, #tpu.memory_space<hbm>>
      %dma_wait3A_40 = tpu.memref_squeeze %dma_wait3A_39 : memref<1x40x128xi32, #tpu.memory_space<hbm>> -> memref<40x128xi32, #tpu.memory_space<hbm>>
      tpu.wait_dma2 semaphore(%run_scoped3A : memref<!tpu.dma_semaphore, #tpu.memory_space<semaphore_mem>>) src(%dma_wait3A_40 : memref<40x128xi32, #tpu.memory_space<hbm>>) dst(%arg8 : memref<40x128xi32, #tpu.memory_space<vmem>>)
      tpu.yield
    }) : () -> ()
    %dma_start3A_13 = arith.constant 0 : i32
    %dma_start3A_14 = arith.constant 0 : i32
    %dma_start3A_15 = tpu.memref_slice %arg7[%dma_start3A_13, %dma_start3A_14] : memref<40x128xi32, #tpu.memory_space<vmem>> -> memref<1x128xi32, #tpu.memory_space<vmem>>
    %dma_start3A_16 = tpu.memref_squeeze %dma_start3A_15 : memref<1x128xi32, #tpu.memory_space<vmem>> -> memref<128xi32, #tpu.memory_space<vmem>>
    %dma_start3A_17 = arith.constant 0 : i32
    %dma_start3A_18 = arith.constant 0 : i32
    %dma_start3A_19 = tpu.memref_slice %arg2[%dma_start3A_17, %dma_start3A_18] : memref<10000x128xf32, #tpu.memory_space<hbm>> -> memref<10000x128xf32, #tpu.memory_space<hbm>>
    tpu.enqueue_indirect_dma source(%dma_start3A_19 : memref<10000x128xf32, #tpu.memory_space<hbm>>) target(%arg9 : memref<128x128xf32, #tpu.memory_space<vmem>>) offsets(%dma_start3A_16 : memref<128xi32, #tpu.memory_space<vmem>>) semaphore(%arg12 : memref<!tpu.dma_semaphore, #tpu.memory_space<semaphore_mem>>)
    %scan3A_20 = arith.constant 0 : i32
    %scan3A_21 = arith.constant 20 : i32
    %scan3A_22 = arith.addi %scan3A_20, %scan3A_21 : i32
    %scan3A_23 = arith.constant 1 : i32
    scf.for %scan3A_26 = %scan3A_20 to %scan3A_22 step %scan3A_23  : i32 {
      %mul3A_27 = arith.constant 2 : i32
      %mul3A_28 = arith.muli %scan3A_26, %mul3A_27 : i32
      %add3A_29 = arith.constant 0 : i32
      %add3A_30 = arith.addi %add3A_29, %mul3A_28 : i32
      %add3A_31 = arith.constant 1 : i32
      %add3A_32 = arith.addi %add3A_30, %add3A_31 : i32
      %dma_start3A_33 = arith.constant 0 : i32
      %dma_start3A_34 = tpu.memref_slice %arg7[%add3A_32, %dma_start3A_33] : memref<40x128xi32, #tpu.memory_space<vmem>> -> memref<1x128xi32, #tpu.memory_space<vmem>>
      %dma_start3A_35 = tpu.memref_squeeze %dma_start3A_34 : memref<1x128xi32, #tpu.memory_space<vmem>> -> memref<128xi32, #tpu.memory_space<vmem>>
      %dma_start3A_36 = arith.constant 0 : i32
      %dma_start3A_37 = arith.constant 0 : i32
      %dma_start3A_38 = tpu.memref_slice %arg2[%dma_start3A_36, %dma_start3A_37] : memref<10000x128xf32, #tpu.memory_space<hbm>> -> memref<10000x128xf32, #tpu.memory_space<hbm>>
      tpu.enqueue_indirect_dma source(%dma_start3A_38 : memref<10000x128xf32, #tpu.memory_space<hbm>>) target(%arg10 : memref<128x128xf32, #tpu.memory_space<vmem>>) offsets(%dma_start3A_35 : memref<128xi32, #tpu.memory_space<vmem>>) semaphore(%arg13 : memref<!tpu.dma_semaphore, #tpu.memory_space<semaphore_mem>>)
      %dma_wait3A = arith.constant 0 : i32
      %dma_wait3A_39 = tpu.memref_slice %arg7[%add3A_30, %dma_wait3A] : memref<40x128xi32, #tpu.memory_space<vmem>> -> memref<1x128xi32, #tpu.memory_space<vmem>>
      %dma_wait3A_40 = tpu.memref_squeeze %dma_wait3A_39 : memref<1x128xi32, #tpu.memory_space<vmem>> -> memref<128xi32, #tpu.memory_space<vmem>>
      %dma_wait3A_41 = arith.constant 0 : i32
      %dma_wait3A_42 = arith.constant 0 : i32
      %dma_wait3A_43 = tpu.memref_slice %arg2[%dma_wait3A_41, %dma_wait3A_42] : memref<10000x128xf32, #tpu.memory_space<hbm>> -> memref<10000x128xf32, #tpu.memory_space<hbm>>
      tpu.wait_indirect_dma semaphore(%arg12 : memref<!tpu.dma_semaphore, #tpu.memory_space<semaphore_mem>>) src(%dma_wait3A_43 : memref<10000x128xf32, #tpu.memory_space<hbm>>) dst(%arg9 : memref<128x128xf32, #tpu.memory_space<vmem>>)
      "tpu.region"() ({
        %run_scoped3A = tpu.sem_alloc : memref<!tpu.dma_semaphore, #tpu.memory_space<semaphore_mem>>
        %dma_start3A_58 = arith.constant 0 : i32
        %dma_start3A_59 = tpu.memref_slice %arg8[%add3A_30, %dma_start3A_58] : memref<40x128xi32, #tpu.memory_space<vmem>> -> memref<1x128xi32, #tpu.memory_space<vmem>>
        %dma_start3A_60 = tpu.memref_squeeze %dma_start3A_59 : memref<1x128xi32, #tpu.memory_space<vmem>> -> memref<128xi32, #tpu.memory_space<vmem>>
        %dma_start3A_61 = arith.constant 0 : i32
        %dma_start3A_62 = arith.constant 0 : i32
        %dma_start3A_63 = tpu.memref_slice %arg11[%dma_start3A_61, %dma_start3A_62] : memref<10240x128xf32, #tpu.memory_space<vmem_shared>> -> memref<10240x128xf32, #tpu.memory_space<vmem_shared>>
        tpu.enqueue_indirect_dma source(%arg9 : memref<128x128xf32, #tpu.memory_space<vmem>>) target(%dma_start3A_63 : memref<10240x128xf32, #tpu.memory_space<vmem_shared>>) offsets(%dma_start3A_60 : memref<128xi32, #tpu.memory_space<vmem>>) semaphore(%run_scoped3A : memref<!tpu.dma_semaphore, #tpu.memory_space<semaphore_mem>>) {add = true}
        %dma_wait3A_64 = arith.constant 0 : i32
        %dma_wait3A_65 = tpu.memref_slice %arg8[%add3A_30, %dma_wait3A_64] : memref<40x128xi32, #tpu.memory_space<vmem>> -> memref<1x128xi32, #tpu.memory_space<vmem>>
        %dma_wait3A_66 = tpu.memref_squeeze %dma_wait3A_65 : memref<1x128xi32, #tpu.memory_space<vmem>> -> memref<128xi32, #tpu.memory_space<vmem>>
        %dma_wait3A_67 = arith.constant 0 : i32
        %dma_wait3A_68 = arith.constant 0 : i32
        %dma_wait3A_69 = tpu.memref_slice %arg11[%dma_wait3A_67, %dma_wait3A_68] : memref<10240x128xf32, #tpu.memory_space<vmem_shared>> -> memref<10240x128xf32, #tpu.memory_space<vmem_shared>>
        tpu.wait_indirect_dma semaphore(%run_scoped3A : memref<!tpu.dma_semaphore, #tpu.memory_space<semaphore_mem>>) src(%arg9 : memref<128x128xf32, #tpu.memory_space<vmem>>) dst(%dma_wait3A_69 : memref<10240x128xf32, #tpu.memory_space<vmem_shared>>)
        tpu.yield
      }) : () -> ()
      %add3A_44 = arith.constant 2 : i32
      %add3A_45 = arith.addi %add3A_30, %add3A_44 : i32
      %lt3A = arith.constant 40 : i32
      %lt3A_46 = arith.cmpi slt, %add3A_45, %lt3A : i32
      %convert_element_type3A = arith.extui %lt3A_46 : i1 to i32
      %cond3A = arith.constant 0 : i32
      %cond3A_47 = arith.cmpi ne, %convert_element_type3A, %cond3A : i32
      scf.if %cond3A_47 {
        %add3A_58 = arith.constant 2 : i32
        %add3A_59 = arith.addi %add3A_30, %add3A_58 : i32
        %dma_start3A_60 = arith.constant 0 : i32
        %dma_start3A_61 = tpu.memref_slice %arg7[%add3A_59, %dma_start3A_60] : memref<40x128xi32, #tpu.memory_space<vmem>> -> memref<1x128xi32, #tpu.memory_space<vmem>>
        %dma_start3A_62 = tpu.memref_squeeze %dma_start3A_61 : memref<1x128xi32, #tpu.memory_space<vmem>> -> memref<128xi32, #tpu.memory_space<vmem>>
        %dma_start3A_63 = arith.constant 0 : i32
        %dma_start3A_64 = arith.constant 0 : i32
        %dma_start3A_65 = tpu.memref_slice %arg2[%dma_start3A_63, %dma_start3A_64] : memref<10000x128xf32, #tpu.memory_space<hbm>> -> memref<10000x128xf32, #tpu.memory_space<hbm>>
        tpu.enqueue_indirect_dma source(%dma_start3A_65 : memref<10000x128xf32, #tpu.memory_space<hbm>>) target(%arg9 : memref<128x128xf32, #tpu.memory_space<vmem>>) offsets(%dma_start3A_62 : memref<128xi32, #tpu.memory_space<vmem>>) semaphore(%arg12 : memref<!tpu.dma_semaphore, #tpu.memory_space<semaphore_mem>>)
      } else {
      }
      %add3A_48 = arith.constant 1 : i32
      %add3A_49 = arith.addi %add3A_30, %add3A_48 : i32
      %dma_wait3A_50 = arith.constant 0 : i32
      %dma_wait3A_51 = tpu.memref_slice %arg7[%add3A_49, %dma_wait3A_50] : memref<40x128xi32, #tpu.memory_space<vmem>> -> memref<1x128xi32, #tpu.memory_space<vmem>>
      %dma_wait3A_52 = tpu.memref_squeeze %dma_wait3A_51 : memref<1x128xi32, #tpu.memory_space<vmem>> -> memref<128xi32, #tpu.memory_space<vmem>>
      %dma_wait3A_53 = arith.constant 0 : i32
      %dma_wait3A_54 = arith.constant 0 : i32
      %dma_wait3A_55 = tpu.memref_slice %arg2[%dma_wait3A_53, %dma_wait3A_54] : memref<10000x128xf32, #tpu.memory_space<hbm>> -> memref<10000x128xf32, #tpu.memory_space<hbm>>
      tpu.wait_indirect_dma semaphore(%arg13 : memref<!tpu.dma_semaphore, #tpu.memory_space<semaphore_mem>>) src(%dma_wait3A_55 : memref<10000x128xf32, #tpu.memory_space<hbm>>) dst(%arg10 : memref<128x128xf32, #tpu.memory_space<vmem>>)
      %add3A_56 = arith.constant 1 : i32
      %add3A_57 = arith.addi %add3A_30, %add3A_56 : i32
      "tpu.region"() ({
        %run_scoped3A = tpu.sem_alloc : memref<!tpu.dma_semaphore, #tpu.memory_space<semaphore_mem>>
        %dma_start3A_58 = arith.constant 0 : i32
        %dma_start3A_59 = tpu.memref_slice %arg8[%add3A_57, %dma_start3A_58] : memref<40x128xi32, #tpu.memory_space<vmem>> -> memref<1x128xi32, #tpu.memory_space<vmem>>
        %dma_start3A_60 = tpu.memref_squeeze %dma_start3A_59 : memref<1x128xi32, #tpu.memory_space<vmem>> -> memref<128xi32, #tpu.memory_space<vmem>>
        %dma_start3A_61 = arith.constant 0 : i32
        %dma_start3A_62 = arith.constant 0 : i32
        %dma_start3A_63 = tpu.memref_slice %arg11[%dma_start3A_61, %dma_start3A_62] : memref<10240x128xf32, #tpu.memory_space<vmem_shared>> -> memref<10240x128xf32, #tpu.memory_space<vmem_shared>>
        tpu.enqueue_indirect_dma source(%arg10 : memref<128x128xf32, #tpu.memory_space<vmem>>) target(%dma_start3A_63 : memref<10240x128xf32, #tpu.memory_space<vmem_shared>>) offsets(%dma_start3A_60 : memref<128xi32, #tpu.memory_space<vmem>>) semaphore(%run_scoped3A : memref<!tpu.dma_semaphore, #tpu.memory_space<semaphore_mem>>) {add = true}
        %dma_wait3A_64 = arith.constant 0 : i32
        %dma_wait3A_65 = tpu.memref_slice %arg8[%add3A_57, %dma_wait3A_64] : memref<40x128xi32, #tpu.memory_space<vmem>> -> memref<1x128xi32, #tpu.memory_space<vmem>>
        %dma_wait3A_66 = tpu.memref_squeeze %dma_wait3A_65 : memref<1x128xi32, #tpu.memory_space<vmem>> -> memref<128xi32, #tpu.memory_space<vmem>>
        %dma_wait3A_67 = arith.constant 0 : i32
        %dma_wait3A_68 = arith.constant 0 : i32
        %dma_wait3A_69 = tpu.memref_slice %arg11[%dma_wait3A_67, %dma_wait3A_68] : memref<10240x128xf32, #tpu.memory_space<vmem_shared>> -> memref<10240x128xf32, #tpu.memory_space<vmem_shared>>
        tpu.wait_indirect_dma semaphore(%run_scoped3A : memref<!tpu.dma_semaphore, #tpu.memory_space<semaphore_mem>>) src(%arg10 : memref<128x128xf32, #tpu.memory_space<vmem>>) dst(%dma_wait3A_69 : memref<10240x128xf32, #tpu.memory_space<vmem_shared>>)
        tpu.yield
      }) : () -> ()
    }
    %scan3A_24 = arith.constant 20 : i32
    %barrier3A_25 = arith.constant 0 : index
    tpu.barrier barrier_id(%barrier3A_25)
    "tpu.region"() ({
      %run_scoped3A = tpu.sem_alloc : memref<!tpu.dma_semaphore, #tpu.memory_space<semaphore_mem>>
      %dma_start3A_26 = arith.constant 0 : i32
      %dma_start3A_27 = tpu.memref_slice %arg6[%arg0, %mul3A_2, %dma_start3A_26] : memref<2x10240x128xf32, #tpu.memory_space<hbm>> -> memref<1x640x128xf32, #tpu.memory_space<hbm>>
      %dma_start3A_28 = tpu.memref_squeeze %dma_start3A_27 : memref<1x640x128xf32, #tpu.memory_space<hbm>> -> memref<640x128xf32, #tpu.memory_space<hbm>>
      %dma_start3A_29 = arith.constant 0 : i32
      %dma_start3A_30 = tpu.memref_slice %arg11[%mul3A_2, %dma_start3A_29] : memref<10240x128xf32, #tpu.memory_space<vmem_shared>> -> memref<640x128xf32, #tpu.memory_space<vmem_shared>>
      tpu.enqueue_dma source(%dma_start3A_30 : memref<640x128xf32, #tpu.memory_space<vmem_shared>>) target(%dma_start3A_28 : memref<640x128xf32, #tpu.memory_space<hbm>>) target_semaphore(%run_scoped3A : memref<!tpu.dma_semaphore, #tpu.memory_space<semaphore_mem>>)
      %dma_wait3A = arith.constant 0 : i32
      %dma_wait3A_31 = tpu.memref_slice %arg6[%arg0, %mul3A_2, %dma_wait3A] : memref<2x10240x128xf32, #tpu.memory_space<hbm>> -> memref<1x640x128xf32, #tpu.memory_space<hbm>>
      %dma_wait3A_32 = tpu.memref_squeeze %dma_wait3A_31 : memref<1x640x128xf32, #tpu.memory_space<hbm>> -> memref<640x128xf32, #tpu.memory_space<hbm>>
      %dma_wait3A_33 = arith.constant 0 : i32
      %dma_wait3A_34 = tpu.memref_slice %arg11[%mul3A_2, %dma_wait3A_33] : memref<10240x128xf32, #tpu.memory_space<vmem_shared>> -> memref<640x128xf32, #tpu.memory_space<vmem_shared>>
      tpu.wait_dma2 semaphore(%run_scoped3A : memref<!tpu.dma_semaphore, #tpu.memory_space<semaphore_mem>>) src(%dma_wait3A_34 : memref<640x128xf32, #tpu.memory_space<vmem_shared>>) dst(%dma_wait3A_32 : memref<640x128xf32, #tpu.memory_space<hbm>>)
      tpu.yield
    }) : () -> ()
    return
  }
}

#map = affine_map<(d0, d1) -> (0, 0)>
#map1 = affine_map<(d0, d1) -> (0, 0, 0)>
module attributes {stable_mosaic.version = 14 : i64} {
  func.func @_sc_scatter(%arg0: i32, %arg1: i32, %arg2: memref<10000x128xf32, #tpu.memory_space<hbm>>, %arg3: memref<32x80x128xi32, #tpu.memory_space<hbm>>, %arg4: memref<32x80x128xi32, #tpu.memory_space<hbm>>, %arg5: memref<10240x128xf32, #tpu.memory_space<hbm>>, %arg6: memref<2x10240x128xf32, #tpu.memory_space<hbm>>, %arg7: memref<40x128xi32, #tpu.memory_space<vmem>>, %arg8: memref<40x128xi32, #tpu.memory_space<vmem>>, %arg9: memref<128x128xf32, #tpu.memory_space<vmem>>, %arg10: memref<128x128xf32, #tpu.memory_space<vmem>>, %arg11: memref<10240x128xf32, #tpu.memory_space<vmem_shared>>, %arg12: memref<!tpu.dma_semaphore, #tpu.memory_space<semaphore_mem>>, %arg13: memref<!tpu.dma_semaphore, #tpu.memory_space<semaphore_mem>>) attributes {dimension_semantics = [#tpu.dimension_semantics<core_parallel>, #tpu.dimension_semantics<subcore_parallel>], iteration_bounds = array<i64: 2, 16>, scalar_prefetch = 0 : i64, scratch_operands = 7 : i64, tpu.core_type = #tpu.core_type<sc_vector_subcore>, window_params = [{transform_indices = #map}, {transform_indices = #map1}, {transform_indices = #map1}, {transform_indices = #map}, {transform_indices = #map1}]} {
    %mul3A = arith.constant 16 : i32
    %mul3A_0 = arith.muli %arg0, %mul3A : i32
    %add3A = arith.addi %mul3A_0, %arg1 : i32
    %mul3A_1 = arith.constant 640 : i32
    %mul3A_2 = arith.muli %arg1, %mul3A_1 : i32
    "tpu.region"() ({
      %run_scoped3A = tpu.sem_alloc : memref<!tpu.dma_semaphore, #tpu.memory_space<semaphore_mem>>
      %dma_start3A_26 = arith.constant 0 : i32
      %dma_start3A_27 = tpu.memref_slice %arg11[%mul3A_2, %dma_start3A_26] : memref<10240x128xf32, #tpu.memory_space<vmem_shared>> -> memref<640x128xf32, #tpu.memory_space<vmem_shared>>
      %dma_start3A_28 = arith.constant 0 : i32
      %dma_start3A_29 = tpu.memref_slice %arg5[%mul3A_2, %dma_start3A_28] : memref<10240x128xf32, #tpu.memory_space<hbm>> -> memref<640x128xf32, #tpu.memory_space<hbm>>
      tpu.enqueue_dma source(%dma_start3A_29 : memref<640x128xf32, #tpu.memory_space<hbm>>) target(%dma_start3A_27 : memref<640x128xf32, #tpu.memory_space<vmem_shared>>) target_semaphore(%run_scoped3A : memref<!tpu.dma_semaphore, #tpu.memory_space<semaphore_mem>>)
      %dma_wait3A = arith.constant 0 : i32
      %dma_wait3A_30 = tpu.memref_slice %arg11[%mul3A_2, %dma_wait3A] : memref<10240x128xf32, #tpu.memory_space<vmem_shared>> -> memref<640x128xf32, #tpu.memory_space<vmem_shared>>
      %dma_wait3A_31 = arith.constant 0 : i32
      %dma_wait3A_32 = tpu.memref_slice %arg5[%mul3A_2, %dma_wait3A_31] : memref<10240x128xf32, #tpu.memory_space<hbm>> -> memref<640x128xf32, #tpu.memory_space<hbm>>
      tpu.wait_dma2 semaphore(%run_scoped3A : memref<!tpu.dma_semaphore, #tpu.memory_space<semaphore_mem>>) src(%dma_wait3A_32 : memref<640x128xf32, #tpu.memory_space<hbm>>) dst(%dma_wait3A_30 : memref<640x128xf32, #tpu.memory_space<vmem_shared>>)
      tpu.yield
    }) : () -> ()
    %barrier3A = arith.constant 0 : index
    tpu.barrier barrier_id(%barrier3A)
    "tpu.region"() ({
      %run_scoped3A = tpu.sem_alloc : memref<!tpu.dma_semaphore, #tpu.memory_space<semaphore_mem>>
      %dma_start3A_26 = arith.constant 0 : i32
      %dma_start3A_27 = arith.constant 0 : i32
      %dma_start3A_28 = tpu.memref_slice %arg3[%add3A, %dma_start3A_26, %dma_start3A_27] : memref<32x80x128xi32, #tpu.memory_space<hbm>> -> memref<1x40x128xi32, #tpu.memory_space<hbm>>
      %dma_start3A_29 = tpu.memref_squeeze %dma_start3A_28 : memref<1x40x128xi32, #tpu.memory_space<hbm>> -> memref<40x128xi32, #tpu.memory_space<hbm>>
      %dma_start3A_30 = arith.constant 0 : i32
      %dma_start3A_31 = arith.constant 0 : i32
      %dma_start3A_32 = tpu.memref_slice %arg3[%add3A, %dma_start3A_30, %dma_start3A_31] : memref<32x80x128xi32, #tpu.memory_space<hbm>> -> memref<1x40x128xi32, #tpu.memory_space<hbm>>
      %dma_start3A_33 = tpu.memref_squeeze %dma_start3A_32 : memref<1x40x128xi32, #tpu.memory_space<hbm>> -> memref<40x128xi32, #tpu.memory_space<hbm>>
      tpu.enqueue_dma source(%dma_start3A_33 : memref<40x128xi32, #tpu.memory_space<hbm>>) target(%arg7 : memref<40x128xi32, #tpu.memory_space<vmem>>) target_semaphore(%run_scoped3A : memref<!tpu.dma_semaphore, #tpu.memory_space<semaphore_mem>>)
      %dma_wait3A = arith.constant 0 : i32
      %dma_wait3A_34 = arith.constant 0 : i32
      %dma_wait3A_35 = tpu.memref_slice %arg3[%add3A, %dma_wait3A, %dma_wait3A_34] : memref<32x80x128xi32, #tpu.memory_space<hbm>> -> memref<1x40x128xi32, #tpu.memory_space<hbm>>
      %dma_wait3A_36 = tpu.memref_squeeze %dma_wait3A_35 : memref<1x40x128xi32, #tpu.memory_space<hbm>> -> memref<40x128xi32, #tpu.memory_space<hbm>>
      %dma_wait3A_37 = arith.constant 0 : i32
      %dma_wait3A_38 = arith.constant 0 : i32
      %dma_wait3A_39 = tpu.memref_slice %arg3[%add3A, %dma_wait3A_37, %dma_wait3A_38] : memref<32x80x128xi32, #tpu.memory_space<hbm>> -> memref<1x40x128xi32, #tpu.memory_space<hbm>>
      %dma_wait3A_40 = tpu.memref_squeeze %dma_wait3A_39 : memref<1x40x128xi32, #tpu.memory_space<hbm>> -> memref<40x128xi32, #tpu.memory_space<hbm>>
      tpu.wait_dma2 semaphore(%run_scoped3A : memref<!tpu.dma_semaphore, #tpu.memory_space<semaphore_mem>>) src(%dma_wait3A_40 : memref<40x128xi32, #tpu.memory_space<hbm>>) dst(%arg7 : memref<40x128xi32, #tpu.memory_space<vmem>>)
      tpu.yield
    }) : () -> ()
    "tpu.region"() ({
      %run_scoped3A = tpu.sem_alloc : memref<!tpu.dma_semaphore, #tpu.memory_space<semaphore_mem>>
      %dma_start3A_26 = arith.constant 0 : i32
      %dma_start3A_27 = arith.constant 0 : i32
      %dma_start3A_28 = tpu.memref_slice %arg4[%add3A, %dma_start3A_26, %dma_start3A_27] : memref<32x80x128xi32, #tpu.memory_space<hbm>> -> memref<1x40x128xi32, #tpu.memory_space<hbm>>
      %dma_start3A_29 = tpu.memref_squeeze %dma_start3A_28 : memref<1x40x128xi32, #tpu.memory_space<hbm>> -> memref<40x128xi32, #tpu.memory_space<hbm>>
      %dma_start3A_30 = arith.constant 0 : i32
      %dma_start3A_31 = arith.constant 0 : i32
      %dma_start3A_32 = tpu.memref_slice %arg4[%add3A, %dma_start3A_30, %dma_start3A_31] : memref<32x80x128xi32, #tpu.memory_space<hbm>> -> memref<1x40x128xi32, #tpu.memory_space<hbm>>
      %dma_start3A_33 = tpu.memref_squeeze %dma_start3A_32 : memref<1x40x128xi32, #tpu.memory_space<hbm>> -> memref<40x128xi32, #tpu.memory_space<hbm>>
      tpu.enqueue_dma source(%dma_start3A_33 : memref<40x128xi32, #tpu.memory_space<hbm>>) target(%arg8 : memref<40x128xi32, #tpu.memory_space<vmem>>) target_semaphore(%run_scoped3A : memref<!tpu.dma_semaphore, #tpu.memory_space<semaphore_mem>>)
      %dma_wait3A = arith.constant 0 : i32
      %dma_wait3A_34 = arith.constant 0 : i32
      %dma_wait3A_35 = tpu.memref_slice %arg4[%add3A, %dma_wait3A, %dma_wait3A_34] : memref<32x80x128xi32, #tpu.memory_space<hbm>> -> memref<1x40x128xi32, #tpu.memory_space<hbm>>
      %dma_wait3A_36 = tpu.memref_squeeze %dma_wait3A_35 : memref<1x40x128xi32, #tpu.memory_space<hbm>> -> memref<40x128xi32, #tpu.memory_space<hbm>>
      %dma_wait3A_37 = arith.constant 0 : i32
      %dma_wait3A_38 = arith.constant 0 : i32
      %dma_wait3A_39 = tpu.memref_slice %arg4[%add3A, %dma_wait3A_37, %dma_wait3A_38] : memref<32x80x128xi32, #tpu.memory_space<hbm>> -> memref<1x40x128xi32, #tpu.memory_space<hbm>>
      %dma_wait3A_40 = tpu.memref_squeeze %dma_wait3A_39 : memref<1x40x128xi32, #tpu.memory_space<hbm>> -> memref<40x128xi32, #tpu.memory_space<hbm>>
      tpu.wait_dma2 semaphore(%run_scoped3A : memref<!tpu.dma_semaphore, #tpu.memory_space<semaphore_mem>>) src(%dma_wait3A_40 : memref<40x128xi32, #tpu.memory_space<hbm>>) dst(%arg8 : memref<40x128xi32, #tpu.memory_space<vmem>>)
      tpu.yield
    }) : () -> ()
    %dma_start3A = arith.constant 0 : i32
    %dma_start3A_3 = arith.constant 0 : i32
    %dma_start3A_4 = tpu.memref_slice %arg7[%dma_start3A, %dma_start3A_3] : memref<40x128xi32, #tpu.memory_space<vmem>> -> memref<1x128xi32, #tpu.memory_space<vmem>>
    %dma_start3A_5 = tpu.memref_squeeze %dma_start3A_4 : memref<1x128xi32, #tpu.memory_space<vmem>> -> memref<128xi32, #tpu.memory_space<vmem>>
    %dma_start3A_6 = arith.constant 0 : i32
    %dma_start3A_7 = arith.constant 0 : i32
    %dma_start3A_8 = tpu.memref_slice %arg2[%dma_start3A_6, %dma_start3A_7] : memref<10000x128xf32, #tpu.memory_space<hbm>> -> memref<10000x128xf32, #tpu.memory_space<hbm>>
    tpu.enqueue_indirect_dma source(%dma_start3A_8 : memref<10000x128xf32, #tpu.memory_space<hbm>>) target(%arg9 : memref<128x128xf32, #tpu.memory_space<vmem>>) offsets(%dma_start3A_5 : memref<128xi32, #tpu.memory_space<vmem>>) semaphore(%arg12 : memref<!tpu.dma_semaphore, #tpu.memory_space<semaphore_mem>>)
    %scan3A = arith.constant 0 : i32
    %scan3A_9 = arith.constant 20 : i32
    %scan3A_10 = arith.addi %scan3A, %scan3A_9 : i32
    %scan3A_11 = arith.constant 1 : i32
    scf.for %scan3A_26 = %scan3A to %scan3A_10 step %scan3A_11  : i32 {
      %mul3A_27 = arith.constant 2 : i32
      %mul3A_28 = arith.muli %scan3A_26, %mul3A_27 : i32
      %add3A_29 = arith.constant 0 : i32
      %add3A_30 = arith.addi %add3A_29, %mul3A_28 : i32
      %add3A_31 = arith.constant 1 : i32
      %add3A_32 = arith.addi %add3A_30, %add3A_31 : i32
      %dma_start3A_33 = arith.constant 0 : i32
      %dma_start3A_34 = tpu.memref_slice %arg7[%add3A_32, %dma_start3A_33] : memref<40x128xi32, #tpu.memory_space<vmem>> -> memref<1x128xi32, #tpu.memory_space<vmem>>
      %dma_start3A_35 = tpu.memref_squeeze %dma_start3A_34 : memref<1x128xi32, #tpu.memory_space<vmem>> -> memref<128xi32, #tpu.memory_space<vmem>>
      %dma_start3A_36 = arith.constant 0 : i32
      %dma_start3A_37 = arith.constant 0 : i32
      %dma_start3A_38 = tpu.memref_slice %arg2[%dma_start3A_36, %dma_start3A_37] : memref<10000x128xf32, #tpu.memory_space<hbm>> -> memref<10000x128xf32, #tpu.memory_space<hbm>>
      tpu.enqueue_indirect_dma source(%dma_start3A_38 : memref<10000x128xf32, #tpu.memory_space<hbm>>) target(%arg10 : memref<128x128xf32, #tpu.memory_space<vmem>>) offsets(%dma_start3A_35 : memref<128xi32, #tpu.memory_space<vmem>>) semaphore(%arg13 : memref<!tpu.dma_semaphore, #tpu.memory_space<semaphore_mem>>)
      %dma_wait3A = arith.constant 0 : i32
      %dma_wait3A_39 = tpu.memref_slice %arg7[%add3A_30, %dma_wait3A] : memref<40x128xi32, #tpu.memory_space<vmem>> -> memref<1x128xi32, #tpu.memory_space<vmem>>
      %dma_wait3A_40 = tpu.memref_squeeze %dma_wait3A_39 : memref<1x128xi32, #tpu.memory_space<vmem>> -> memref<128xi32, #tpu.memory_space<vmem>>
      %dma_wait3A_41 = arith.constant 0 : i32
      %dma_wait3A_42 = arith.constant 0 : i32
      %dma_wait3A_43 = tpu.memref_slice %arg2[%dma_wait3A_41, %dma_wait3A_42] : memref<10000x128xf32, #tpu.memory_space<hbm>> -> memref<10000x128xf32, #tpu.memory_space<hbm>>
      tpu.wait_indirect_dma semaphore(%arg12 : memref<!tpu.dma_semaphore, #tpu.memory_space<semaphore_mem>>) src(%dma_wait3A_43 : memref<10000x128xf32, #tpu.memory_space<hbm>>) dst(%arg9 : memref<128x128xf32, #tpu.memory_space<vmem>>)
      "tpu.region"() ({
        %run_scoped3A = tpu.sem_alloc : memref<!tpu.dma_semaphore, #tpu.memory_space<semaphore_mem>>
        %dma_start3A_58 = arith.constant 0 : i32
        %dma_start3A_59 = tpu.memref_slice %arg8[%add3A_30, %dma_start3A_58] : memref<40x128xi32, #tpu.memory_space<vmem>> -> memref<1x128xi32, #tpu.memory_space<vmem>>
        %dma_start3A_60 = tpu.memref_squeeze %dma_start3A_59 : memref<1x128xi32, #tpu.memory_space<vmem>> -> memref<128xi32, #tpu.memory_space<vmem>>
        %dma_start3A_61 = arith.constant 0 : i32
        %dma_start3A_62 = arith.constant 0 : i32
        %dma_start3A_63 = tpu.memref_slice %arg11[%dma_start3A_61, %dma_start3A_62] : memref<10240x128xf32, #tpu.memory_space<vmem_shared>> -> memref<10240x128xf32, #tpu.memory_space<vmem_shared>>
        tpu.enqueue_indirect_dma source(%arg9 : memref<128x128xf32, #tpu.memory_space<vmem>>) target(%dma_start3A_63 : memref<10240x128xf32, #tpu.memory_space<vmem_shared>>) offsets(%dma_start3A_60 : memref<128xi32, #tpu.memory_space<vmem>>) semaphore(%run_scoped3A : memref<!tpu.dma_semaphore, #tpu.memory_space<semaphore_mem>>) {add = true}
        %dma_wait3A_64 = arith.constant 0 : i32
        %dma_wait3A_65 = tpu.memref_slice %arg8[%add3A_30, %dma_wait3A_64] : memref<40x128xi32, #tpu.memory_space<vmem>> -> memref<1x128xi32, #tpu.memory_space<vmem>>
        %dma_wait3A_66 = tpu.memref_squeeze %dma_wait3A_65 : memref<1x128xi32, #tpu.memory_space<vmem>> -> memref<128xi32, #tpu.memory_space<vmem>>
        %dma_wait3A_67 = arith.constant 0 : i32
        %dma_wait3A_68 = arith.constant 0 : i32
        %dma_wait3A_69 = tpu.memref_slice %arg11[%dma_wait3A_67, %dma_wait3A_68] : memref<10240x128xf32, #tpu.memory_space<vmem_shared>> -> memref<10240x128xf32, #tpu.memory_space<vmem_shared>>
        tpu.wait_indirect_dma semaphore(%run_scoped3A : memref<!tpu.dma_semaphore, #tpu.memory_space<semaphore_mem>>) src(%arg9 : memref<128x128xf32, #tpu.memory_space<vmem>>) dst(%dma_wait3A_69 : memref<10240x128xf32, #tpu.memory_space<vmem_shared>>)
        tpu.yield
      }) : () -> ()
      %add3A_44 = arith.constant 2 : i32
      %add3A_45 = arith.addi %add3A_30, %add3A_44 : i32
      %lt3A = arith.constant 40 : i32
      %lt3A_46 = arith.cmpi slt, %add3A_45, %lt3A : i32
      %convert_element_type3A = arith.extui %lt3A_46 : i1 to i32
      %cond3A = arith.constant 0 : i32
      %cond3A_47 = arith.cmpi ne, %convert_element_type3A, %cond3A : i32
      scf.if %cond3A_47 {
        %add3A_58 = arith.constant 2 : i32
        %add3A_59 = arith.addi %add3A_30, %add3A_58 : i32
        %dma_start3A_60 = arith.constant 0 : i32
        %dma_start3A_61 = tpu.memref_slice %arg7[%add3A_59, %dma_start3A_60] : memref<40x128xi32, #tpu.memory_space<vmem>> -> memref<1x128xi32, #tpu.memory_space<vmem>>
        %dma_start3A_62 = tpu.memref_squeeze %dma_start3A_61 : memref<1x128xi32, #tpu.memory_space<vmem>> -> memref<128xi32, #tpu.memory_space<vmem>>
        %dma_start3A_63 = arith.constant 0 : i32
        %dma_start3A_64 = arith.constant 0 : i32
        %dma_start3A_65 = tpu.memref_slice %arg2[%dma_start3A_63, %dma_start3A_64] : memref<10000x128xf32, #tpu.memory_space<hbm>> -> memref<10000x128xf32, #tpu.memory_space<hbm>>
        tpu.enqueue_indirect_dma source(%dma_start3A_65 : memref<10000x128xf32, #tpu.memory_space<hbm>>) target(%arg9 : memref<128x128xf32, #tpu.memory_space<vmem>>) offsets(%dma_start3A_62 : memref<128xi32, #tpu.memory_space<vmem>>) semaphore(%arg12 : memref<!tpu.dma_semaphore, #tpu.memory_space<semaphore_mem>>)
      } else {
      }
      %add3A_48 = arith.constant 1 : i32
      %add3A_49 = arith.addi %add3A_30, %add3A_48 : i32
      %dma_wait3A_50 = arith.constant 0 : i32
      %dma_wait3A_51 = tpu.memref_slice %arg7[%add3A_49, %dma_wait3A_50] : memref<40x128xi32, #tpu.memory_space<vmem>> -> memref<1x128xi32, #tpu.memory_space<vmem>>
      %dma_wait3A_52 = tpu.memref_squeeze %dma_wait3A_51 : memref<1x128xi32, #tpu.memory_space<vmem>> -> memref<128xi32, #tpu.memory_space<vmem>>
      %dma_wait3A_53 = arith.constant 0 : i32
      %dma_wait3A_54 = arith.constant 0 : i32
      %dma_wait3A_55 = tpu.memref_slice %arg2[%dma_wait3A_53, %dma_wait3A_54] : memref<10000x128xf32, #tpu.memory_space<hbm>> -> memref<10000x128xf32, #tpu.memory_space<hbm>>
      tpu.wait_indirect_dma semaphore(%arg13 : memref<!tpu.dma_semaphore, #tpu.memory_space<semaphore_mem>>) src(%dma_wait3A_55 : memref<10000x128xf32, #tpu.memory_space<hbm>>) dst(%arg10 : memref<128x128xf32, #tpu.memory_space<vmem>>)
      %add3A_56 = arith.constant 1 : i32
      %add3A_57 = arith.addi %add3A_30, %add3A_56 : i32
      "tpu.region"() ({
        %run_scoped3A = tpu.sem_alloc : memref<!tpu.dma_semaphore, #tpu.memory_space<semaphore_mem>>
        %dma_start3A_58 = arith.constant 0 : i32
        %dma_start3A_59 = tpu.memref_slice %arg8[%add3A_57, %dma_start3A_58] : memref<40x128xi32, #tpu.memory_space<vmem>> -> memref<1x128xi32, #tpu.memory_space<vmem>>
        %dma_start3A_60 = tpu.memref_squeeze %dma_start3A_59 : memref<1x128xi32, #tpu.memory_space<vmem>> -> memref<128xi32, #tpu.memory_space<vmem>>
        %dma_start3A_61 = arith.constant 0 : i32
        %dma_start3A_62 = arith.constant 0 : i32
        %dma_start3A_63 = tpu.memref_slice %arg11[%dma_start3A_61, %dma_start3A_62] : memref<10240x128xf32, #tpu.memory_space<vmem_shared>> -> memref<10240x128xf32, #tpu.memory_space<vmem_shared>>
        tpu.enqueue_indirect_dma source(%arg10 : memref<128x128xf32, #tpu.memory_space<vmem>>) target(%dma_start3A_63 : memref<10240x128xf32, #tpu.memory_space<vmem_shared>>) offsets(%dma_start3A_60 : memref<128xi32, #tpu.memory_space<vmem>>) semaphore(%run_scoped3A : memref<!tpu.dma_semaphore, #tpu.memory_space<semaphore_mem>>) {add = true}
        %dma_wait3A_64 = arith.constant 0 : i32
        %dma_wait3A_65 = tpu.memref_slice %arg8[%add3A_57, %dma_wait3A_64] : memref<40x128xi32, #tpu.memory_space<vmem>> -> memref<1x128xi32, #tpu.memory_space<vmem>>
        %dma_wait3A_66 = tpu.memref_squeeze %dma_wait3A_65 : memref<1x128xi32, #tpu.memory_space<vmem>> -> memref<128xi32, #tpu.memory_space<vmem>>
        %dma_wait3A_67 = arith.constant 0 : i32
        %dma_wait3A_68 = arith.constant 0 : i32
        %dma_wait3A_69 = tpu.memref_slice %arg11[%dma_wait3A_67, %dma_wait3A_68] : memref<10240x128xf32, #tpu.memory_space<vmem_shared>> -> memref<10240x128xf32, #tpu.memory_space<vmem_shared>>
        tpu.wait_indirect_dma semaphore(%run_scoped3A : memref<!tpu.dma_semaphore, #tpu.memory_space<semaphore_mem>>) src(%arg10 : memref<128x128xf32, #tpu.memory_space<vmem>>) dst(%dma_wait3A_69 : memref<10240x128xf32, #tpu.memory_space<vmem_shared>>)
        tpu.yield
      }) : () -> ()
    }
    %scan3A_12 = arith.constant 20 : i32
    "tpu.region"() ({
      %run_scoped3A = tpu.sem_alloc : memref<!tpu.dma_semaphore, #tpu.memory_space<semaphore_mem>>
      %dma_start3A_26 = arith.constant 40 : i32
      %dma_start3A_27 = arith.constant 0 : i32
      %dma_start3A_28 = tpu.memref_slice %arg3[%add3A, %dma_start3A_26, %dma_start3A_27] : memref<32x80x128xi32, #tpu.memory_space<hbm>> -> memref<1x40x128xi32, #tpu.memory_space<hbm>>
      %dma_start3A_29 = tpu.memref_squeeze %dma_start3A_28 : memref<1x40x128xi32, #tpu.memory_space<hbm>> -> memref<40x128xi32, #tpu.memory_space<hbm>>
      %dma_start3A_30 = arith.constant 40 : i32
      %dma_start3A_31 = arith.constant 0 : i32
      %dma_start3A_32 = tpu.memref_slice %arg3[%add3A, %dma_start3A_30, %dma_start3A_31] : memref<32x80x128xi32, #tpu.memory_space<hbm>> -> memref<1x40x128xi32, #tpu.memory_space<hbm>>
      %dma_start3A_33 = tpu.memref_squeeze %dma_start3A_32 : memref<1x40x128xi32, #tpu.memory_space<hbm>> -> memref<40x128xi32, #tpu.memory_space<hbm>>
      tpu.enqueue_dma source(%dma_start3A_33 : memref<40x128xi32, #tpu.memory_space<hbm>>) target(%arg7 : memref<40x128xi32, #tpu.memory_space<vmem>>) target_semaphore(%run_scoped3A : memref<!tpu.dma_semaphore, #tpu.memory_space<semaphore_mem>>)
      %dma_wait3A = arith.constant 40 : i32
      %dma_wait3A_34 = arith.constant 0 : i32
      %dma_wait3A_35 = tpu.memref_slice %arg3[%add3A, %dma_wait3A, %dma_wait3A_34] : memref<32x80x128xi32, #tpu.memory_space<hbm>> -> memref<1x40x128xi32, #tpu.memory_space<hbm>>
      %dma_wait3A_36 = tpu.memref_squeeze %dma_wait3A_35 : memref<1x40x128xi32, #tpu.memory_space<hbm>> -> memref<40x128xi32, #tpu.memory_space<hbm>>
      %dma_wait3A_37 = arith.constant 40 : i32
      %dma_wait3A_38 = arith.constant 0 : i32
      %dma_wait3A_39 = tpu.memref_slice %arg3[%add3A, %dma_wait3A_37, %dma_wait3A_38] : memref<32x80x128xi32, #tpu.memory_space<hbm>> -> memref<1x40x128xi32, #tpu.memory_space<hbm>>
      %dma_wait3A_40 = tpu.memref_squeeze %dma_wait3A_39 : memref<1x40x128xi32, #tpu.memory_space<hbm>> -> memref<40x128xi32, #tpu.memory_space<hbm>>
      tpu.wait_dma2 semaphore(%run_scoped3A : memref<!tpu.dma_semaphore, #tpu.memory_space<semaphore_mem>>) src(%dma_wait3A_40 : memref<40x128xi32, #tpu.memory_space<hbm>>) dst(%arg7 : memref<40x128xi32, #tpu.memory_space<vmem>>)
      tpu.yield
    }) : () -> ()
    "tpu.region"() ({
      %run_scoped3A = tpu.sem_alloc : memref<!tpu.dma_semaphore, #tpu.memory_space<semaphore_mem>>
      %dma_start3A_26 = arith.constant 40 : i32
      %dma_start3A_27 = arith.constant 0 : i32
      %dma_start3A_28 = tpu.memref_slice %arg4[%add3A, %dma_start3A_26, %dma_start3A_27] : memref<32x80x128xi32, #tpu.memory_space<hbm>> -> memref<1x40x128xi32, #tpu.memory_space<hbm>>
      %dma_start3A_29 = tpu.memref_squeeze %dma_start3A_28 : memref<1x40x128xi32, #tpu.memory_space<hbm>> -> memref<40x128xi32, #tpu.memory_space<hbm>>
      %dma_start3A_30 = arith.constant 40 : i32
      %dma_start3A_31 = arith.constant 0 : i32
      %dma_start3A_32 = tpu.memref_slice %arg4[%add3A, %dma_start3A_30, %dma_start3A_31] : memref<32x80x128xi32, #tpu.memory_space<hbm>> -> memref<1x40x128xi32, #tpu.memory_space<hbm>>
      %dma_start3A_33 = tpu.memref_squeeze %dma_start3A_32 : memref<1x40x128xi32, #tpu.memory_space<hbm>> -> memref<40x128xi32, #tpu.memory_space<hbm>>
      tpu.enqueue_dma source(%dma_start3A_33 : memref<40x128xi32, #tpu.memory_space<hbm>>) target(%arg8 : memref<40x128xi32, #tpu.memory_space<vmem>>) target_semaphore(%run_scoped3A : memref<!tpu.dma_semaphore, #tpu.memory_space<semaphore_mem>>)
      %dma_wait3A = arith.constant 40 : i32
      %dma_wait3A_34 = arith.constant 0 : i32
      %dma_wait3A_35 = tpu.memref_slice %arg4[%add3A, %dma_wait3A, %dma_wait3A_34] : memref<32x80x128xi32, #tpu.memory_space<hbm>> -> memref<1x40x128xi32, #tpu.memory_space<hbm>>
      %dma_wait3A_36 = tpu.memref_squeeze %dma_wait3A_35 : memref<1x40x128xi32, #tpu.memory_space<hbm>> -> memref<40x128xi32, #tpu.memory_space<hbm>>
      %dma_wait3A_37 = arith.constant 40 : i32
      %dma_wait3A_38 = arith.constant 0 : i32
      %dma_wait3A_39 = tpu.memref_slice %arg4[%add3A, %dma_wait3A_37, %dma_wait3A_38] : memref<32x80x128xi32, #tpu.memory_space<hbm>> -> memref<1x40x128xi32, #tpu.memory_space<hbm>>
      %dma_wait3A_40 = tpu.memref_squeeze %dma_wait3A_39 : memref<1x40x128xi32, #tpu.memory_space<hbm>> -> memref<40x128xi32, #tpu.memory_space<hbm>>
      tpu.wait_dma2 semaphore(%run_scoped3A : memref<!tpu.dma_semaphore, #tpu.memory_space<semaphore_mem>>) src(%dma_wait3A_40 : memref<40x128xi32, #tpu.memory_space<hbm>>) dst(%arg8 : memref<40x128xi32, #tpu.memory_space<vmem>>)
      tpu.yield
    }) : () -> ()
    %dma_start3A_13 = arith.constant 0 : i32
    %dma_start3A_14 = arith.constant 0 : i32
    %dma_start3A_15 = tpu.memref_slice %arg7[%dma_start3A_13, %dma_start3A_14] : memref<40x128xi32, #tpu.memory_space<vmem>> -> memref<1x128xi32, #tpu.memory_space<vmem>>
    %dma_start3A_16 = tpu.memref_squeeze %dma_start3A_15 : memref<1x128xi32, #tpu.memory_space<vmem>> -> memref<128xi32, #tpu.memory_space<vmem>>
    %dma_start3A_17 = arith.constant 0 : i32
    %dma_start3A_18 = arith.constant 0 : i32
    %dma_start3A_19 = tpu.memref_slice %arg2[%dma_start3A_17, %dma_start3A_18] : memref<10000x128xf32, #tpu.memory_space<hbm>> -> memref<10000x128xf32, #tpu.memory_space<hbm>>
    tpu.enqueue_indirect_dma source(%dma_start3A_19 : memref<10000x128xf32, #tpu.memory_space<hbm>>) target(%arg9 : memref<128x128xf32, #tpu.memory_space<vmem>>) offsets(%dma_start3A_16 : memref<128xi32, #tpu.memory_space<vmem>>) semaphore(%arg12 : memref<!tpu.dma_semaphore, #tpu.memory_space<semaphore_mem>>)
    %scan3A_20 = arith.constant 0 : i32
    %scan3A_21 = arith.constant 20 : i32
    %scan3A_22 = arith.addi %scan3A_20, %scan3A_21 : i32
    %scan3A_23 = arith.constant 1 : i32
    scf.for %scan3A_26 = %scan3A_20 to %scan3A_22 step %scan3A_23  : i32 {
      %mul3A_27 = arith.constant 2 : i32
      %mul3A_28 = arith.muli %scan3A_26, %mul3A_27 : i32
      %add3A_29 = arith.constant 0 : i32
      %add3A_30 = arith.addi %add3A_29, %mul3A_28 : i32
      %add3A_31 = arith.constant 1 : i32
      %add3A_32 = arith.addi %add3A_30, %add3A_31 : i32
      %dma_start3A_33 = arith.constant 0 : i32
      %dma_start3A_34 = tpu.memref_slice %arg7[%add3A_32, %dma_start3A_33] : memref<40x128xi32, #tpu.memory_space<vmem>> -> memref<1x128xi32, #tpu.memory_space<vmem>>
      %dma_start3A_35 = tpu.memref_squeeze %dma_start3A_34 : memref<1x128xi32, #tpu.memory_space<vmem>> -> memref<128xi32, #tpu.memory_space<vmem>>
      %dma_start3A_36 = arith.constant 0 : i32
      %dma_start3A_37 = arith.constant 0 : i32
      %dma_start3A_38 = tpu.memref_slice %arg2[%dma_start3A_36, %dma_start3A_37] : memref<10000x128xf32, #tpu.memory_space<hbm>> -> memref<10000x128xf32, #tpu.memory_space<hbm>>
      tpu.enqueue_indirect_dma source(%dma_start3A_38 : memref<10000x128xf32, #tpu.memory_space<hbm>>) target(%arg10 : memref<128x128xf32, #tpu.memory_space<vmem>>) offsets(%dma_start3A_35 : memref<128xi32, #tpu.memory_space<vmem>>) semaphore(%arg13 : memref<!tpu.dma_semaphore, #tpu.memory_space<semaphore_mem>>)
      %dma_wait3A = arith.constant 0 : i32
      %dma_wait3A_39 = tpu.memref_slice %arg7[%add3A_30, %dma_wait3A] : memref<40x128xi32, #tpu.memory_space<vmem>> -> memref<1x128xi32, #tpu.memory_space<vmem>>
      %dma_wait3A_40 = tpu.memref_squeeze %dma_wait3A_39 : memref<1x128xi32, #tpu.memory_space<vmem>> -> memref<128xi32, #tpu.memory_space<vmem>>
      %dma_wait3A_41 = arith.constant 0 : i32
      %dma_wait3A_42 = arith.constant 0 : i32
      %dma_wait3A_43 = tpu.memref_slice %arg2[%dma_wait3A_41, %dma_wait3A_42] : memref<10000x128xf32, #tpu.memory_space<hbm>> -> memref<10000x128xf32, #tpu.memory_space<hbm>>
      tpu.wait_indirect_dma semaphore(%arg12 : memref<!tpu.dma_semaphore, #tpu.memory_space<semaphore_mem>>) src(%dma_wait3A_43 : memref<10000x128xf32, #tpu.memory_space<hbm>>) dst(%arg9 : memref<128x128xf32, #tpu.memory_space<vmem>>)
      "tpu.region"() ({
        %run_scoped3A = tpu.sem_alloc : memref<!tpu.dma_semaphore, #tpu.memory_space<semaphore_mem>>
        %dma_start3A_58 = arith.constant 0 : i32
        %dma_start3A_59 = tpu.memref_slice %arg8[%add3A_30, %dma_start3A_58] : memref<40x128xi32, #tpu.memory_space<vmem>> -> memref<1x128xi32, #tpu.memory_space<vmem>>
        %dma_start3A_60 = tpu.memref_squeeze %dma_start3A_59 : memref<1x128xi32, #tpu.memory_space<vmem>> -> memref<128xi32, #tpu.memory_space<vmem>>
        %dma_start3A_61 = arith.constant 0 : i32
        %dma_start3A_62 = arith.constant 0 : i32
        %dma_start3A_63 = tpu.memref_slice %arg11[%dma_start3A_61, %dma_start3A_62] : memref<10240x128xf32, #tpu.memory_space<vmem_shared>> -> memref<10240x128xf32, #tpu.memory_space<vmem_shared>>
        tpu.enqueue_indirect_dma source(%arg9 : memref<128x128xf32, #tpu.memory_space<vmem>>) target(%dma_start3A_63 : memref<10240x128xf32, #tpu.memory_space<vmem_shared>>) offsets(%dma_start3A_60 : memref<128xi32, #tpu.memory_space<vmem>>) semaphore(%run_scoped3A : memref<!tpu.dma_semaphore, #tpu.memory_space<semaphore_mem>>) {add = true}
        %dma_wait3A_64 = arith.constant 0 : i32
        %dma_wait3A_65 = tpu.memref_slice %arg8[%add3A_30, %dma_wait3A_64] : memref<40x128xi32, #tpu.memory_space<vmem>> -> memref<1x128xi32, #tpu.memory_space<vmem>>
        %dma_wait3A_66 = tpu.memref_squeeze %dma_wait3A_65 : memref<1x128xi32, #tpu.memory_space<vmem>> -> memref<128xi32, #tpu.memory_space<vmem>>
        %dma_wait3A_67 = arith.constant 0 : i32
        %dma_wait3A_68 = arith.constant 0 : i32
        %dma_wait3A_69 = tpu.memref_slice %arg11[%dma_wait3A_67, %dma_wait3A_68] : memref<10240x128xf32, #tpu.memory_space<vmem_shared>> -> memref<10240x128xf32, #tpu.memory_space<vmem_shared>>
        tpu.wait_indirect_dma semaphore(%run_scoped3A : memref<!tpu.dma_semaphore, #tpu.memory_space<semaphore_mem>>) src(%arg9 : memref<128x128xf32, #tpu.memory_space<vmem>>) dst(%dma_wait3A_69 : memref<10240x128xf32, #tpu.memory_space<vmem_shared>>)
        tpu.yield
      }) : () -> ()
      %add3A_44 = arith.constant 2 : i32
      %add3A_45 = arith.addi %add3A_30, %add3A_44 : i32
      %lt3A = arith.constant 40 : i32
      %lt3A_46 = arith.cmpi slt, %add3A_45, %lt3A : i32
      %convert_element_type3A = arith.extui %lt3A_46 : i1 to i32
      %cond3A = arith.constant 0 : i32
      %cond3A_47 = arith.cmpi ne, %convert_element_type3A, %cond3A : i32
      scf.if %cond3A_47 {
        %add3A_58 = arith.constant 2 : i32
        %add3A_59 = arith.addi %add3A_30, %add3A_58 : i32
        %dma_start3A_60 = arith.constant 0 : i32
        %dma_start3A_61 = tpu.memref_slice %arg7[%add3A_59, %dma_start3A_60] : memref<40x128xi32, #tpu.memory_space<vmem>> -> memref<1x128xi32, #tpu.memory_space<vmem>>
        %dma_start3A_62 = tpu.memref_squeeze %dma_start3A_61 : memref<1x128xi32, #tpu.memory_space<vmem>> -> memref<128xi32, #tpu.memory_space<vmem>>
        %dma_start3A_63 = arith.constant 0 : i32
        %dma_start3A_64 = arith.constant 0 : i32
        %dma_start3A_65 = tpu.memref_slice %arg2[%dma_start3A_63, %dma_start3A_64] : memref<10000x128xf32, #tpu.memory_space<hbm>> -> memref<10000x128xf32, #tpu.memory_space<hbm>>
        tpu.enqueue_indirect_dma source(%dma_start3A_65 : memref<10000x128xf32, #tpu.memory_space<hbm>>) target(%arg9 : memref<128x128xf32, #tpu.memory_space<vmem>>) offsets(%dma_start3A_62 : memref<128xi32, #tpu.memory_space<vmem>>) semaphore(%arg12 : memref<!tpu.dma_semaphore, #tpu.memory_space<semaphore_mem>>)
      } else {
      }
      %add3A_48 = arith.constant 1 : i32
      %add3A_49 = arith.addi %add3A_30, %add3A_48 : i32
      %dma_wait3A_50 = arith.constant 0 : i32
      %dma_wait3A_51 = tpu.memref_slice %arg7[%add3A_49, %dma_wait3A_50] : memref<40x128xi32, #tpu.memory_space<vmem>> -> memref<1x128xi32, #tpu.memory_space<vmem>>
      %dma_wait3A_52 = tpu.memref_squeeze %dma_wait3A_51 : memref<1x128xi32, #tpu.memory_space<vmem>> -> memref<128xi32, #tpu.memory_space<vmem>>
      %dma_wait3A_53 = arith.constant 0 : i32
      %dma_wait3A_54 = arith.constant 0 : i32
      %dma_wait3A_55 = tpu.memref_slice %arg2[%dma_wait3A_53, %dma_wait3A_54] : memref<10000x128xf32, #tpu.memory_space<hbm>> -> memref<10000x128xf32, #tpu.memory_space<hbm>>
      tpu.wait_indirect_dma semaphore(%arg13 : memref<!tpu.dma_semaphore, #tpu.memory_space<semaphore_mem>>) src(%dma_wait3A_55 : memref<10000x128xf32, #tpu.memory_space<hbm>>) dst(%arg10 : memref<128x128xf32, #tpu.memory_space<vmem>>)
      %add3A_56 = arith.constant 1 : i32
      %add3A_57 = arith.addi %add3A_30, %add3A_56 : i32
      "tpu.region"() ({
        %run_scoped3A = tpu.sem_alloc : memref<!tpu.dma_semaphore, #tpu.memory_space<semaphore_mem>>
        %dma_start3A_58 = arith.constant 0 : i32
        %dma_start3A_59 = tpu.memref_slice %arg8[%add3A_57, %dma_start3A_58] : memref<40x128xi32, #tpu.memory_space<vmem>> -> memref<1x128xi32, #tpu.memory_space<vmem>>
        %dma_start3A_60 = tpu.memref_squeeze %dma_start3A_59 : memref<1x128xi32, #tpu.memory_space<vmem>> -> memref<128xi32, #tpu.memory_space<vmem>>
        %dma_start3A_61 = arith.constant 0 : i32
        %dma_start3A_62 = arith.constant 0 : i32
        %dma_start3A_63 = tpu.memref_slice %arg11[%dma_start3A_61, %dma_start3A_62] : memref<10240x128xf32, #tpu.memory_space<vmem_shared>> -> memref<10240x128xf32, #tpu.memory_space<vmem_shared>>
        tpu.enqueue_indirect_dma source(%arg10 : memref<128x128xf32, #tpu.memory_space<vmem>>) target(%dma_start3A_63 : memref<10240x128xf32, #tpu.memory_space<vmem_shared>>) offsets(%dma_start3A_60 : memref<128xi32, #tpu.memory_space<vmem>>) semaphore(%run_scoped3A : memref<!tpu.dma_semaphore, #tpu.memory_space<semaphore_mem>>) {add = true}
        %dma_wait3A_64 = arith.constant 0 : i32
        %dma_wait3A_65 = tpu.memref_slice %arg8[%add3A_57, %dma_wait3A_64] : memref<40x128xi32, #tpu.memory_space<vmem>> -> memref<1x128xi32, #tpu.memory_space<vmem>>
        %dma_wait3A_66 = tpu.memref_squeeze %dma_wait3A_65 : memref<1x128xi32, #tpu.memory_space<vmem>> -> memref<128xi32, #tpu.memory_space<vmem>>
        %dma_wait3A_67 = arith.constant 0 : i32
        %dma_wait3A_68 = arith.constant 0 : i32
        %dma_wait3A_69 = tpu.memref_slice %arg11[%dma_wait3A_67, %dma_wait3A_68] : memref<10240x128xf32, #tpu.memory_space<vmem_shared>> -> memref<10240x128xf32, #tpu.memory_space<vmem_shared>>
        tpu.wait_indirect_dma semaphore(%run_scoped3A : memref<!tpu.dma_semaphore, #tpu.memory_space<semaphore_mem>>) src(%arg10 : memref<128x128xf32, #tpu.memory_space<vmem>>) dst(%dma_wait3A_69 : memref<10240x128xf32, #tpu.memory_space<vmem_shared>>)
        tpu.yield
      }) : () -> ()
    }
    %scan3A_24 = arith.constant 20 : i32
    %barrier3A_25 = arith.constant 0 : index
    tpu.barrier barrier_id(%barrier3A_25)
    "tpu.region"() ({
      %run_scoped3A = tpu.sem_alloc : memref<!tpu.dma_semaphore, #tpu.memory_space<semaphore_mem>>
      %dma_start3A_26 = arith.constant 0 : i32
      %dma_start3A_27 = tpu.memref_slice %arg6[%arg0, %mul3A_2, %dma_start3A_26] : memref<2x10240x128xf32, #tpu.memory_space<hbm>> -> memref<1x640x128xf32, #tpu.memory_space<hbm>>
      %dma_start3A_28 = tpu.memref_squeeze %dma_start3A_27 : memref<1x640x128xf32, #tpu.memory_space<hbm>> -> memref<640x128xf32, #tpu.memory_space<hbm>>
      %dma_start3A_29 = arith.constant 0 : i32
      %dma_start3A_30 = tpu.memref_slice %arg11[%mul3A_2, %dma_start3A_29] : memref<10240x128xf32, #tpu.memory_space<vmem_shared>> -> memref<640x128xf32, #tpu.memory_space<vmem_shared>>
      tpu.enqueue_dma source(%dma_start3A_30 : memref<640x128xf32, #tpu.memory_space<vmem_shared>>) target(%dma_start3A_28 : memref<640x128xf32, #tpu.memory_space<hbm>>) target_semaphore(%run_scoped3A : memref<!tpu.dma_semaphore, #tpu.memory_space<semaphore_mem>>)
      %dma_wait3A = arith.constant 0 : i32
      %dma_wait3A_31 = tpu.memref_slice %arg6[%arg0, %mul3A_2, %dma_wait3A] : memref<2x10240x128xf32, #tpu.memory_space<hbm>> -> memref<1x640x128xf32, #tpu.memory_space<hbm>>
      %dma_wait3A_32 = tpu.memref_squeeze %dma_wait3A_31 : memref<1x640x128xf32, #tpu.memory_space<hbm>> -> memref<640x128xf32, #tpu.memory_space<hbm>>
      %dma_wait3A_33 = arith.constant 0 : i32
      %dma_wait3A_34 = tpu.memref_slice %arg11[%mul3A_2, %dma_wait3A_33] : memref<10240x128xf32, #tpu.memory_space<vmem_shared>> -> memref<640x128xf32, #tpu.memory_space<vmem_shared>>
      tpu.wait_dma2 semaphore(%run_scoped3A : memref<!tpu.dma_semaphore, #tpu.memory_space<semaphore_mem>>) src(%dma_wait3A_34 : memref<640x128xf32, #tpu.memory_space<vmem_shared>>) dst(%dma_wait3A_32 : memref<640x128xf32, #tpu.memory_space<hbm>>)
      tpu.yield
    }) : () -> ()
    return
  }
}

#map = affine_map<(d0, d1) -> (0, 0, 0)>
#map1 = affine_map<(d0, d1) -> (0, 0)>
module attributes {stable_mosaic.version = 14 : i64} {
  func.func @_sc_degree(%arg0: i32, %arg1: i32, %arg2: memref<32x80x128xi32, #tpu.memory_space<hbm>>, %arg3: memref<128x128xf32, #tpu.memory_space<hbm>>, %arg4: memref<10240x128xf32, #tpu.memory_space<hbm>>, %arg5: memref<2x10240x128xf32, #tpu.memory_space<hbm>>, %arg6: memref<80x128xi32, #tpu.memory_space<vmem>>, %arg7: memref<128x128xf32, #tpu.memory_space<vmem>>, %arg8: memref<10240x128xf32, #tpu.memory_space<vmem_shared>>) attributes {dimension_semantics = [#tpu.dimension_semantics<core_parallel>, #tpu.dimension_semantics<subcore_parallel>], iteration_bounds = array<i64: 2, 16>, scalar_prefetch = 0 : i64, scratch_operands = 3 : i64, tpu.core_type = #tpu.core_type<sc_vector_subcore>, window_params = [{transform_indices = #map}, {transform_indices = #map1}, {transform_indices = #map1}, {transform_indices = #map}]} {
    %mul3A = arith.constant 16 : i32
    %mul3A_0 = arith.muli %arg0, %mul3A : i32
    %add3A = arith.addi %mul3A_0, %arg1 : i32
    "tpu.region"() ({
      %run_scoped3A = tpu.sem_alloc : memref<!tpu.dma_semaphore, #tpu.memory_space<semaphore_mem>>
      %dma_start3A = arith.constant 0 : i32
      %dma_start3A_8 = arith.constant 0 : i32
      %dma_start3A_9 = tpu.memref_slice %arg2[%add3A, %dma_start3A, %dma_start3A_8] : memref<32x80x128xi32, #tpu.memory_space<hbm>> -> memref<1x80x128xi32, #tpu.memory_space<hbm>>
      %dma_start3A_10 = tpu.memref_squeeze %dma_start3A_9 : memref<1x80x128xi32, #tpu.memory_space<hbm>> -> memref<80x128xi32, #tpu.memory_space<hbm>>
      %dma_start3A_11 = arith.constant 0 : i32
      %dma_start3A_12 = arith.constant 0 : i32
      %dma_start3A_13 = tpu.memref_slice %arg2[%add3A, %dma_start3A_11, %dma_start3A_12] : memref<32x80x128xi32, #tpu.memory_space<hbm>> -> memref<1x80x128xi32, #tpu.memory_space<hbm>>
      %dma_start3A_14 = tpu.memref_squeeze %dma_start3A_13 : memref<1x80x128xi32, #tpu.memory_space<hbm>> -> memref<80x128xi32, #tpu.memory_space<hbm>>
      tpu.enqueue_dma source(%dma_start3A_14 : memref<80x128xi32, #tpu.memory_space<hbm>>) target(%arg6 : memref<80x128xi32, #tpu.memory_space<vmem>>) target_semaphore(%run_scoped3A : memref<!tpu.dma_semaphore, #tpu.memory_space<semaphore_mem>>)
      %dma_wait3A = arith.constant 0 : i32
      %dma_wait3A_15 = arith.constant 0 : i32
      %dma_wait3A_16 = tpu.memref_slice %arg2[%add3A, %dma_wait3A, %dma_wait3A_15] : memref<32x80x128xi32, #tpu.memory_space<hbm>> -> memref<1x80x128xi32, #tpu.memory_space<hbm>>
      %dma_wait3A_17 = tpu.memref_squeeze %dma_wait3A_16 : memref<1x80x128xi32, #tpu.memory_space<hbm>> -> memref<80x128xi32, #tpu.memory_space<hbm>>
      %dma_wait3A_18 = arith.constant 0 : i32
      %dma_wait3A_19 = arith.constant 0 : i32
      %dma_wait3A_20 = tpu.memref_slice %arg2[%add3A, %dma_wait3A_18, %dma_wait3A_19] : memref<32x80x128xi32, #tpu.memory_space<hbm>> -> memref<1x80x128xi32, #tpu.memory_space<hbm>>
      %dma_wait3A_21 = tpu.memref_squeeze %dma_wait3A_20 : memref<1x80x128xi32, #tpu.memory_space<hbm>> -> memref<80x128xi32, #tpu.memory_space<hbm>>
      tpu.wait_dma2 semaphore(%run_scoped3A : memref<!tpu.dma_semaphore, #tpu.memory_space<semaphore_mem>>) src(%dma_wait3A_21 : memref<80x128xi32, #tpu.memory_space<hbm>>) dst(%arg6 : memref<80x128xi32, #tpu.memory_space<vmem>>)
      tpu.yield
    }) : () -> ()
    "tpu.region"() ({
      %run_scoped3A = tpu.sem_alloc : memref<!tpu.dma_semaphore, #tpu.memory_space<semaphore_mem>>
      tpu.enqueue_dma source(%arg3 : memref<128x128xf32, #tpu.memory_space<hbm>>) target(%arg7 : memref<128x128xf32, #tpu.memory_space<vmem>>) target_semaphore(%run_scoped3A : memref<!tpu.dma_semaphore, #tpu.memory_space<semaphore_mem>>)
      tpu.wait_dma2 semaphore(%run_scoped3A : memref<!tpu.dma_semaphore, #tpu.memory_space<semaphore_mem>>) src(%arg3 : memref<128x128xf32, #tpu.memory_space<hbm>>) dst(%arg7 : memref<128x128xf32, #tpu.memory_space<vmem>>)
      tpu.yield
    }) : () -> ()
    %mul3A_1 = arith.constant 640 : i32
    %mul3A_2 = arith.muli %arg1, %mul3A_1 : i32
    "tpu.region"() ({
      %run_scoped3A = tpu.sem_alloc : memref<!tpu.dma_semaphore, #tpu.memory_space<semaphore_mem>>
      %dma_start3A = arith.constant 0 : i32
      %dma_start3A_8 = tpu.memref_slice %arg8[%mul3A_2, %dma_start3A] : memref<10240x128xf32, #tpu.memory_space<vmem_shared>> -> memref<640x128xf32, #tpu.memory_space<vmem_shared>>
      %dma_start3A_9 = arith.constant 0 : i32
      %dma_start3A_10 = tpu.memref_slice %arg4[%mul3A_2, %dma_start3A_9] : memref<10240x128xf32, #tpu.memory_space<hbm>> -> memref<640x128xf32, #tpu.memory_space<hbm>>
      tpu.enqueue_dma source(%dma_start3A_10 : memref<640x128xf32, #tpu.memory_space<hbm>>) target(%dma_start3A_8 : memref<640x128xf32, #tpu.memory_space<vmem_shared>>) target_semaphore(%run_scoped3A : memref<!tpu.dma_semaphore, #tpu.memory_space<semaphore_mem>>)
      %dma_wait3A = arith.constant 0 : i32
      %dma_wait3A_11 = tpu.memref_slice %arg8[%mul3A_2, %dma_wait3A] : memref<10240x128xf32, #tpu.memory_space<vmem_shared>> -> memref<640x128xf32, #tpu.memory_space<vmem_shared>>
      %dma_wait3A_12 = arith.constant 0 : i32
      %dma_wait3A_13 = tpu.memref_slice %arg4[%mul3A_2, %dma_wait3A_12] : memref<10240x128xf32, #tpu.memory_space<hbm>> -> memref<640x128xf32, #tpu.memory_space<hbm>>
      tpu.wait_dma2 semaphore(%run_scoped3A : memref<!tpu.dma_semaphore, #tpu.memory_space<semaphore_mem>>) src(%dma_wait3A_13 : memref<640x128xf32, #tpu.memory_space<hbm>>) dst(%dma_wait3A_11 : memref<640x128xf32, #tpu.memory_space<vmem_shared>>)
      tpu.yield
    }) : () -> ()
    %barrier3A = arith.constant 0 : index
    tpu.barrier barrier_id(%barrier3A)
    %scan3A = arith.constant 0 : i32
    %scan3A_3 = arith.constant 80 : i32
    %scan3A_4 = arith.addi %scan3A, %scan3A_3 : i32
    %scan3A_5 = arith.constant 1 : i32
    scf.for %scan3A_8 = %scan3A to %scan3A_4 step %scan3A_5  : i32 {
      %mul3A_9 = arith.constant 1 : i32
      %mul3A_10 = arith.muli %scan3A_8, %mul3A_9 : i32
      %add3A_11 = arith.constant 0 : i32
      %add3A_12 = arith.addi %add3A_11, %mul3A_10 : i32
      "tpu.region"() ({
        %run_scoped3A = tpu.sem_alloc : memref<!tpu.dma_semaphore, #tpu.memory_space<semaphore_mem>>
        %dma_start3A = arith.constant 0 : i32
        %dma_start3A_13 = tpu.memref_slice %arg6[%add3A_12, %dma_start3A] : memref<80x128xi32, #tpu.memory_space<vmem>> -> memref<1x128xi32, #tpu.memory_space<vmem>>
        %dma_start3A_14 = tpu.memref_squeeze %dma_start3A_13 : memref<1x128xi32, #tpu.memory_space<vmem>> -> memref<128xi32, #tpu.memory_space<vmem>>
        %dma_start3A_15 = arith.constant 0 : i32
        %dma_start3A_16 = arith.constant 0 : i32
        %dma_start3A_17 = tpu.memref_slice %arg8[%dma_start3A_15, %dma_start3A_16] : memref<10240x128xf32, #tpu.memory_space<vmem_shared>> -> memref<10240x128xf32, #tpu.memory_space<vmem_shared>>
        tpu.enqueue_indirect_dma source(%arg7 : memref<128x128xf32, #tpu.memory_space<vmem>>) target(%dma_start3A_17 : memref<10240x128xf32, #tpu.memory_space<vmem_shared>>) offsets(%dma_start3A_14 : memref<128xi32, #tpu.memory_space<vmem>>) semaphore(%run_scoped3A : memref<!tpu.dma_semaphore, #tpu.memory_space<semaphore_mem>>) {add = true}
        %dma_wait3A = arith.constant 0 : i32
        %dma_wait3A_18 = tpu.memref_slice %arg6[%add3A_12, %dma_wait3A] : memref<80x128xi32, #tpu.memory_space<vmem>> -> memref<1x128xi32, #tpu.memory_space<vmem>>
        %dma_wait3A_19 = tpu.memref_squeeze %dma_wait3A_18 : memref<1x128xi32, #tpu.memory_space<vmem>> -> memref<128xi32, #tpu.memory_space<vmem>>
        %dma_wait3A_20 = arith.constant 0 : i32
        %dma_wait3A_21 = arith.constant 0 : i32
        %dma_wait3A_22 = tpu.memref_slice %arg8[%dma_wait3A_20, %dma_wait3A_21] : memref<10240x128xf32, #tpu.memory_space<vmem_shared>> -> memref<10240x128xf32, #tpu.memory_space<vmem_shared>>
        tpu.wait_indirect_dma semaphore(%run_scoped3A : memref<!tpu.dma_semaphore, #tpu.memory_space<semaphore_mem>>) src(%arg7 : memref<128x128xf32, #tpu.memory_space<vmem>>) dst(%dma_wait3A_22 : memref<10240x128xf32, #tpu.memory_space<vmem_shared>>)
        tpu.yield
      }) : () -> ()
    }
    %scan3A_6 = arith.constant 80 : i32
    %barrier3A_7 = arith.constant 0 : index
    tpu.barrier barrier_id(%barrier3A_7)
    "tpu.region"() ({
      %run_scoped3A = tpu.sem_alloc : memref<!tpu.dma_semaphore, #tpu.memory_space<semaphore_mem>>
      %dma_start3A = arith.constant 0 : i32
      %dma_start3A_8 = tpu.memref_slice %arg5[%arg0, %mul3A_2, %dma_start3A] : memref<2x10240x128xf32, #tpu.memory_space<hbm>> -> memref<1x640x128xf32, #tpu.memory_space<hbm>>
      %dma_start3A_9 = tpu.memref_squeeze %dma_start3A_8 : memref<1x640x128xf32, #tpu.memory_space<hbm>> -> memref<640x128xf32, #tpu.memory_space<hbm>>
      %dma_start3A_10 = arith.constant 0 : i32
      %dma_start3A_11 = tpu.memref_slice %arg8[%mul3A_2, %dma_start3A_10] : memref<10240x128xf32, #tpu.memory_space<vmem_shared>> -> memref<640x128xf32, #tpu.memory_space<vmem_shared>>
      tpu.enqueue_dma source(%dma_start3A_11 : memref<640x128xf32, #tpu.memory_space<vmem_shared>>) target(%dma_start3A_9 : memref<640x128xf32, #tpu.memory_space<hbm>>) target_semaphore(%run_scoped3A : memref<!tpu.dma_semaphore, #tpu.memory_space<semaphore_mem>>)
      %dma_wait3A = arith.constant 0 : i32
      %dma_wait3A_12 = tpu.memref_slice %arg5[%arg0, %mul3A_2, %dma_wait3A] : memref<2x10240x128xf32, #tpu.memory_space<hbm>> -> memref<1x640x128xf32, #tpu.memory_space<hbm>>
      %dma_wait3A_13 = tpu.memref_squeeze %dma_wait3A_12 : memref<1x640x128xf32, #tpu.memory_space<hbm>> -> memref<640x128xf32, #tpu.memory_space<hbm>>
      %dma_wait3A_14 = arith.constant 0 : i32
      %dma_wait3A_15 = tpu.memref_slice %arg8[%mul3A_2, %dma_wait3A_14] : memref<10240x128xf32, #tpu.memory_space<vmem_shared>> -> memref<640x128xf32, #tpu.memory_space<vmem_shared>>
      tpu.wait_dma2 semaphore(%run_scoped3A : memref<!tpu.dma_semaphore, #tpu.memory_space<semaphore_mem>>) src(%dma_wait3A_15 : memref<640x128xf32, #tpu.memory_space<vmem_shared>>) dst(%dma_wait3A_13 : memref<640x128xf32, #tpu.memory_space<hbm>>)
      tpu.yield
    }) : () -> ()
    return
  }
}

#map = affine_map<(d0, d1) -> (0, 0)>
#map1 = affine_map<(d0, d1) -> (0, 0, 0)>
module attributes {stable_mosaic.version = 14 : i64} {
  func.func @_sc_scatter(%arg0: i32, %arg1: i32, %arg2: memref<10000x128xf32, #tpu.memory_space<hbm>>, %arg3: memref<32x80x128xi32, #tpu.memory_space<hbm>>, %arg4: memref<32x80x128xi32, #tpu.memory_space<hbm>>, %arg5: memref<10240x128xf32, #tpu.memory_space<hbm>>, %arg6: memref<2x10240x128xf32, #tpu.memory_space<hbm>>, %arg7: memref<40x128xi32, #tpu.memory_space<vmem>>, %arg8: memref<40x128xi32, #tpu.memory_space<vmem>>, %arg9: memref<128x128xf32, #tpu.memory_space<vmem>>, %arg10: memref<128x128xf32, #tpu.memory_space<vmem>>, %arg11: memref<10240x128xf32, #tpu.memory_space<vmem_shared>>, %arg12: memref<!tpu.dma_semaphore, #tpu.memory_space<semaphore_mem>>, %arg13: memref<!tpu.dma_semaphore, #tpu.memory_space<semaphore_mem>>) attributes {dimension_semantics = [#tpu.dimension_semantics<core_parallel>, #tpu.dimension_semantics<subcore_parallel>], iteration_bounds = array<i64: 2, 16>, scalar_prefetch = 0 : i64, scratch_operands = 7 : i64, tpu.core_type = #tpu.core_type<sc_vector_subcore>, window_params = [{transform_indices = #map}, {transform_indices = #map1}, {transform_indices = #map1}, {transform_indices = #map}, {transform_indices = #map1}]} {
    %mul3A = arith.constant 16 : i32
    %mul3A_0 = arith.muli %arg0, %mul3A : i32
    %add3A = arith.addi %mul3A_0, %arg1 : i32
    %mul3A_1 = arith.constant 640 : i32
    %mul3A_2 = arith.muli %arg1, %mul3A_1 : i32
    "tpu.region"() ({
      %run_scoped3A = tpu.sem_alloc : memref<!tpu.dma_semaphore, #tpu.memory_space<semaphore_mem>>
      %dma_start3A_26 = arith.constant 0 : i32
      %dma_start3A_27 = tpu.memref_slice %arg11[%mul3A_2, %dma_start3A_26] : memref<10240x128xf32, #tpu.memory_space<vmem_shared>> -> memref<640x128xf32, #tpu.memory_space<vmem_shared>>
      %dma_start3A_28 = arith.constant 0 : i32
      %dma_start3A_29 = tpu.memref_slice %arg5[%mul3A_2, %dma_start3A_28] : memref<10240x128xf32, #tpu.memory_space<hbm>> -> memref<640x128xf32, #tpu.memory_space<hbm>>
      tpu.enqueue_dma source(%dma_start3A_29 : memref<640x128xf32, #tpu.memory_space<hbm>>) target(%dma_start3A_27 : memref<640x128xf32, #tpu.memory_space<vmem_shared>>) target_semaphore(%run_scoped3A : memref<!tpu.dma_semaphore, #tpu.memory_space<semaphore_mem>>)
      %dma_wait3A = arith.constant 0 : i32
      %dma_wait3A_30 = tpu.memref_slice %arg11[%mul3A_2, %dma_wait3A] : memref<10240x128xf32, #tpu.memory_space<vmem_shared>> -> memref<640x128xf32, #tpu.memory_space<vmem_shared>>
      %dma_wait3A_31 = arith.constant 0 : i32
      %dma_wait3A_32 = tpu.memref_slice %arg5[%mul3A_2, %dma_wait3A_31] : memref<10240x128xf32, #tpu.memory_space<hbm>> -> memref<640x128xf32, #tpu.memory_space<hbm>>
      tpu.wait_dma2 semaphore(%run_scoped3A : memref<!tpu.dma_semaphore, #tpu.memory_space<semaphore_mem>>) src(%dma_wait3A_32 : memref<640x128xf32, #tpu.memory_space<hbm>>) dst(%dma_wait3A_30 : memref<640x128xf32, #tpu.memory_space<vmem_shared>>)
      tpu.yield
    }) : () -> ()
    %barrier3A = arith.constant 0 : index
    tpu.barrier barrier_id(%barrier3A)
    "tpu.region"() ({
      %run_scoped3A = tpu.sem_alloc : memref<!tpu.dma_semaphore, #tpu.memory_space<semaphore_mem>>
      %dma_start3A_26 = arith.constant 0 : i32
      %dma_start3A_27 = arith.constant 0 : i32
      %dma_start3A_28 = tpu.memref_slice %arg3[%add3A, %dma_start3A_26, %dma_start3A_27] : memref<32x80x128xi32, #tpu.memory_space<hbm>> -> memref<1x40x128xi32, #tpu.memory_space<hbm>>
      %dma_start3A_29 = tpu.memref_squeeze %dma_start3A_28 : memref<1x40x128xi32, #tpu.memory_space<hbm>> -> memref<40x128xi32, #tpu.memory_space<hbm>>
      %dma_start3A_30 = arith.constant 0 : i32
      %dma_start3A_31 = arith.constant 0 : i32
      %dma_start3A_32 = tpu.memref_slice %arg3[%add3A, %dma_start3A_30, %dma_start3A_31] : memref<32x80x128xi32, #tpu.memory_space<hbm>> -> memref<1x40x128xi32, #tpu.memory_space<hbm>>
      %dma_start3A_33 = tpu.memref_squeeze %dma_start3A_32 : memref<1x40x128xi32, #tpu.memory_space<hbm>> -> memref<40x128xi32, #tpu.memory_space<hbm>>
      tpu.enqueue_dma source(%dma_start3A_33 : memref<40x128xi32, #tpu.memory_space<hbm>>) target(%arg7 : memref<40x128xi32, #tpu.memory_space<vmem>>) target_semaphore(%run_scoped3A : memref<!tpu.dma_semaphore, #tpu.memory_space<semaphore_mem>>)
      %dma_wait3A = arith.constant 0 : i32
      %dma_wait3A_34 = arith.constant 0 : i32
      %dma_wait3A_35 = tpu.memref_slice %arg3[%add3A, %dma_wait3A, %dma_wait3A_34] : memref<32x80x128xi32, #tpu.memory_space<hbm>> -> memref<1x40x128xi32, #tpu.memory_space<hbm>>
      %dma_wait3A_36 = tpu.memref_squeeze %dma_wait3A_35 : memref<1x40x128xi32, #tpu.memory_space<hbm>> -> memref<40x128xi32, #tpu.memory_space<hbm>>
      %dma_wait3A_37 = arith.constant 0 : i32
      %dma_wait3A_38 = arith.constant 0 : i32
      %dma_wait3A_39 = tpu.memref_slice %arg3[%add3A, %dma_wait3A_37, %dma_wait3A_38] : memref<32x80x128xi32, #tpu.memory_space<hbm>> -> memref<1x40x128xi32, #tpu.memory_space<hbm>>
      %dma_wait3A_40 = tpu.memref_squeeze %dma_wait3A_39 : memref<1x40x128xi32, #tpu.memory_space<hbm>> -> memref<40x128xi32, #tpu.memory_space<hbm>>
      tpu.wait_dma2 semaphore(%run_scoped3A : memref<!tpu.dma_semaphore, #tpu.memory_space<semaphore_mem>>) src(%dma_wait3A_40 : memref<40x128xi32, #tpu.memory_space<hbm>>) dst(%arg7 : memref<40x128xi32, #tpu.memory_space<vmem>>)
      tpu.yield
    }) : () -> ()
    "tpu.region"() ({
      %run_scoped3A = tpu.sem_alloc : memref<!tpu.dma_semaphore, #tpu.memory_space<semaphore_mem>>
      %dma_start3A_26 = arith.constant 0 : i32
      %dma_start3A_27 = arith.constant 0 : i32
      %dma_start3A_28 = tpu.memref_slice %arg4[%add3A, %dma_start3A_26, %dma_start3A_27] : memref<32x80x128xi32, #tpu.memory_space<hbm>> -> memref<1x40x128xi32, #tpu.memory_space<hbm>>
      %dma_start3A_29 = tpu.memref_squeeze %dma_start3A_28 : memref<1x40x128xi32, #tpu.memory_space<hbm>> -> memref<40x128xi32, #tpu.memory_space<hbm>>
      %dma_start3A_30 = arith.constant 0 : i32
      %dma_start3A_31 = arith.constant 0 : i32
      %dma_start3A_32 = tpu.memref_slice %arg4[%add3A, %dma_start3A_30, %dma_start3A_31] : memref<32x80x128xi32, #tpu.memory_space<hbm>> -> memref<1x40x128xi32, #tpu.memory_space<hbm>>
      %dma_start3A_33 = tpu.memref_squeeze %dma_start3A_32 : memref<1x40x128xi32, #tpu.memory_space<hbm>> -> memref<40x128xi32, #tpu.memory_space<hbm>>
      tpu.enqueue_dma source(%dma_start3A_33 : memref<40x128xi32, #tpu.memory_space<hbm>>) target(%arg8 : memref<40x128xi32, #tpu.memory_space<vmem>>) target_semaphore(%run_scoped3A : memref<!tpu.dma_semaphore, #tpu.memory_space<semaphore_mem>>)
      %dma_wait3A = arith.constant 0 : i32
      %dma_wait3A_34 = arith.constant 0 : i32
      %dma_wait3A_35 = tpu.memref_slice %arg4[%add3A, %dma_wait3A, %dma_wait3A_34] : memref<32x80x128xi32, #tpu.memory_space<hbm>> -> memref<1x40x128xi32, #tpu.memory_space<hbm>>
      %dma_wait3A_36 = tpu.memref_squeeze %dma_wait3A_35 : memref<1x40x128xi32, #tpu.memory_space<hbm>> -> memref<40x128xi32, #tpu.memory_space<hbm>>
      %dma_wait3A_37 = arith.constant 0 : i32
      %dma_wait3A_38 = arith.constant 0 : i32
      %dma_wait3A_39 = tpu.memref_slice %arg4[%add3A, %dma_wait3A_37, %dma_wait3A_38] : memref<32x80x128xi32, #tpu.memory_space<hbm>> -> memref<1x40x128xi32, #tpu.memory_space<hbm>>
      %dma_wait3A_40 = tpu.memref_squeeze %dma_wait3A_39 : memref<1x40x128xi32, #tpu.memory_space<hbm>> -> memref<40x128xi32, #tpu.memory_space<hbm>>
      tpu.wait_dma2 semaphore(%run_scoped3A : memref<!tpu.dma_semaphore, #tpu.memory_space<semaphore_mem>>) src(%dma_wait3A_40 : memref<40x128xi32, #tpu.memory_space<hbm>>) dst(%arg8 : memref<40x128xi32, #tpu.memory_space<vmem>>)
      tpu.yield
    }) : () -> ()
    %dma_start3A = arith.constant 0 : i32
    %dma_start3A_3 = arith.constant 0 : i32
    %dma_start3A_4 = tpu.memref_slice %arg7[%dma_start3A, %dma_start3A_3] : memref<40x128xi32, #tpu.memory_space<vmem>> -> memref<1x128xi32, #tpu.memory_space<vmem>>
    %dma_start3A_5 = tpu.memref_squeeze %dma_start3A_4 : memref<1x128xi32, #tpu.memory_space<vmem>> -> memref<128xi32, #tpu.memory_space<vmem>>
    %dma_start3A_6 = arith.constant 0 : i32
    %dma_start3A_7 = arith.constant 0 : i32
    %dma_start3A_8 = tpu.memref_slice %arg2[%dma_start3A_6, %dma_start3A_7] : memref<10000x128xf32, #tpu.memory_space<hbm>> -> memref<10000x128xf32, #tpu.memory_space<hbm>>
    tpu.enqueue_indirect_dma source(%dma_start3A_8 : memref<10000x128xf32, #tpu.memory_space<hbm>>) target(%arg9 : memref<128x128xf32, #tpu.memory_space<vmem>>) offsets(%dma_start3A_5 : memref<128xi32, #tpu.memory_space<vmem>>) semaphore(%arg12 : memref<!tpu.dma_semaphore, #tpu.memory_space<semaphore_mem>>)
    %scan3A = arith.constant 0 : i32
    %scan3A_9 = arith.constant 20 : i32
    %scan3A_10 = arith.addi %scan3A, %scan3A_9 : i32
    %scan3A_11 = arith.constant 1 : i32
    scf.for %scan3A_26 = %scan3A to %scan3A_10 step %scan3A_11  : i32 {
      %mul3A_27 = arith.constant 2 : i32
      %mul3A_28 = arith.muli %scan3A_26, %mul3A_27 : i32
      %add3A_29 = arith.constant 0 : i32
      %add3A_30 = arith.addi %add3A_29, %mul3A_28 : i32
      %add3A_31 = arith.constant 1 : i32
      %add3A_32 = arith.addi %add3A_30, %add3A_31 : i32
      %dma_start3A_33 = arith.constant 0 : i32
      %dma_start3A_34 = tpu.memref_slice %arg7[%add3A_32, %dma_start3A_33] : memref<40x128xi32, #tpu.memory_space<vmem>> -> memref<1x128xi32, #tpu.memory_space<vmem>>
      %dma_start3A_35 = tpu.memref_squeeze %dma_start3A_34 : memref<1x128xi32, #tpu.memory_space<vmem>> -> memref<128xi32, #tpu.memory_space<vmem>>
      %dma_start3A_36 = arith.constant 0 : i32
      %dma_start3A_37 = arith.constant 0 : i32
      %dma_start3A_38 = tpu.memref_slice %arg2[%dma_start3A_36, %dma_start3A_37] : memref<10000x128xf32, #tpu.memory_space<hbm>> -> memref<10000x128xf32, #tpu.memory_space<hbm>>
      tpu.enqueue_indirect_dma source(%dma_start3A_38 : memref<10000x128xf32, #tpu.memory_space<hbm>>) target(%arg10 : memref<128x128xf32, #tpu.memory_space<vmem>>) offsets(%dma_start3A_35 : memref<128xi32, #tpu.memory_space<vmem>>) semaphore(%arg13 : memref<!tpu.dma_semaphore, #tpu.memory_space<semaphore_mem>>)
      %dma_wait3A = arith.constant 0 : i32
      %dma_wait3A_39 = tpu.memref_slice %arg7[%add3A_30, %dma_wait3A] : memref<40x128xi32, #tpu.memory_space<vmem>> -> memref<1x128xi32, #tpu.memory_space<vmem>>
      %dma_wait3A_40 = tpu.memref_squeeze %dma_wait3A_39 : memref<1x128xi32, #tpu.memory_space<vmem>> -> memref<128xi32, #tpu.memory_space<vmem>>
      %dma_wait3A_41 = arith.constant 0 : i32
      %dma_wait3A_42 = arith.constant 0 : i32
      %dma_wait3A_43 = tpu.memref_slice %arg2[%dma_wait3A_41, %dma_wait3A_42] : memref<10000x128xf32, #tpu.memory_space<hbm>> -> memref<10000x128xf32, #tpu.memory_space<hbm>>
      tpu.wait_indirect_dma semaphore(%arg12 : memref<!tpu.dma_semaphore, #tpu.memory_space<semaphore_mem>>) src(%dma_wait3A_43 : memref<10000x128xf32, #tpu.memory_space<hbm>>) dst(%arg9 : memref<128x128xf32, #tpu.memory_space<vmem>>)
      "tpu.region"() ({
        %run_scoped3A = tpu.sem_alloc : memref<!tpu.dma_semaphore, #tpu.memory_space<semaphore_mem>>
        %dma_start3A_58 = arith.constant 0 : i32
        %dma_start3A_59 = tpu.memref_slice %arg8[%add3A_30, %dma_start3A_58] : memref<40x128xi32, #tpu.memory_space<vmem>> -> memref<1x128xi32, #tpu.memory_space<vmem>>
        %dma_start3A_60 = tpu.memref_squeeze %dma_start3A_59 : memref<1x128xi32, #tpu.memory_space<vmem>> -> memref<128xi32, #tpu.memory_space<vmem>>
        %dma_start3A_61 = arith.constant 0 : i32
        %dma_start3A_62 = arith.constant 0 : i32
        %dma_start3A_63 = tpu.memref_slice %arg11[%dma_start3A_61, %dma_start3A_62] : memref<10240x128xf32, #tpu.memory_space<vmem_shared>> -> memref<10240x128xf32, #tpu.memory_space<vmem_shared>>
        tpu.enqueue_indirect_dma source(%arg9 : memref<128x128xf32, #tpu.memory_space<vmem>>) target(%dma_start3A_63 : memref<10240x128xf32, #tpu.memory_space<vmem_shared>>) offsets(%dma_start3A_60 : memref<128xi32, #tpu.memory_space<vmem>>) semaphore(%run_scoped3A : memref<!tpu.dma_semaphore, #tpu.memory_space<semaphore_mem>>) {add = true}
        %dma_wait3A_64 = arith.constant 0 : i32
        %dma_wait3A_65 = tpu.memref_slice %arg8[%add3A_30, %dma_wait3A_64] : memref<40x128xi32, #tpu.memory_space<vmem>> -> memref<1x128xi32, #tpu.memory_space<vmem>>
        %dma_wait3A_66 = tpu.memref_squeeze %dma_wait3A_65 : memref<1x128xi32, #tpu.memory_space<vmem>> -> memref<128xi32, #tpu.memory_space<vmem>>
        %dma_wait3A_67 = arith.constant 0 : i32
        %dma_wait3A_68 = arith.constant 0 : i32
        %dma_wait3A_69 = tpu.memref_slice %arg11[%dma_wait3A_67, %dma_wait3A_68] : memref<10240x128xf32, #tpu.memory_space<vmem_shared>> -> memref<10240x128xf32, #tpu.memory_space<vmem_shared>>
        tpu.wait_indirect_dma semaphore(%run_scoped3A : memref<!tpu.dma_semaphore, #tpu.memory_space<semaphore_mem>>) src(%arg9 : memref<128x128xf32, #tpu.memory_space<vmem>>) dst(%dma_wait3A_69 : memref<10240x128xf32, #tpu.memory_space<vmem_shared>>)
        tpu.yield
      }) : () -> ()
      %add3A_44 = arith.constant 2 : i32
      %add3A_45 = arith.addi %add3A_30, %add3A_44 : i32
      %lt3A = arith.constant 40 : i32
      %lt3A_46 = arith.cmpi slt, %add3A_45, %lt3A : i32
      %convert_element_type3A = arith.extui %lt3A_46 : i1 to i32
      %cond3A = arith.constant 0 : i32
      %cond3A_47 = arith.cmpi ne, %convert_element_type3A, %cond3A : i32
      scf.if %cond3A_47 {
        %add3A_58 = arith.constant 2 : i32
        %add3A_59 = arith.addi %add3A_30, %add3A_58 : i32
        %dma_start3A_60 = arith.constant 0 : i32
        %dma_start3A_61 = tpu.memref_slice %arg7[%add3A_59, %dma_start3A_60] : memref<40x128xi32, #tpu.memory_space<vmem>> -> memref<1x128xi32, #tpu.memory_space<vmem>>
        %dma_start3A_62 = tpu.memref_squeeze %dma_start3A_61 : memref<1x128xi32, #tpu.memory_space<vmem>> -> memref<128xi32, #tpu.memory_space<vmem>>
        %dma_start3A_63 = arith.constant 0 : i32
        %dma_start3A_64 = arith.constant 0 : i32
        %dma_start3A_65 = tpu.memref_slice %arg2[%dma_start3A_63, %dma_start3A_64] : memref<10000x128xf32, #tpu.memory_space<hbm>> -> memref<10000x128xf32, #tpu.memory_space<hbm>>
        tpu.enqueue_indirect_dma source(%dma_start3A_65 : memref<10000x128xf32, #tpu.memory_space<hbm>>) target(%arg9 : memref<128x128xf32, #tpu.memory_space<vmem>>) offsets(%dma_start3A_62 : memref<128xi32, #tpu.memory_space<vmem>>) semaphore(%arg12 : memref<!tpu.dma_semaphore, #tpu.memory_space<semaphore_mem>>)
      } else {
      }
      %add3A_48 = arith.constant 1 : i32
      %add3A_49 = arith.addi %add3A_30, %add3A_48 : i32
      %dma_wait3A_50 = arith.constant 0 : i32
      %dma_wait3A_51 = tpu.memref_slice %arg7[%add3A_49, %dma_wait3A_50] : memref<40x128xi32, #tpu.memory_space<vmem>> -> memref<1x128xi32, #tpu.memory_space<vmem>>
      %dma_wait3A_52 = tpu.memref_squeeze %dma_wait3A_51 : memref<1x128xi32, #tpu.memory_space<vmem>> -> memref<128xi32, #tpu.memory_space<vmem>>
      %dma_wait3A_53 = arith.constant 0 : i32
      %dma_wait3A_54 = arith.constant 0 : i32
      %dma_wait3A_55 = tpu.memref_slice %arg2[%dma_wait3A_53, %dma_wait3A_54] : memref<10000x128xf32, #tpu.memory_space<hbm>> -> memref<10000x128xf32, #tpu.memory_space<hbm>>
      tpu.wait_indirect_dma semaphore(%arg13 : memref<!tpu.dma_semaphore, #tpu.memory_space<semaphore_mem>>) src(%dma_wait3A_55 : memref<10000x128xf32, #tpu.memory_space<hbm>>) dst(%arg10 : memref<128x128xf32, #tpu.memory_space<vmem>>)
      %add3A_56 = arith.constant 1 : i32
      %add3A_57 = arith.addi %add3A_30, %add3A_56 : i32
      "tpu.region"() ({
        %run_scoped3A = tpu.sem_alloc : memref<!tpu.dma_semaphore, #tpu.memory_space<semaphore_mem>>
        %dma_start3A_58 = arith.constant 0 : i32
        %dma_start3A_59 = tpu.memref_slice %arg8[%add3A_57, %dma_start3A_58] : memref<40x128xi32, #tpu.memory_space<vmem>> -> memref<1x128xi32, #tpu.memory_space<vmem>>
        %dma_start3A_60 = tpu.memref_squeeze %dma_start3A_59 : memref<1x128xi32, #tpu.memory_space<vmem>> -> memref<128xi32, #tpu.memory_space<vmem>>
        %dma_start3A_61 = arith.constant 0 : i32
        %dma_start3A_62 = arith.constant 0 : i32
        %dma_start3A_63 = tpu.memref_slice %arg11[%dma_start3A_61, %dma_start3A_62] : memref<10240x128xf32, #tpu.memory_space<vmem_shared>> -> memref<10240x128xf32, #tpu.memory_space<vmem_shared>>
        tpu.enqueue_indirect_dma source(%arg10 : memref<128x128xf32, #tpu.memory_space<vmem>>) target(%dma_start3A_63 : memref<10240x128xf32, #tpu.memory_space<vmem_shared>>) offsets(%dma_start3A_60 : memref<128xi32, #tpu.memory_space<vmem>>) semaphore(%run_scoped3A : memref<!tpu.dma_semaphore, #tpu.memory_space<semaphore_mem>>) {add = true}
        %dma_wait3A_64 = arith.constant 0 : i32
        %dma_wait3A_65 = tpu.memref_slice %arg8[%add3A_57, %dma_wait3A_64] : memref<40x128xi32, #tpu.memory_space<vmem>> -> memref<1x128xi32, #tpu.memory_space<vmem>>
        %dma_wait3A_66 = tpu.memref_squeeze %dma_wait3A_65 : memref<1x128xi32, #tpu.memory_space<vmem>> -> memref<128xi32, #tpu.memory_space<vmem>>
        %dma_wait3A_67 = arith.constant 0 : i32
        %dma_wait3A_68 = arith.constant 0 : i32
        %dma_wait3A_69 = tpu.memref_slice %arg11[%dma_wait3A_67, %dma_wait3A_68] : memref<10240x128xf32, #tpu.memory_space<vmem_shared>> -> memref<10240x128xf32, #tpu.memory_space<vmem_shared>>
        tpu.wait_indirect_dma semaphore(%run_scoped3A : memref<!tpu.dma_semaphore, #tpu.memory_space<semaphore_mem>>) src(%arg10 : memref<128x128xf32, #tpu.memory_space<vmem>>) dst(%dma_wait3A_69 : memref<10240x128xf32, #tpu.memory_space<vmem_shared>>)
        tpu.yield
      }) : () -> ()
    }
    %scan3A_12 = arith.constant 20 : i32
    "tpu.region"() ({
      %run_scoped3A = tpu.sem_alloc : memref<!tpu.dma_semaphore, #tpu.memory_space<semaphore_mem>>
      %dma_start3A_26 = arith.constant 40 : i32
      %dma_start3A_27 = arith.constant 0 : i32
      %dma_start3A_28 = tpu.memref_slice %arg3[%add3A, %dma_start3A_26, %dma_start3A_27] : memref<32x80x128xi32, #tpu.memory_space<hbm>> -> memref<1x40x128xi32, #tpu.memory_space<hbm>>
      %dma_start3A_29 = tpu.memref_squeeze %dma_start3A_28 : memref<1x40x128xi32, #tpu.memory_space<hbm>> -> memref<40x128xi32, #tpu.memory_space<hbm>>
      %dma_start3A_30 = arith.constant 40 : i32
      %dma_start3A_31 = arith.constant 0 : i32
      %dma_start3A_32 = tpu.memref_slice %arg3[%add3A, %dma_start3A_30, %dma_start3A_31] : memref<32x80x128xi32, #tpu.memory_space<hbm>> -> memref<1x40x128xi32, #tpu.memory_space<hbm>>
      %dma_start3A_33 = tpu.memref_squeeze %dma_start3A_32 : memref<1x40x128xi32, #tpu.memory_space<hbm>> -> memref<40x128xi32, #tpu.memory_space<hbm>>
      tpu.enqueue_dma source(%dma_start3A_33 : memref<40x128xi32, #tpu.memory_space<hbm>>) target(%arg7 : memref<40x128xi32, #tpu.memory_space<vmem>>) target_semaphore(%run_scoped3A : memref<!tpu.dma_semaphore, #tpu.memory_space<semaphore_mem>>)
      %dma_wait3A = arith.constant 40 : i32
      %dma_wait3A_34 = arith.constant 0 : i32
      %dma_wait3A_35 = tpu.memref_slice %arg3[%add3A, %dma_wait3A, %dma_wait3A_34] : memref<32x80x128xi32, #tpu.memory_space<hbm>> -> memref<1x40x128xi32, #tpu.memory_space<hbm>>
      %dma_wait3A_36 = tpu.memref_squeeze %dma_wait3A_35 : memref<1x40x128xi32, #tpu.memory_space<hbm>> -> memref<40x128xi32, #tpu.memory_space<hbm>>
      %dma_wait3A_37 = arith.constant 40 : i32
      %dma_wait3A_38 = arith.constant 0 : i32
      %dma_wait3A_39 = tpu.memref_slice %arg3[%add3A, %dma_wait3A_37, %dma_wait3A_38] : memref<32x80x128xi32, #tpu.memory_space<hbm>> -> memref<1x40x128xi32, #tpu.memory_space<hbm>>
      %dma_wait3A_40 = tpu.memref_squeeze %dma_wait3A_39 : memref<1x40x128xi32, #tpu.memory_space<hbm>> -> memref<40x128xi32, #tpu.memory_space<hbm>>
      tpu.wait_dma2 semaphore(%run_scoped3A : memref<!tpu.dma_semaphore, #tpu.memory_space<semaphore_mem>>) src(%dma_wait3A_40 : memref<40x128xi32, #tpu.memory_space<hbm>>) dst(%arg7 : memref<40x128xi32, #tpu.memory_space<vmem>>)
      tpu.yield
    }) : () -> ()
    "tpu.region"() ({
      %run_scoped3A = tpu.sem_alloc : memref<!tpu.dma_semaphore, #tpu.memory_space<semaphore_mem>>
      %dma_start3A_26 = arith.constant 40 : i32
      %dma_start3A_27 = arith.constant 0 : i32
      %dma_start3A_28 = tpu.memref_slice %arg4[%add3A, %dma_start3A_26, %dma_start3A_27] : memref<32x80x128xi32, #tpu.memory_space<hbm>> -> memref<1x40x128xi32, #tpu.memory_space<hbm>>
      %dma_start3A_29 = tpu.memref_squeeze %dma_start3A_28 : memref<1x40x128xi32, #tpu.memory_space<hbm>> -> memref<40x128xi32, #tpu.memory_space<hbm>>
      %dma_start3A_30 = arith.constant 40 : i32
      %dma_start3A_31 = arith.constant 0 : i32
      %dma_start3A_32 = tpu.memref_slice %arg4[%add3A, %dma_start3A_30, %dma_start3A_31] : memref<32x80x128xi32, #tpu.memory_space<hbm>> -> memref<1x40x128xi32, #tpu.memory_space<hbm>>
      %dma_start3A_33 = tpu.memref_squeeze %dma_start3A_32 : memref<1x40x128xi32, #tpu.memory_space<hbm>> -> memref<40x128xi32, #tpu.memory_space<hbm>>
      tpu.enqueue_dma source(%dma_start3A_33 : memref<40x128xi32, #tpu.memory_space<hbm>>) target(%arg8 : memref<40x128xi32, #tpu.memory_space<vmem>>) target_semaphore(%run_scoped3A : memref<!tpu.dma_semaphore, #tpu.memory_space<semaphore_mem>>)
      %dma_wait3A = arith.constant 40 : i32
      %dma_wait3A_34 = arith.constant 0 : i32
      %dma_wait3A_35 = tpu.memref_slice %arg4[%add3A, %dma_wait3A, %dma_wait3A_34] : memref<32x80x128xi32, #tpu.memory_space<hbm>> -> memref<1x40x128xi32, #tpu.memory_space<hbm>>
      %dma_wait3A_36 = tpu.memref_squeeze %dma_wait3A_35 : memref<1x40x128xi32, #tpu.memory_space<hbm>> -> memref<40x128xi32, #tpu.memory_space<hbm>>
      %dma_wait3A_37 = arith.constant 40 : i32
      %dma_wait3A_38 = arith.constant 0 : i32
      %dma_wait3A_39 = tpu.memref_slice %arg4[%add3A, %dma_wait3A_37, %dma_wait3A_38] : memref<32x80x128xi32, #tpu.memory_space<hbm>> -> memref<1x40x128xi32, #tpu.memory_space<hbm>>
      %dma_wait3A_40 = tpu.memref_squeeze %dma_wait3A_39 : memref<1x40x128xi32, #tpu.memory_space<hbm>> -> memref<40x128xi32, #tpu.memory_space<hbm>>
      tpu.wait_dma2 semaphore(%run_scoped3A : memref<!tpu.dma_semaphore, #tpu.memory_space<semaphore_mem>>) src(%dma_wait3A_40 : memref<40x128xi32, #tpu.memory_space<hbm>>) dst(%arg8 : memref<40x128xi32, #tpu.memory_space<vmem>>)
      tpu.yield
    }) : () -> ()
    %dma_start3A_13 = arith.constant 0 : i32
    %dma_start3A_14 = arith.constant 0 : i32
    %dma_start3A_15 = tpu.memref_slice %arg7[%dma_start3A_13, %dma_start3A_14] : memref<40x128xi32, #tpu.memory_space<vmem>> -> memref<1x128xi32, #tpu.memory_space<vmem>>
    %dma_start3A_16 = tpu.memref_squeeze %dma_start3A_15 : memref<1x128xi32, #tpu.memory_space<vmem>> -> memref<128xi32, #tpu.memory_space<vmem>>
    %dma_start3A_17 = arith.constant 0 : i32
    %dma_start3A_18 = arith.constant 0 : i32
    %dma_start3A_19 = tpu.memref_slice %arg2[%dma_start3A_17, %dma_start3A_18] : memref<10000x128xf32, #tpu.memory_space<hbm>> -> memref<10000x128xf32, #tpu.memory_space<hbm>>
    tpu.enqueue_indirect_dma source(%dma_start3A_19 : memref<10000x128xf32, #tpu.memory_space<hbm>>) target(%arg9 : memref<128x128xf32, #tpu.memory_space<vmem>>) offsets(%dma_start3A_16 : memref<128xi32, #tpu.memory_space<vmem>>) semaphore(%arg12 : memref<!tpu.dma_semaphore, #tpu.memory_space<semaphore_mem>>)
    %scan3A_20 = arith.constant 0 : i32
    %scan3A_21 = arith.constant 20 : i32
    %scan3A_22 = arith.addi %scan3A_20, %scan3A_21 : i32
    %scan3A_23 = arith.constant 1 : i32
    scf.for %scan3A_26 = %scan3A_20 to %scan3A_22 step %scan3A_23  : i32 {
      %mul3A_27 = arith.constant 2 : i32
      %mul3A_28 = arith.muli %scan3A_26, %mul3A_27 : i32
      %add3A_29 = arith.constant 0 : i32
      %add3A_30 = arith.addi %add3A_29, %mul3A_28 : i32
      %add3A_31 = arith.constant 1 : i32
      %add3A_32 = arith.addi %add3A_30, %add3A_31 : i32
      %dma_start3A_33 = arith.constant 0 : i32
      %dma_start3A_34 = tpu.memref_slice %arg7[%add3A_32, %dma_start3A_33] : memref<40x128xi32, #tpu.memory_space<vmem>> -> memref<1x128xi32, #tpu.memory_space<vmem>>
      %dma_start3A_35 = tpu.memref_squeeze %dma_start3A_34 : memref<1x128xi32, #tpu.memory_space<vmem>> -> memref<128xi32, #tpu.memory_space<vmem>>
      %dma_start3A_36 = arith.constant 0 : i32
      %dma_start3A_37 = arith.constant 0 : i32
      %dma_start3A_38 = tpu.memref_slice %arg2[%dma_start3A_36, %dma_start3A_37] : memref<10000x128xf32, #tpu.memory_space<hbm>> -> memref<10000x128xf32, #tpu.memory_space<hbm>>
      tpu.enqueue_indirect_dma source(%dma_start3A_38 : memref<10000x128xf32, #tpu.memory_space<hbm>>) target(%arg10 : memref<128x128xf32, #tpu.memory_space<vmem>>) offsets(%dma_start3A_35 : memref<128xi32, #tpu.memory_space<vmem>>) semaphore(%arg13 : memref<!tpu.dma_semaphore, #tpu.memory_space<semaphore_mem>>)
      %dma_wait3A = arith.constant 0 : i32
      %dma_wait3A_39 = tpu.memref_slice %arg7[%add3A_30, %dma_wait3A] : memref<40x128xi32, #tpu.memory_space<vmem>> -> memref<1x128xi32, #tpu.memory_space<vmem>>
      %dma_wait3A_40 = tpu.memref_squeeze %dma_wait3A_39 : memref<1x128xi32, #tpu.memory_space<vmem>> -> memref<128xi32, #tpu.memory_space<vmem>>
      %dma_wait3A_41 = arith.constant 0 : i32
      %dma_wait3A_42 = arith.constant 0 : i32
      %dma_wait3A_43 = tpu.memref_slice %arg2[%dma_wait3A_41, %dma_wait3A_42] : memref<10000x128xf32, #tpu.memory_space<hbm>> -> memref<10000x128xf32, #tpu.memory_space<hbm>>
      tpu.wait_indirect_dma semaphore(%arg12 : memref<!tpu.dma_semaphore, #tpu.memory_space<semaphore_mem>>) src(%dma_wait3A_43 : memref<10000x128xf32, #tpu.memory_space<hbm>>) dst(%arg9 : memref<128x128xf32, #tpu.memory_space<vmem>>)
      "tpu.region"() ({
        %run_scoped3A = tpu.sem_alloc : memref<!tpu.dma_semaphore, #tpu.memory_space<semaphore_mem>>
        %dma_start3A_58 = arith.constant 0 : i32
        %dma_start3A_59 = tpu.memref_slice %arg8[%add3A_30, %dma_start3A_58] : memref<40x128xi32, #tpu.memory_space<vmem>> -> memref<1x128xi32, #tpu.memory_space<vmem>>
        %dma_start3A_60 = tpu.memref_squeeze %dma_start3A_59 : memref<1x128xi32, #tpu.memory_space<vmem>> -> memref<128xi32, #tpu.memory_space<vmem>>
        %dma_start3A_61 = arith.constant 0 : i32
        %dma_start3A_62 = arith.constant 0 : i32
        %dma_start3A_63 = tpu.memref_slice %arg11[%dma_start3A_61, %dma_start3A_62] : memref<10240x128xf32, #tpu.memory_space<vmem_shared>> -> memref<10240x128xf32, #tpu.memory_space<vmem_shared>>
        tpu.enqueue_indirect_dma source(%arg9 : memref<128x128xf32, #tpu.memory_space<vmem>>) target(%dma_start3A_63 : memref<10240x128xf32, #tpu.memory_space<vmem_shared>>) offsets(%dma_start3A_60 : memref<128xi32, #tpu.memory_space<vmem>>) semaphore(%run_scoped3A : memref<!tpu.dma_semaphore, #tpu.memory_space<semaphore_mem>>) {add = true}
        %dma_wait3A_64 = arith.constant 0 : i32
        %dma_wait3A_65 = tpu.memref_slice %arg8[%add3A_30, %dma_wait3A_64] : memref<40x128xi32, #tpu.memory_space<vmem>> -> memref<1x128xi32, #tpu.memory_space<vmem>>
        %dma_wait3A_66 = tpu.memref_squeeze %dma_wait3A_65 : memref<1x128xi32, #tpu.memory_space<vmem>> -> memref<128xi32, #tpu.memory_space<vmem>>
        %dma_wait3A_67 = arith.constant 0 : i32
        %dma_wait3A_68 = arith.constant 0 : i32
        %dma_wait3A_69 = tpu.memref_slice %arg11[%dma_wait3A_67, %dma_wait3A_68] : memref<10240x128xf32, #tpu.memory_space<vmem_shared>> -> memref<10240x128xf32, #tpu.memory_space<vmem_shared>>
        tpu.wait_indirect_dma semaphore(%run_scoped3A : memref<!tpu.dma_semaphore, #tpu.memory_space<semaphore_mem>>) src(%arg9 : memref<128x128xf32, #tpu.memory_space<vmem>>) dst(%dma_wait3A_69 : memref<10240x128xf32, #tpu.memory_space<vmem_shared>>)
        tpu.yield
      }) : () -> ()
      %add3A_44 = arith.constant 2 : i32
      %add3A_45 = arith.addi %add3A_30, %add3A_44 : i32
      %lt3A = arith.constant 40 : i32
      %lt3A_46 = arith.cmpi slt, %add3A_45, %lt3A : i32
      %convert_element_type3A = arith.extui %lt3A_46 : i1 to i32
      %cond3A = arith.constant 0 : i32
      %cond3A_47 = arith.cmpi ne, %convert_element_type3A, %cond3A : i32
      scf.if %cond3A_47 {
        %add3A_58 = arith.constant 2 : i32
        %add3A_59 = arith.addi %add3A_30, %add3A_58 : i32
        %dma_start3A_60 = arith.constant 0 : i32
        %dma_start3A_61 = tpu.memref_slice %arg7[%add3A_59, %dma_start3A_60] : memref<40x128xi32, #tpu.memory_space<vmem>> -> memref<1x128xi32, #tpu.memory_space<vmem>>
        %dma_start3A_62 = tpu.memref_squeeze %dma_start3A_61 : memref<1x128xi32, #tpu.memory_space<vmem>> -> memref<128xi32, #tpu.memory_space<vmem>>
        %dma_start3A_63 = arith.constant 0 : i32
        %dma_start3A_64 = arith.constant 0 : i32
        %dma_start3A_65 = tpu.memref_slice %arg2[%dma_start3A_63, %dma_start3A_64] : memref<10000x128xf32, #tpu.memory_space<hbm>> -> memref<10000x128xf32, #tpu.memory_space<hbm>>
        tpu.enqueue_indirect_dma source(%dma_start3A_65 : memref<10000x128xf32, #tpu.memory_space<hbm>>) target(%arg9 : memref<128x128xf32, #tpu.memory_space<vmem>>) offsets(%dma_start3A_62 : memref<128xi32, #tpu.memory_space<vmem>>) semaphore(%arg12 : memref<!tpu.dma_semaphore, #tpu.memory_space<semaphore_mem>>)
      } else {
      }
      %add3A_48 = arith.constant 1 : i32
      %add3A_49 = arith.addi %add3A_30, %add3A_48 : i32
      %dma_wait3A_50 = arith.constant 0 : i32
      %dma_wait3A_51 = tpu.memref_slice %arg7[%add3A_49, %dma_wait3A_50] : memref<40x128xi32, #tpu.memory_space<vmem>> -> memref<1x128xi32, #tpu.memory_space<vmem>>
      %dma_wait3A_52 = tpu.memref_squeeze %dma_wait3A_51 : memref<1x128xi32, #tpu.memory_space<vmem>> -> memref<128xi32, #tpu.memory_space<vmem>>
      %dma_wait3A_53 = arith.constant 0 : i32
      %dma_wait3A_54 = arith.constant 0 : i32
      %dma_wait3A_55 = tpu.memref_slice %arg2[%dma_wait3A_53, %dma_wait3A_54] : memref<10000x128xf32, #tpu.memory_space<hbm>> -> memref<10000x128xf32, #tpu.memory_space<hbm>>
      tpu.wait_indirect_dma semaphore(%arg13 : memref<!tpu.dma_semaphore, #tpu.memory_space<semaphore_mem>>) src(%dma_wait3A_55 : memref<10000x128xf32, #tpu.memory_space<hbm>>) dst(%arg10 : memref<128x128xf32, #tpu.memory_space<vmem>>)
      %add3A_56 = arith.constant 1 : i32
      %add3A_57 = arith.addi %add3A_30, %add3A_56 : i32
      "tpu.region"() ({
        %run_scoped3A = tpu.sem_alloc : memref<!tpu.dma_semaphore, #tpu.memory_space<semaphore_mem>>
        %dma_start3A_58 = arith.constant 0 : i32
        %dma_start3A_59 = tpu.memref_slice %arg8[%add3A_57, %dma_start3A_58] : memref<40x128xi32, #tpu.memory_space<vmem>> -> memref<1x128xi32, #tpu.memory_space<vmem>>
        %dma_start3A_60 = tpu.memref_squeeze %dma_start3A_59 : memref<1x128xi32, #tpu.memory_space<vmem>> -> memref<128xi32, #tpu.memory_space<vmem>>
        %dma_start3A_61 = arith.constant 0 : i32
        %dma_start3A_62 = arith.constant 0 : i32
        %dma_start3A_63 = tpu.memref_slice %arg11[%dma_start3A_61, %dma_start3A_62] : memref<10240x128xf32, #tpu.memory_space<vmem_shared>> -> memref<10240x128xf32, #tpu.memory_space<vmem_shared>>
        tpu.enqueue_indirect_dma source(%arg10 : memref<128x128xf32, #tpu.memory_space<vmem>>) target(%dma_start3A_63 : memref<10240x128xf32, #tpu.memory_space<vmem_shared>>) offsets(%dma_start3A_60 : memref<128xi32, #tpu.memory_space<vmem>>) semaphore(%run_scoped3A : memref<!tpu.dma_semaphore, #tpu.memory_space<semaphore_mem>>) {add = true}
        %dma_wait3A_64 = arith.constant 0 : i32
        %dma_wait3A_65 = tpu.memref_slice %arg8[%add3A_57, %dma_wait3A_64] : memref<40x128xi32, #tpu.memory_space<vmem>> -> memref<1x128xi32, #tpu.memory_space<vmem>>
        %dma_wait3A_66 = tpu.memref_squeeze %dma_wait3A_65 : memref<1x128xi32, #tpu.memory_space<vmem>> -> memref<128xi32, #tpu.memory_space<vmem>>
        %dma_wait3A_67 = arith.constant 0 : i32
        %dma_wait3A_68 = arith.constant 0 : i32
        %dma_wait3A_69 = tpu.memref_slice %arg11[%dma_wait3A_67, %dma_wait3A_68] : memref<10240x128xf32, #tpu.memory_space<vmem_shared>> -> memref<10240x128xf32, #tpu.memory_space<vmem_shared>>
        tpu.wait_indirect_dma semaphore(%run_scoped3A : memref<!tpu.dma_semaphore, #tpu.memory_space<semaphore_mem>>) src(%arg10 : memref<128x128xf32, #tpu.memory_space<vmem>>) dst(%dma_wait3A_69 : memref<10240x128xf32, #tpu.memory_space<vmem_shared>>)
        tpu.yield
      }) : () -> ()
    }
    %scan3A_24 = arith.constant 20 : i32
    %barrier3A_25 = arith.constant 0 : index
    tpu.barrier barrier_id(%barrier3A_25)
    "tpu.region"() ({
      %run_scoped3A = tpu.sem_alloc : memref<!tpu.dma_semaphore, #tpu.memory_space<semaphore_mem>>
      %dma_start3A_26 = arith.constant 0 : i32
      %dma_start3A_27 = tpu.memref_slice %arg6[%arg0, %mul3A_2, %dma_start3A_26] : memref<2x10240x128xf32, #tpu.memory_space<hbm>> -> memref<1x640x128xf32, #tpu.memory_space<hbm>>
      %dma_start3A_28 = tpu.memref_squeeze %dma_start3A_27 : memref<1x640x128xf32, #tpu.memory_space<hbm>> -> memref<640x128xf32, #tpu.memory_space<hbm>>
      %dma_start3A_29 = arith.constant 0 : i32
      %dma_start3A_30 = tpu.memref_slice %arg11[%mul3A_2, %dma_start3A_29] : memref<10240x128xf32, #tpu.memory_space<vmem_shared>> -> memref<640x128xf32, #tpu.memory_space<vmem_shared>>
      tpu.enqueue_dma source(%dma_start3A_30 : memref<640x128xf32, #tpu.memory_space<vmem_shared>>) target(%dma_start3A_28 : memref<640x128xf32, #tpu.memory_space<hbm>>) target_semaphore(%run_scoped3A : memref<!tpu.dma_semaphore, #tpu.memory_space<semaphore_mem>>)
      %dma_wait3A = arith.constant 0 : i32
      %dma_wait3A_31 = tpu.memref_slice %arg6[%arg0, %mul3A_2, %dma_wait3A] : memref<2x10240x128xf32, #tpu.memory_space<hbm>> -> memref<1x640x128xf32, #tpu.memory_space<hbm>>
      %dma_wait3A_32 = tpu.memref_squeeze %dma_wait3A_31 : memref<1x640x128xf32, #tpu.memory_space<hbm>> -> memref<640x128xf32, #tpu.memory_space<hbm>>
      %dma_wait3A_33 = arith.constant 0 : i32
      %dma_wait3A_34 = tpu.memref_slice %arg11[%mul3A_2, %dma_wait3A_33] : memref<10240x128xf32, #tpu.memory_space<vmem_shared>> -> memref<640x128xf32, #tpu.memory_space<vmem_shared>>
      tpu.wait_dma2 semaphore(%run_scoped3A : memref<!tpu.dma_semaphore, #tpu.memory_space<semaphore_mem>>) src(%dma_wait3A_34 : memref<640x128xf32, #tpu.memory_space<vmem_shared>>) dst(%dma_wait3A_32 : memref<640x128xf32, #tpu.memory_space<hbm>>)
      tpu.yield
    }) : () -> ()
    return
  }
}

module attributes {stable_mosaic.version = 14 : i64} {
  func.func @_tc_first_body(%arg0: i32, %arg1: memref<1000x128xf32, #tpu.memory_space<vmem>>, %arg2: memref<128x128xf32, #tpu.memory_space<vmem>>, %arg3: memref<2x1000x128xf32, #tpu.memory_space<vmem>>, %arg4: memref<1000x128xf32, #tpu.memory_space<vmem>>, %arg5: memref<1000x1xf32, #tpu.memory_space<vmem>>) attributes {dimension_semantics = [#tpu.dimension_semantics<arbitrary>], iteration_bounds = array<i64: 10>, scalar_prefetch = 0 : i64, scratch_operands = 0 : i64, tpu.core_type = #tpu.core_type<tc>, window_params = [{transform_indices = @transform_0, window_bounds = array<i64: 1000, 128>}, {pipeline_mode = #tpu.pipeline_mode<synchronous>, transform_indices = @transform_1, window_bounds = array<i64: 128, 128>}, {transform_indices = @transform_2, window_bounds = array<i64: 2, 1000, 128>}, {transform_indices = @transform_3, window_bounds = array<i64: 1000, 128>}, {transform_indices = @transform_4, window_bounds = array<i64: 1000, 1>}]} {
    %get3A = arith.constant 0 : index
    %get3A_0 = arith.constant 0 : index
    %get3A_1 = arith.constant 0 : index
    %get3A_2 = vector.load %arg3[%get3A, %get3A_0, %get3A_1] : memref<2x1000x128xf32, #tpu.memory_space<vmem>>, vector<1x1000x1xf32>
    %get3A_3 = vector.shape_cast %get3A_2 : vector<1x1000x1xf32> to vector<1000x1xf32>
    %get3A_4 = arith.constant 1 : index
    %get3A_5 = arith.constant 0 : index
    %get3A_6 = arith.constant 0 : index
    %get3A_7 = vector.load %arg3[%get3A_4, %get3A_5, %get3A_6] : memref<2x1000x128xf32, #tpu.memory_space<vmem>>, vector<1x1000x1xf32>
    %get3A_8 = vector.shape_cast %get3A_7 : vector<1x1000x1xf32> to vector<1000x1xf32>
    %add3A = arith.addf %get3A_3, %get3A_8 : vector<1000x1xf32>
    %add3A_9 = arith.constant 1.000000e+00 : f32
    %add3A_10 = vector.broadcast %add3A_9 : f32 to vector<1000x1xf32>
    %add3A_11 = arith.addf %add3A, %add3A_10 : vector<1000x1xf32>
    %rsqrt3A = math.rsqrt %add3A_11 : vector<1000x1xf32>
    %get3A_12 = arith.constant 0 : index
    %get3A_13 = arith.constant 0 : index
    %get3A_14 = vector.load %arg1[%get3A_12, %get3A_13] : memref<1000x128xf32, #tpu.memory_space<vmem>>, vector<1000x128xf32>
    %get3A_15 = arith.constant 0 : index
    %get3A_16 = arith.constant 0 : index
    %get3A_17 = vector.load %arg2[%get3A_15, %get3A_16] : memref<128x128xf32, #tpu.memory_space<vmem>>, vector<128x128xf32>
    %dot_general3A = arith.constant dense<0.000000e+00> : vector<1000x128xf32>
    %dot_general3A_18 = tpu.matmul %get3A_14, %get3A_17, %dot_general3A {dimension_numbers = #tpu.dot_dimension_numbers<[1], [0], [0], [1], [0, 0, 1, 1], [], []>, precision = #tpu.contract_precision<fp32>, transpose_lhs_hint = false} : vector<1000x128xf32>, vector<128x128xf32>, vector<1000x128xf32> -> vector<1000x128xf32>
    %mul3A = vector.broadcast %rsqrt3A : vector<1000x1xf32> to vector<1000x128xf32>
    %mul3A_19 = arith.mulf %dot_general3A_18, %mul3A : vector<1000x128xf32>
    %swap3A = arith.constant 0 : index
    %swap3A_20 = arith.constant 0 : index
    %swap3A_21 = vector.load %arg4[%swap3A, %swap3A_20] : memref<1000x128xf32, #tpu.memory_space<vmem>>, vector<1000x128xf32>
    tpu.vector_store %arg4[%swap3A, %swap3A_20], %mul3A_19 {strides = array<i32>} : memref<1000x128xf32, #tpu.memory_space<vmem>>, vector<1000x128xf32>,
    %swap3A_22 = arith.constant 0 : index
    %swap3A_23 = arith.constant 0 : index
    %swap3A_24 = vector.load %arg5[%swap3A_22, %swap3A_23] : memref<1000x1xf32, #tpu.memory_space<vmem>>, vector<1000x1xf32>
    tpu.vector_store %arg5[%swap3A_22, %swap3A_23], %rsqrt3A {strides = array<i32>} : memref<1000x1xf32, #tpu.memory_space<vmem>>, vector<1000x1xf32>,
    return
  }
  func.func @transform_0(%arg0: i32) -> (i32, i32) {
    %c0_i32 = arith.constant 0 : i32
    %c0_i32_0 = arith.constant 0 : i32
    return %arg0, %c0_i32 : i32, i32
  }
  func.func @transform_1(%arg0: i32) -> (i32, i32) {
    %c0_i32 = arith.constant 0 : i32
    %c0_i32_0 = arith.constant 0 : i32
    %c0_i32_1 = arith.constant 0 : i32
    return %c0_i32, %c0_i32_0 : i32, i32
  }
  func.func @transform_2(%arg0: i32) -> (i32, i32, i32) {
    %c0_i32 = arith.constant 0 : i32
    %c0_i32_0 = arith.constant 0 : i32
    %c0_i32_1 = arith.constant 0 : i32
    return %c0_i32, %arg0, %c0_i32_0 : i32, i32, i32
  }
  func.func @transform_3(%arg0: i32) -> (i32, i32) {
    %c0_i32 = arith.constant 0 : i32
    %c0_i32_0 = arith.constant 0 : i32
    return %arg0, %c0_i32 : i32, i32
  }
  func.func @transform_4(%arg0: i32) -> (i32, i32) {
    %c0_i32 = arith.constant 0 : i32
    %c0_i32_0 = arith.constant 0 : i32
    return %arg0, %c0_i32 : i32, i32
  }
}

module attributes {stable_mosaic.version = 14 : i64} {
  func.func @_tc_mid_body(%arg0: i32, %arg1: memref<2x1000x128xf32, #tpu.memory_space<vmem>>, %arg2: memref<1000x128xf32, #tpu.memory_space<vmem>>, %arg3: memref<1000x1xf32, #tpu.memory_space<vmem>>, %arg4: memref<1x128xf32, #tpu.memory_space<vmem>>, %arg5: memref<128x128xf32, #tpu.memory_space<vmem>>, %arg6: memref<1000x128xf32, #tpu.memory_space<vmem>>) attributes {dimension_semantics = [#tpu.dimension_semantics<arbitrary>], iteration_bounds = array<i64: 10>, scalar_prefetch = 0 : i64, scratch_operands = 0 : i64, tpu.core_type = #tpu.core_type<tc>, window_params = [{transform_indices = @transform_0, window_bounds = array<i64: 2, 1000, 128>}, {transform_indices = @transform_1, window_bounds = array<i64: 1000, 128>}, {transform_indices = @transform_2, window_bounds = array<i64: 1000, 1>}, {pipeline_mode = #tpu.pipeline_mode<synchronous>, transform_indices = @transform_3, window_bounds = array<i64: 1, 128>}, {pipeline_mode = #tpu.pipeline_mode<synchronous>, transform_indices = @transform_4, window_bounds = array<i64: 128, 128>}, {transform_indices = @transform_5, window_bounds = array<i64: 1000, 128>}]} {
    %get3A = arith.constant 0 : index
    %get3A_0 = arith.constant 0 : index
    %get3A_1 = arith.constant 0 : index
    %get3A_2 = vector.load %arg1[%get3A, %get3A_0, %get3A_1] : memref<2x1000x128xf32, #tpu.memory_space<vmem>>, vector<1x1000x128xf32>
    %get3A_3 = vector.shape_cast %get3A_2 : vector<1x1000x128xf32> to vector<1000x128xf32>
    %get3A_4 = arith.constant 1 : index
    %get3A_5 = arith.constant 0 : index
    %get3A_6 = arith.constant 0 : index
    %get3A_7 = vector.load %arg1[%get3A_4, %get3A_5, %get3A_6] : memref<2x1000x128xf32, #tpu.memory_space<vmem>>, vector<1x1000x128xf32>
    %get3A_8 = vector.shape_cast %get3A_7 : vector<1x1000x128xf32> to vector<1000x128xf32>
    %add3A = arith.addf %get3A_3, %get3A_8 : vector<1000x128xf32>
    %get3A_9 = arith.constant 0 : index
    %get3A_10 = arith.constant 0 : index
    %get3A_11 = vector.load %arg2[%get3A_9, %get3A_10] : memref<1000x128xf32, #tpu.memory_space<vmem>>, vector<1000x128xf32>
    %add3A_12 = arith.addf %add3A, %get3A_11 : vector<1000x128xf32>
    %get3A_13 = arith.constant 0 : index
    %get3A_14 = arith.constant 0 : index
    %get3A_15 = vector.load %arg3[%get3A_13, %get3A_14] : memref<1000x1xf32, #tpu.memory_space<vmem>>, vector<1000x1xf32>
    %mul3A = vector.broadcast %get3A_15 : vector<1000x1xf32> to vector<1000x128xf32>
    %mul3A_16 = arith.mulf %mul3A, %add3A_12 : vector<1000x128xf32>
    %get3A_17 = arith.constant 0 : index
    %get3A_18 = arith.constant 0 : index
    %get3A_19 = vector.load %arg4[%get3A_17, %get3A_18] : memref<1x128xf32, #tpu.memory_space<vmem>>, vector<1x128xf32>
    %add3A_20 = vector.broadcast %get3A_19 : vector<1x128xf32> to vector<1000x128xf32>
    %add3A_21 = arith.addf %mul3A_16, %add3A_20 : vector<1000x128xf32>
    %max3A = arith.constant 0.000000e+00 : f32
    %max3A_22 = vector.broadcast %max3A : f32 to vector<1000x128xf32>
    %max3A_23 = arith.maximumf %add3A_21, %max3A_22 : vector<1000x128xf32>
    %get3A_24 = arith.constant 0 : index
    %get3A_25 = arith.constant 0 : index
    %get3A_26 = vector.load %arg5[%get3A_24, %get3A_25] : memref<128x128xf32, #tpu.memory_space<vmem>>, vector<128x128xf32>
    %dot_general3A = arith.constant dense<0.000000e+00> : vector<1000x128xf32>
    %dot_general3A_27 = tpu.matmul %max3A_23, %get3A_26, %dot_general3A {dimension_numbers = #tpu.dot_dimension_numbers<[1], [0], [0], [1], [0, 0, 1, 1], [], []>, precision = #tpu.contract_precision<fp32>, transpose_lhs_hint = false} : vector<1000x128xf32>, vector<128x128xf32>, vector<1000x128xf32> -> vector<1000x128xf32>
    %mul3A_28 = vector.broadcast %get3A_15 : vector<1000x1xf32> to vector<1000x128xf32>
    %mul3A_29 = arith.mulf %dot_general3A_27, %mul3A_28 : vector<1000x128xf32>
    %swap3A = arith.constant 0 : index
    %swap3A_30 = arith.constant 0 : index
    %swap3A_31 = vector.load %arg6[%swap3A, %swap3A_30] : memref<1000x128xf32, #tpu.memory_space<vmem>>, vector<1000x128xf32>
    tpu.vector_store %arg6[%swap3A, %swap3A_30], %mul3A_29 {strides = array<i32>} : memref<1000x128xf32, #tpu.memory_space<vmem>>, vector<1000x128xf32>,
    return
  }
  func.func @transform_0(%arg0: i32) -> (i32, i32, i32) {
    %c0_i32 = arith.constant 0 : i32
    %c0_i32_0 = arith.constant 0 : i32
    %c0_i32_1 = arith.constant 0 : i32
    return %c0_i32, %arg0, %c0_i32_0 : i32, i32, i32
  }
  func.func @transform_1(%arg0: i32) -> (i32, i32) {
    %c0_i32 = arith.constant 0 : i32
    %c0_i32_0 = arith.constant 0 : i32
    return %arg0, %c0_i32 : i32, i32
  }
  func.func @transform_2(%arg0: i32) -> (i32, i32) {
    %c0_i32 = arith.constant 0 : i32
    %c0_i32_0 = arith.constant 0 : i32
    return %arg0, %c0_i32 : i32, i32
  }
  func.func @transform_3(%arg0: i32) -> (i32, i32) {
    %c0_i32 = arith.constant 0 : i32
    %c0_i32_0 = arith.constant 0 : i32
    %c0_i32_1 = arith.constant 0 : i32
    return %c0_i32, %c0_i32_0 : i32, i32
  }
  func.func @transform_4(%arg0: i32) -> (i32, i32) {
    %c0_i32 = arith.constant 0 : i32
    %c0_i32_0 = arith.constant 0 : i32
    %c0_i32_1 = arith.constant 0 : i32
    return %c0_i32, %c0_i32_0 : i32, i32
  }
  func.func @transform_5(%arg0: i32) -> (i32, i32) {
    %c0_i32 = arith.constant 0 : i32
    %c0_i32_0 = arith.constant 0 : i32
    return %arg0, %c0_i32 : i32, i32
  }
}

module attributes {stable_mosaic.version = 14 : i64} {
  func.func @_tc_final_body(%arg0: i32, %arg1: memref<2x1000x128xf32, #tpu.memory_space<vmem>>, %arg2: memref<1000x128xf32, #tpu.memory_space<vmem>>, %arg3: memref<1000x1xf32, #tpu.memory_space<vmem>>, %arg4: memref<1x128xf32, #tpu.memory_space<vmem>>, %arg5: memref<128x128xf32, #tpu.memory_space<vmem>>, %arg6: memref<1x128xf32, #tpu.memory_space<vmem>>, %arg7: memref<128x40xf32, #tpu.memory_space<vmem>>, %arg8: memref<1x40xf32, #tpu.memory_space<vmem>>, %arg9: memref<1000x40xf32, #tpu.memory_space<vmem>>) attributes {dimension_semantics = [#tpu.dimension_semantics<arbitrary>], iteration_bounds = array<i64: 10>, scalar_prefetch = 0 : i64, scratch_operands = 0 : i64, tpu.core_type = #tpu.core_type<tc>, window_params = [{transform_indices = @transform_0, window_bounds = array<i64: 2, 1000, 128>}, {transform_indices = @transform_1, window_bounds = array<i64: 1000, 128>}, {transform_indices = @transform_2, window_bounds = array<i64: 1000, 1>}, {pipeline_mode = #tpu.pipeline_mode<synchronous>, transform_indices = @transform_3, window_bounds = array<i64: 1, 128>}, {pipeline_mode = #tpu.pipeline_mode<synchronous>, transform_indices = @transform_4, window_bounds = array<i64: 128, 128>}, {pipeline_mode = #tpu.pipeline_mode<synchronous>, transform_indices = @transform_5, window_bounds = array<i64: 1, 128>}, {pipeline_mode = #tpu.pipeline_mode<synchronous>, transform_indices = @transform_6, window_bounds = array<i64: 128, 40>}, {pipeline_mode = #tpu.pipeline_mode<synchronous>, transform_indices = @transform_7, window_bounds = array<i64: 1, 40>}, {transform_indices = @transform_8, window_bounds = array<i64: 1000, 40>}]} {
    %get3A = arith.constant 0 : index
    %get3A_0 = arith.constant 0 : index
    %get3A_1 = arith.constant 0 : index
    %get3A_2 = vector.load %arg1[%get3A, %get3A_0, %get3A_1] : memref<2x1000x128xf32, #tpu.memory_space<vmem>>, vector<1x1000x128xf32>
    %get3A_3 = vector.shape_cast %get3A_2 : vector<1x1000x128xf32> to vector<1000x128xf32>
    %get3A_4 = arith.constant 1 : index
    %get3A_5 = arith.constant 0 : index
    %get3A_6 = arith.constant 0 : index
    %get3A_7 = vector.load %arg1[%get3A_4, %get3A_5, %get3A_6] : memref<2x1000x128xf32, #tpu.memory_space<vmem>>, vector<1x1000x128xf32>
    %get3A_8 = vector.shape_cast %get3A_7 : vector<1x1000x128xf32> to vector<1000x128xf32>
    %add3A = arith.addf %get3A_3, %get3A_8 : vector<1000x128xf32>
    %get3A_9 = arith.constant 0 : index
    %get3A_10 = arith.constant 0 : index
    %get3A_11 = vector.load %arg2[%get3A_9, %get3A_10] : memref<1000x128xf32, #tpu.memory_space<vmem>>, vector<1000x128xf32>
    %add3A_12 = arith.addf %add3A, %get3A_11 : vector<1000x128xf32>
    %get3A_13 = arith.constant 0 : index
    %get3A_14 = arith.constant 0 : index
    %get3A_15 = vector.load %arg3[%get3A_13, %get3A_14] : memref<1000x1xf32, #tpu.memory_space<vmem>>, vector<1000x1xf32>
    %mul3A = vector.broadcast %get3A_15 : vector<1000x1xf32> to vector<1000x128xf32>
    %mul3A_16 = arith.mulf %mul3A, %add3A_12 : vector<1000x128xf32>
    %get3A_17 = arith.constant 0 : index
    %get3A_18 = arith.constant 0 : index
    %get3A_19 = vector.load %arg4[%get3A_17, %get3A_18] : memref<1x128xf32, #tpu.memory_space<vmem>>, vector<1x128xf32>
    %add3A_20 = vector.broadcast %get3A_19 : vector<1x128xf32> to vector<1000x128xf32>
    %add3A_21 = arith.addf %mul3A_16, %add3A_20 : vector<1000x128xf32>
    %max3A = arith.constant 0.000000e+00 : f32
    %max3A_22 = vector.broadcast %max3A : f32 to vector<1000x128xf32>
    %max3A_23 = arith.maximumf %add3A_21, %max3A_22 : vector<1000x128xf32>
    %get3A_24 = arith.constant 0 : index
    %get3A_25 = arith.constant 0 : index
    %get3A_26 = vector.load %arg5[%get3A_24, %get3A_25] : memref<128x128xf32, #tpu.memory_space<vmem>>, vector<128x128xf32>
    %dot_general3A = arith.constant dense<0.000000e+00> : vector<1000x128xf32>
    %dot_general3A_27 = tpu.matmul %max3A_23, %get3A_26, %dot_general3A {dimension_numbers = #tpu.dot_dimension_numbers<[1], [0], [0], [1], [0, 0, 1, 1], [], []>, precision = #tpu.contract_precision<fp32>, transpose_lhs_hint = false} : vector<1000x128xf32>, vector<128x128xf32>, vector<1000x128xf32> -> vector<1000x128xf32>
    %get3A_28 = arith.constant 0 : index
    %get3A_29 = arith.constant 0 : index
    %get3A_30 = vector.load %arg6[%get3A_28, %get3A_29] : memref<1x128xf32, #tpu.memory_space<vmem>>, vector<1x128xf32>
    %add3A_31 = vector.broadcast %get3A_30 : vector<1x128xf32> to vector<1000x128xf32>
    %add3A_32 = arith.addf %dot_general3A_27, %add3A_31 : vector<1000x128xf32>
    %get3A_33 = arith.constant 0 : index
    %get3A_34 = arith.constant 0 : index
    %get3A_35 = vector.load %arg7[%get3A_33, %get3A_34] : memref<128x40xf32, #tpu.memory_space<vmem>>, vector<128x40xf32>
    %dot_general3A_36 = arith.constant dense<0.000000e+00> : vector<1000x40xf32>
    %dot_general3A_37 = tpu.matmul %add3A_32, %get3A_35, %dot_general3A_36 {dimension_numbers = #tpu.dot_dimension_numbers<[1], [0], [0], [1], [0, 0, 1, 1], [], []>, precision = #tpu.contract_precision<fp32>, transpose_lhs_hint = false} : vector<1000x128xf32>, vector<128x40xf32>, vector<1000x40xf32> -> vector<1000x40xf32>
    %get3A_38 = arith.constant 0 : index
    %get3A_39 = arith.constant 0 : index
    %get3A_40 = vector.load %arg8[%get3A_38, %get3A_39] : memref<1x40xf32, #tpu.memory_space<vmem>>, vector<1x40xf32>
    %add3A_41 = vector.broadcast %get3A_40 : vector<1x40xf32> to vector<1000x40xf32>
    %add3A_42 = arith.addf %dot_general3A_37, %add3A_41 : vector<1000x40xf32>
    %reduce_max3A = arith.constant dense<0xFF800000> : vector<1000xf32>
    %reduce_max3A_43 = vector.multi_reduction <maximumf>, %add3A_42, %reduce_max3A [1] : vector<1000x40xf32> to vector<1000xf32>
    %broadcast_in_dim3A = vector.shape_cast %reduce_max3A_43 : vector<1000xf32> to vector<1000x1xf32>
    %sub3A = vector.broadcast %broadcast_in_dim3A : vector<1000x1xf32> to vector<1000x40xf32>
    %sub3A_44 = arith.subf %add3A_42, %sub3A : vector<1000x40xf32>
    %exp3A = math.exp %sub3A_44 : vector<1000x40xf32>
    %reduce_sum3A = arith.constant dense<0.000000e+00> : vector<1000xf32>
    %reduce_sum3A_45 = vector.multi_reduction <add>, %exp3A, %reduce_sum3A [1] : vector<1000x40xf32> to vector<1000xf32>
    %broadcast_in_dim3A_46 = vector.shape_cast %reduce_sum3A_45 : vector<1000xf32> to vector<1000x1xf32>
    %log3A = math.log %broadcast_in_dim3A_46 : vector<1000x1xf32>
    %add3A_47 = arith.addf %log3A, %broadcast_in_dim3A : vector<1000x1xf32>
    %sub3A_48 = vector.broadcast %add3A_47 : vector<1000x1xf32> to vector<1000x40xf32>
    %sub3A_49 = arith.subf %add3A_42, %sub3A_48 : vector<1000x40xf32>
    %swap3A = arith.constant 0 : index
    %swap3A_50 = arith.constant 0 : index
    %swap3A_51 = vector.load %arg9[%swap3A, %swap3A_50] : memref<1000x40xf32, #tpu.memory_space<vmem>>, vector<1000x40xf32>
    tpu.vector_store %arg9[%swap3A, %swap3A_50], %sub3A_49 {strides = array<i32>} : memref<1000x40xf32, #tpu.memory_space<vmem>>, vector<1000x40xf32>,
    return
  }
  func.func @transform_0(%arg0: i32) -> (i32, i32, i32) {
    %c0_i32 = arith.constant 0 : i32
    %c0_i32_0 = arith.constant 0 : i32
    %c0_i32_1 = arith.constant 0 : i32
    return %c0_i32, %arg0, %c0_i32_0 : i32, i32, i32
  }
  func.func @transform_1(%arg0: i32) -> (i32, i32) {
    %c0_i32 = arith.constant 0 : i32
    %c0_i32_0 = arith.constant 0 : i32
    return %arg0, %c0_i32 : i32, i32
  }
  func.func @transform_2(%arg0: i32) -> (i32, i32) {
    %c0_i32 = arith.constant 0 : i32
    %c0_i32_0 = arith.constant 0 : i32
    return %arg0, %c0_i32 : i32, i32
  }
  func.func @transform_3(%arg0: i32) -> (i32, i32) {
    %c0_i32 = arith.constant 0 : i32
    %c0_i32_0 = arith.constant 0 : i32
    %c0_i32_1 = arith.constant 0 : i32
    return %c0_i32, %c0_i32_0 : i32, i32
  }
  func.func @transform_4(%arg0: i32) -> (i32, i32) {
    %c0_i32 = arith.constant 0 : i32
    %c0_i32_0 = arith.constant 0 : i32
    %c0_i32_1 = arith.constant 0 : i32
    return %c0_i32, %c0_i32_0 : i32, i32
  }
  func.func @transform_5(%arg0: i32) -> (i32, i32) {
    %c0_i32 = arith.constant 0 : i32
    %c0_i32_0 = arith.constant 0 : i32
    %c0_i32_1 = arith.constant 0 : i32
    return %c0_i32, %c0_i32_0 : i32, i32
  }
  func.func @transform_6(%arg0: i32) -> (i32, i32) {
    %c0_i32 = arith.constant 0 : i32
    %c0_i32_0 = arith.constant 0 : i32
    %c0_i32_1 = arith.constant 0 : i32
    return %c0_i32, %c0_i32_0 : i32, i32
  }
  func.func @transform_7(%arg0: i32) -> (i32, i32) {
    %c0_i32 = arith.constant 0 : i32
    %c0_i32_0 = arith.constant 0 : i32
    %c0_i32_1 = arith.constant 0 : i32
    return %c0_i32, %c0_i32_0 : i32, i32
  }
  func.func @transform_8(%arg0: i32) -> (i32, i32) {
    %c0_i32 = arith.constant 0 : i32
    %c0_i32_0 = arith.constant 0 : i32
    return %arg0, %c0_i32 : i32, i32
  }
}

</mosaic_0001>

<sc_bundles>
// kernel: kernel.10.cloned.1.call-start
scs
__scs_entry_jumppad:
0x0: {  	(pc) =	sbr.rel $0x88, $3  }
0x1: {  	(tag) =	ssettag $0x0;
	lr =	simm.s32 $0x1  }
0x2: {  	[smem:$0x3F95] =	sst lr;
	_ =	strace $0xD0000000  }
0x3: {  	_ = 	snop  }
0x4: {  	_ = 	snop  }
0x5: {  	_ = 	snop  }
0x6: {  	_ = 	snop  }
0x7: {  	_ = 	snop  }
__scs_overlays_trampoline_lowered:
0x8: {  	[smem:$0x3FA4] =	sst s0  }
0x9: {  	[smem:$0x3FA5] =	sst s1  }
0xa: {  	[smem:$0x3FA6] =	sst s2  }
0xb: {  	[smem:$0x3FA7] =	sst s3  }
0xc: {  	[smem:$0x3FA8] =	sst s4  }
0xd: {  	[smem:$0x3FA9] =	sst s5  }
0xe: {  	[smem:$0x3FAA] =	sst s6  }
0xf: {  	[smem:$0x3FAB] =	sst s7  }
0x10: {  	[smem:$0x3FAC] =	sst s8  }
0x11: {  	[smem:$0x3FAD] =	sst s9;
	s0 =	simm.s32 @!p0 $0x0  }
0x12: {  	s1 =	sld [smem:$0x3F93];
	s0 =	simm.s32 @p0 $0x1  }
0x13: {  	[smem:$0x3FAE] =	sst s0;
	s0 =	simm.s32 @!p1 $0x0  }
0x14: {  	s2 =	sld [smem:$0x3F92];
	s0 =	simm.s32 @p1 $0x1  }
0x15: {  	[smem:$0x3FAF] =	sst s0;
	s0 =	simm.s32 @!p2 $0x0  }
0x16: {  	s3 =	sld [smem:$0x3FDB];
	s0 =	simm.s32 @p2 $0x1  }
0x17: {  	s4 =	simm.s32 $0x1BF5;
	[smem:$0x3FB1] =	sst s0  }
0x18: {  	s0 =	sld [smem:$0x3F94];
	_ =	swait.ge [sflag:s4], $0x0  }
0x19: {  	s7 =	sld [smem:$0x3F95]  }
0x1a: {  	s8 =	sadd.s32 $0xFFFFE003, lr  }
0x1b: {  	s9 =	sadd.s32 $0xFFFFFEF7, lr;
	s5 =	simm.s32 $0xFFFFFFFF;
	p2 =	slt.u32 s8, $0xFFFFF086  }
0x1c: {  	p1 =	slt.u32 s9, $0xF7A;
	s5 =	simm.s32 @!p2 $0x0  }
0x1d: {  	s5 =	simm.s32 @p1 $0x1;
	p0 =	seq.s32 s7, s2  }
0x1e: {  	s7 =	smul.u32 @!p0 $0xF7A, s2;
	p2 =	seq.s32 @!p0 s5, $0x0  }
0x1f: {  	s9 =	smul.u32 $0xF7A, s1;
	s8 =	simm.s32 @!p0 $0x1BF5;
	p2 =	por !p2, p0  }
0x20: {  	[sflag:s8] =	ssyncset.s32 @!p0 $0xFFFFF086;
	s6 =	sadd.s32 @!p0 s3, s7;
	s7 =	simm.s32 @!p0 $0x108  }
0x21: {  	s3 =	sadd.s32 s3, s9;
	s6 =	sadd.s32 @!p0 $0x88, s6;
	s7 =	simm.s32 @p2 $0x1082  }
0x22: {  	[simem:s7], [sflag:s8] =	dma.local @!p0 [hbm:s6], $0xF7A  }
0x23: {  	s9 =	sor.u32 $0xD0000000, s2;
	s6 =	simm.s32 $0x108;
	_ =	swait.ge @!p0 [sflag:s8], $0x0  }
0x24: {  	s3 =	sadd.s32 $0x88, s3;
	s6 =	simm.s32 @!p1 $0x1082;
	[sflag:s4] =	ssyncset.s32 $0xFFFFF086  }
0x25: {  	[simem:s6], [sflag:s4] =	dma.local [hbm:s3], $0xF7A  }
0x26: {  	[smem:$0x3F95] =	sst s1;
	(tag) =	ssettag s2;
	_ =	strace s9  }
0x27: {  	s1 =	sld [smem:$0x3FA5]  }
0x28: {  	s2 =	sld [smem:$0x3FA6]  }
0x29: {  	s4 =	sld [smem:$0x3FA8]  }
0x2a: {  	p0 =	seq.s32 s5, $0x0;
	s5 =	sld [smem:$0x3FA9]  }
0x2b: {  	s6 =	sld [smem:$0x3FAA]  }
0x2c: {  	s7 =	sld [smem:$0x3FAB]  }
0x2d: {  	s3 =	simm.s32 $0x108;
	s8 =	sld [smem:$0x3FAC]  }
0x2e: {  	s3 =	simm.s32 @!p0 $0x1082;
	s9 =	sld [smem:$0x3FAD]  }
0x2f: {  	lr =	sadd.s32 s0, s3;
	s0 =	sld [smem:$0x3FA4]  }
0x30: {  	s3 =	sld [smem:$0x3FA7]  }
0x31: {  	[smem:$0x3FB0] =	sst s10  }
0x32: {  	s10 =	sld [smem:$0x3FAE];
	_ =	sdelay $0x3  }
0x33: {  	p0 =	seq.s32 s10, $0x1;
	s10 =	sld [smem:$0x3FB0];
	_ =	sdelay $0x3  }
0x34: {  	[smem:$0x3FB0] =	sst s10  }
0x35: {  	s10 =	sld [smem:$0x3FAF];
	_ =	sdelay $0x3  }
0x36: {  	p1 =	seq.s32 s10, $0x1;
	s10 =	sld [smem:$0x3FB0];
	_ =	sdelay $0x3  }
0x37: {  	[smem:$0x3FB0] =	sst s10  }
0x38: {  	s10 =	sld [smem:$0x3FB1]  }
0x39: {  	_ = 	snop;
	(pc) =	sbr.ind lr, $3  }
0x3a: {  	_ = 	snop  }
0x3b: {  	_ = 	snop  }
0x3c: {  	p2 =	seq.s32 s10, $0x1;
	s10 =	sld [smem:$0x3FB0]  }
0x3d: {  	_ =	shalt  }
0x3e: {  	_ =	shalt  }
0x3f: {  	_ =	shalt  }
0x40: {  	_ =	shalt  }
0x41: {  	_ =	shalt  }
0x42: {  	_ =	shalt  }
0x43: {  	_ =	shalt  }
0x44: {  	_ =	shalt  }
0x45: {  	_ =	shalt  }
0x46: {  	_ =	shalt  }
0x47: {  	_ =	shalt  }
0x48: {  	_ =	shalt  }
0x49: {  	_ =	shalt  }
0x4a: {  	_ =	shalt  }
0x4b: {  	_ =	shalt  }
0x4c: {  	_ =	shalt  }
0x4d: {  	_ =	shalt  }
0x4e: {  	_ =	shalt  }
0x4f: {  	_ =	shalt  }
0x50: {  	_ =	shalt  }
0x51: {  	_ =	shalt  }
0x52: {  	_ =	shalt  }
0x53: {  	_ =	shalt  }
0x54: {  	_ =	shalt  }
0x55: {  	_ =	shalt  }
0x56: {  	_ =	shalt  }
0x57: {  	_ =	shalt  }
0x58: {  	_ =	shalt  }
0x59: {  	_ =	shalt  }
0x5a: {  	_ =	shalt  }
0x5b: {  	_ =	shalt  }
0x5c: {  	_ =	shalt  }
0x5d: {  	_ =	shalt  }
0x5e: {  	_ =	shalt  }
0x5f: {  	_ =	shalt  }
0x60: {  	_ =	shalt  }
0x61: {  	_ =	shalt  }
0x62: {  	_ =	shalt  }
0x63: {  	_ =	shalt  }
0x64: {  	_ =	shalt  }
0x65: {  	_ =	shalt  }
0x66: {  	_ =	shalt  }
0x67: {  	_ =	shalt  }
0x68: {  	_ =	shalt  }
0x69: {  	_ =	shalt  }
0x6a: {  	_ =	shalt  }
0x6b: {  	_ =	shalt  }
0x6c: {  	_ =	shalt  }
0x6d: {  	_ =	shalt  }
0x6e: {  	_ =	shalt  }
0x6f: {  	_ =	shalt  }
0x70: {  	_ =	shalt  }
0x71: {  	_ =	shalt  }
0x72: {  	_ =	shalt  }
0x73: {  	_ =	shalt  }
0x74: {  	_ =	shalt  }
0x75: {  	_ =	shalt  }
0x76: {  	_ =	shalt  }
0x77: {  	_ =	shalt  }
0x78: {  	_ =	shalt  }
0x79: {  	_ =	shalt  }
0x7a: {  	_ =	shalt  }
0x7b: {  	_ =	shalt  }
0x7c: {  	_ =	shalt  }
0x7d: {  	_ =	shalt  }
0x7e: {  	_ =	shalt  }
0x7f: {  	_ =	shalt  }
0x80: {  	_ =	shalt  }
0x81: {  	_ =	shalt  }
0x82: {  	_ =	shalt  }
0x83: {  	_ =	shalt  }
0x84: {  	_ =	shalt  }
0x85: {  	_ =	shalt  }
0x86: {  	_ =	shalt  }
0x87: {  	_ =	shalt  }
.Lfunc_end0:
.L_simem_size_0:
called_computation_lowered:
.L_overlay_start_0:
0x88: {  	s2 =	sld [smem:$0x3FD9]  }
0x89: {  	s3 =	sld [smem:$0x3FFE];
	_ =	sdelay $0x1  }
0x8a: {  	s1 =	srdreg.scid  }
0x8b: {  	s0 =	sand.u32 $0x1, s1  }
0x8c: {  	s17 =	sshll.u32 s0, $0xA;
	s2 =	sadd.s32 s3, s2  }
0x8d: {  	s2 =	sadd.s32 s2, s17  }
0x8e: {  	[smem:$0x3FBC] =	sst s2  }
0x8f: {  	_ = 	snop  }
0x90: {  	s2 =	sld [smem:$0x3FD0];
	(tm) =	ssettm $0x1  }
0x91: {  	s18 =	sld [smem:$0x3FFB];
	_ =	sdelay $0x3  }
0x92: {  	_ =	strace s18  }
0x93: {  	s3 =	sld [smem:$0x3FFC];
	_ =	sdelay $0x3  }
0x94: {  	_ =	strace s3  }
0x95: {  	s3 =	sld [smem:$0x3FFD];
	_ =	sdelay $0x3  }
0x96: {  	_ =	strace s3  }
0x97: {  	_ =	strace $0x8FFFFFFF  }
0x98: {  	s19 =	sld [smem:$0x3FDB];
	_ =	sdelay $0x1  }
0x99: {  	s4 =	simm.s32 $_scs_section_size  }
0x9a: {  	s5 =	simm.s32 $_size__tile_overlayer_lowered;
	s6 =	simm.s32 $_tile_overlayer_lowered  }
0x9b: {  	s22 =	simm.s32 $0x1BFF;
	s21 =	sshll.u32 s6, $0x1;
	s3 =	sadd.s32 s4, s19  }
0x9c: {  	s7 =	simm.s32 $0x0;
	s20 =	sshll.u32 s5, $0x1;
	s5 =	sadd.s32 s21, s3  }
0x9d: {  	[timem:s7], [sflag:s22] =	dma.local [hbm:s5], s20  }
0x9e: {  	_ =	swait.ge [sflag:s22], s20  }
0x9f: {  	s4 =	ssub.s32 $0x0, s20;
	[sflag:s22] =	ssyncset.done $0x0  }
0xa0: {  	[sflag:s22] =	ssyncadd.s32 s4;
	_ =	sdelay $0x1  }
0xa1: {  	s23 =	simm.s32 $0x1B8B  }
0xa2: {  	_ =	swait.ge [sflag:s23], $0x1  }
0xa3: {  	[sflag:s23] =	ssyncset.done $0x0  }
0xa4: {  	s25 =	simm.s32 $0x1B8E;
	s24 =	sld [smem:$0x3FFE];
	[sflag:s23] =	ssyncadd.s32 $0xFFFFFFFF  }
0xa5: {  	s26 =	simm.s32 $execute0_lowered;
	[smem:$0x3FD2] =	sst s25  }
0xa6: {  	s5 =	sshll.u32 s26, $0x1;
	_ =	strace $0x80000046;
	[dreg:$0x1] =	wrdreg $0xFFFFFFFF  }
0xa7: {  	s28 =	simm.s32 $_size_execute0_lowered;
	s3 =	sadd.s32 s3, s5;
	[dreg:$0x0] =	wrdreg $0x0  }
0xa8: {  	s5 =	sshll.u32 s28, $0x1;
	[dreg:$0x2] =	wrdreg s3  }
0xa9: {  	[dreg:$0x3] =	wrdreg s5  }
0xaa: {  	[dreg:$0x4] =	wrdreg $0xC0  }
0xab: {  	_ =	task [dreg:s7], $0x5FFFF  }
0xac: {  	[dreg:$0x1] =	wrdreg $0xFFFFFFFF  }
0xad: {  	[dreg:$0x0] =	wrdreg $0x60  }
0xae: {  	[dreg:$0x2] =	wrdreg s2  }
0xaf: {  	[dreg:$0x3] =	wrdreg s24  }
0xb0: {  	[dreg:$0x4] =	wrdreg $0x68000  }
0xb1: {  	[dreg:$0x5] =	wrdreg $0x9  }
0xb2: {  	_ =	task.clear_ibuf [dreg:s7], $0x6FFFF;
	_ =	strace $0x90000046  }
0xb3: {  	s29 =	simm.s32 $0x9;
	_ =	strace $0x80000048  }
0xb4: {  	_ =	swait.ge [sflag:s29], $0x1  }
0xb5: {  	[sflag:s29] =	ssyncadd.s32 $0xFFFFFFFF  }
0xb6: {  	_ =	strace $0x90000048  }
0xb7: {  	_ =	sfence  }
0xb8: {  	s30 =	sld [smem:$0x0];
	_ =	sdelay $0x2  }
0xb9: {  	s31 =	sshll.u32 s1, $0xD;
	s1 =	sshrl.u32 s1, $0x2  }
0xba: {  	s3 =	sand.u32 $0x4000, s31;
	s1 =	sadd.s32 s1, s30  }
0xbb: {  	s0 =	sor.u32 s3, s0;
	s1 =	sshll.u32 s1, $0x11  }
0xbc: {  	s0 =	sor.u32 s1, s0  }
0xbd: {  	s0 =	sadd.s32 $0x8F2B, s0  }
0xbe: {  	[sflag:s0] =	ssyncadd.remote.s32 $0x1  }
0xbf: {  	_ =	sfence.sel $0xFFFF  }
0xc0: {  	[dreg:$0x0] =	wrdreg $0xFFFFFFFF;
	(pc) =	sbr.abs _section_cstart, $3  }
0xc1: {  	[dreg:$0x1] =	wrdreg $0xFFFFFFFF  }
0xc2: {  	_ =	task.clear_ibuf [dreg:s7], $0x2FFFF;
	_ =	strace $0x9FFFFFFF  }
0xc3: {  	(tm) =	ssettm $0x7FFFFFFF  }
tec
execute0_lowered:
.L_overlay_start_1:
0x0: {  	(tag) =	ssettag $0x1  }
0x1: {  	s5 =	rddreg [dreg:$0x0]  }
0x2: {  	s6 =	rddreg [dreg:$0x1]  }
0x3: {  	s2 =	rddreg [dreg:$0x2]  }
0x4: {  	s0 =	rddreg [dreg:$0x3];
	s1 =	stileid.u32  }
0x5: {  	s4 =	srdreg.scid;
	s3 =	simm.s32 $0x0;
	s13 =	simm.s32 $0x80  }
0x6: {  	s14 =	simm.s32 $0x0;
	s7 =	smul.u32 $0x14000, s1;
	s8 =	sand.u32 $0x1, s4  }
0x7: {  	[smem:$0x7FF] =	sst s3;
	s4 =	sadd.s32 $0x2B200, s6;
	s11 =	smul.u32 $0x50000, s1  }
0x8: {  	s31 =	sshll.u32 s1, $0x6;
	s9 =	smul.u32 $0x140000, s8;
	_ =	strace $0x80000047  }
0x9: {  	s28 =	sshll.u32 s8, $0x4;
	s8 =	ssub.s32 $0x2, s8;
	s10 =	sshrl.u32 s7, $0x3  }
0xa: {  	s12 =	sshrl.u32 s8, $0x1;
	s29 =	sshrl.u32 s11, $0x2;
	s11 =	sor.u32 $0x1C01, s31  }
0xb: {  	s10 =	sadd.s32 s10, s6;
	s7 =	sadd.s32 s7, s9;
	s9 =	sor.u32 s1, s28  }
0xc: {  	s8 =	ssub.s32 s8, s12;
	s30 =	sadd.s32 s29, s2;
	s7 =	sshrl.u32 s7, $0x3  }
0xd: {  	s9 =	smul.u32 $0x500, s9;
	s8 =	smax.u32 s8, $0x1;
	s12 =	sshrl.u32 s30, $0x3  }
0xe: {  	s7 =	sadd.s32 s7, s6;
	s6 =	sadd.s32 $0x3200, s10;
	s10 =	simm.s32 $0x2800  }
0xf: {  	s5 =	sadd.s32 s5, s9;
	s7 =	sadd.s32 $0x2BA00, s7;
	s9 =	simm.s32 $0x1  }
.LBB2_1:
0x10: {  	[tilespmem:s3], [sflag:$0x1] =	stream.linear.gather [hbm4b:s5+s3], $0x2800, $0x38;
	[tilespmem:$0x1A800] =	vst v63  }
0x11: {  	_ =	swait.ge [sflag:s9], $0x2800  }
0x12: {  	[sflag:s9] =	ssyncset.done $0x0  }
0x13: {  	[sflag:s9] =	ssyncadd.s32 $0xFFFFD800  }
0x14: {  	[tilespmem:s10], [sflag:$0x1] =	stream.linear.gather [hbm4b:s4+s3], $0x4000, $0x38;
	[tilespmem:$0x1A800] =	vst v63  }
0x15: {  	_ =	swait.ge [sflag:s9], $0x4000  }
0x16: {  	[sflag:s9] =	ssyncset.done $0x0  }
0x17: {  	[sflag:s9] =	ssyncadd.s32 $0xFFFFC000  }
0x18: {  	[spmem:s12], [sflag:s11] =	dma.local [hbm:s6], $0x2800  }
0x19: {  	_ =	swait.ge [sflag:s9], $0x2800  }
0x1a: {  	[sflag:s9] =	ssyncset.done $0x0  }
0x1b: {  	[sflag:s9] =	ssyncadd.s32 $0xFFFFD800  }
0x1c: {  	s15 =	simm.s32 $0x0;
	[bflag:$0x0] =	sbarrier.arrive $0xFFFF  }
0x1d: {  	[spmem:s2] =	stream.indirect.scatter.add.f32 [tilespmem:s10], [sflag:$0x1], $0x80, s15, s13, $0xb8;
	[tilespmem:$0x1A800] =	vst v63  }
0x1e: {  	_ =	swait.ge [sflag:s9], $0x4000  }
0x1f: {  	s15 =	simm.s32 $0x200;
	[sflag:s9] =	ssyncset.done $0x0  }
.LBB2_2:
0x20: {  	s16 =	sshra.s32 s15, $0x2;
	[sflag:s9] =	ssyncadd.s32 $0xFFFFC000;
	p0 =	sne.s32 s15, $0x9E00  }
0x21: {  	[spmem:s2] =	stream.indirect.scatter.add.f32 [tilespmem:s10], [sflag:$0x1], $0x80, s16, s13, $0xb8;
	[tilespmem:$0x1A800] =	vst v63  }
.Ltmp0:
0x22: {  	_ = 	snop;
	(pc) =	sbr.rel @p0 .LBB2_2-.Ltmp0, $4  }
0x23: {  	_ = 	snop  }
0x24: {  	s15 =	sadd.s32 $0x200, s15  }
0x25: {  	_ =	swait.ge [sflag:s9], $0x4000  }
0x26: {  	[sflag:s9] =	ssyncset.done $0x0  }
0x27: {  	s14 =	sadd.s32 $0x1, s14  }
0x28: {  	[sflag:s9] =	ssyncadd.s32 $0xFFFFC000;
	p0 =	sne.s32 s14, s8  }
.Ltmp1:
0x29: {  	[bflag:$0x0] =	sbarrier.arrive $0xFFFF;
	(pc) =	sbr.rel @p0 .LBB2_1-.Ltmp1, $4  }
0x2a: {  	[hbm:s7], [sflag:s11] =	dma.local [spmem:s12], $0x2800  }
0x2b: {  	_ =	swait.ge [sflag:s9], $0x2800  }
0x2c: {  	[sflag:s9] =	ssyncset.done $0x0  }
0x2d: {  	[sflag:s9] =	ssyncadd.s32 $0xFFFFD800  }
0x2e: {  	_ =	sfence.sel $0x180000  }
0x2f: {  	[bflag:$0x0] =	sbarrier.arrive $0xFFFF  }
0x30: {  	p0 =	sne.s32 s1, $0x0;
	_ =	strace $0x90000047  }
0x31: {  	s0 =	sadd.s32 @!p0 $0x100000, s0;
	[bflag:$0x2] =	sbarrier.arrive $0xFFFF  }
0x32: {  	[sflag:s0] =	ssyncadd.tile.s32 @!p0 $0x1;
	_ =	shalt  }
.Lfunc_end2:
_tile_overlayer_lowered:
.L_overlay_start_2:
0x33: {  	(tag) =	ssettag $0x2  }
0x34: {  	s0 =	rddreg [dreg:$0x0];
	s2 =	stileid.u32  }
0x35: {  	s1 =	rddreg [dreg:$0x1];
	p0 =	sne.s32 s2, $0x0  }
0x36: {  	s3 =	rddreg [dreg:$0x2];
	[bflag:$0x3] =	sbarrier.arrive $0xFFFF;
	s2 =	simm.s32 @!p0 $0x1C01  }
0x37: {  	[timem:s3], [sflag:s2] =	dma.local @!p0 [hbm:s0], s1  }
0x38: {  	s0 =	simm.s32 @!p0 $0x1  }
0x39: {  	_ =	swait.ge @!p0 [sflag:s0], s1  }
0x3a: {  	s1 =	ssub.s32 @!p0 $0x0, s1;
	[sflag:s0] =	ssyncset.done @!p0 $0x0  }
0x3b: {  	[sflag:s0] =	ssyncadd.s32 @!p0 s1  }
0x3c: {  	[bflag:$0x3] =	sbarrier.arrive $0xFFFF  }
0x3d: {  	_ =	shalt  }

// kernel: kernel.13.cloned.1.call-start
scs
__scs_entry_jumppad:
0x0: {  	(pc) =	sbr.rel $0x88, $3  }
0x1: {  	(tag) =	ssettag $0x0;
	lr =	simm.s32 $0x1  }
0x2: {  	[smem:$0x3F95] =	sst lr;
	_ =	strace $0xD0000000  }
0x3: {  	_ = 	snop  }
0x4: {  	_ = 	snop  }
0x5: {  	_ = 	snop  }
0x6: {  	_ = 	snop  }
0x7: {  	_ = 	snop  }
__scs_overlays_trampoline_lowered:
0x8: {  	[smem:$0x3FA4] =	sst s0  }
0x9: {  	[smem:$0x3FA5] =	sst s1  }
0xa: {  	[smem:$0x3FA6] =	sst s2  }
0xb: {  	[smem:$0x3FA7] =	sst s3  }
0xc: {  	[smem:$0x3FA8] =	sst s4  }
0xd: {  	[smem:$0x3FA9] =	sst s5  }
0xe: {  	[smem:$0x3FAA] =	sst s6  }
0xf: {  	[smem:$0x3FAB] =	sst s7  }
0x10: {  	[smem:$0x3FAC] =	sst s8  }
0x11: {  	[smem:$0x3FAD] =	sst s9;
	s0 =	simm.s32 @!p0 $0x0  }
0x12: {  	s1 =	sld [smem:$0x3F93];
	s0 =	simm.s32 @p0 $0x1  }
0x13: {  	[smem:$0x3FAE] =	sst s0;
	s0 =	simm.s32 @!p1 $0x0  }
0x14: {  	s2 =	sld [smem:$0x3F92];
	s0 =	simm.s32 @p1 $0x1  }
0x15: {  	[smem:$0x3FAF] =	sst s0;
	s0 =	simm.s32 @!p2 $0x0  }
0x16: {  	s3 =	sld [smem:$0x3FDB];
	s0 =	simm.s32 @p2 $0x1  }
0x17: {  	s4 =	simm.s32 $0x1BF5;
	[smem:$0x3FB1] =	sst s0  }
0x18: {  	s0 =	sld [smem:$0x3F94];
	_ =	swait.ge [sflag:s4], $0x0  }
0x19: {  	s7 =	sld [smem:$0x3F95]  }
0x1a: {  	s8 =	sadd.s32 $0xFFFFE003, lr  }
0x1b: {  	s9 =	sadd.s32 $0xFFFFFEF7, lr;
	s5 =	simm.s32 $0xFFFFFFFF;
	p2 =	slt.u32 s8, $0xFFFFF086  }
0x1c: {  	p1 =	slt.u32 s9, $0xF7A;
	s5 =	simm.s32 @!p2 $0x0  }
0x1d: {  	s5 =	simm.s32 @p1 $0x1;
	p0 =	seq.s32 s7, s2  }
0x1e: {  	s7 =	smul.u32 @!p0 $0xF7A, s2;
	p2 =	seq.s32 @!p0 s5, $0x0  }
0x1f: {  	s9 =	smul.u32 $0xF7A, s1;
	s8 =	simm.s32 @!p0 $0x1BF5;
	p2 =	por !p2, p0  }
0x20: {  	[sflag:s8] =	ssyncset.s32 @!p0 $0xFFFFF086;
	s6 =	sadd.s32 @!p0 s3, s7;
	s7 =	simm.s32 @!p0 $0x108  }
0x21: {  	s3 =	sadd.s32 s3, s9;
	s6 =	sadd.s32 @!p0 $0x88, s6;
	s7 =	simm.s32 @p2 $0x1082  }
0x22: {  	[simem:s7], [sflag:s8] =	dma.local @!p0 [hbm:s6], $0xF7A  }
0x23: {  	s9 =	sor.u32 $0xD0000000, s2;
	s6 =	simm.s32 $0x108;
	_ =	swait.ge @!p0 [sflag:s8], $0x0  }
0x24: {  	s3 =	sadd.s32 $0x88, s3;
	s6 =	simm.s32 @!p1 $0x1082;
	[sflag:s4] =	ssyncset.s32 $0xFFFFF086  }
0x25: {  	[simem:s6], [sflag:s4] =	dma.local [hbm:s3], $0xF7A  }
0x26: {  	[smem:$0x3F95] =	sst s1;
	(tag) =	ssettag s2;
	_ =	strace s9  }
0x27: {  	s1 =	sld [smem:$0x3FA5]  }
0x28: {  	s2 =	sld [smem:$0x3FA6]  }
0x29: {  	s4 =	sld [smem:$0x3FA8]  }
0x2a: {  	p0 =	seq.s32 s5, $0x0;
	s5 =	sld [smem:$0x3FA9]  }
0x2b: {  	s6 =	sld [smem:$0x3FAA]  }
0x2c: {  	s7 =	sld [smem:$0x3FAB]  }
0x2d: {  	s3 =	simm.s32 $0x108;
	s8 =	sld [smem:$0x3FAC]  }
0x2e: {  	s3 =	simm.s32 @!p0 $0x1082;
	s9 =	sld [smem:$0x3FAD]  }
0x2f: {  	lr =	sadd.s32 s0, s3;
	s0 =	sld [smem:$0x3FA4]  }
0x30: {  	s3 =	sld [smem:$0x3FA7]  }
0x31: {  	[smem:$0x3FB0] =	sst s10  }
0x32: {  	s10 =	sld [smem:$0x3FAE];
	_ =	sdelay $0x3  }
0x33: {  	p0 =	seq.s32 s10, $0x1;
	s10 =	sld [smem:$0x3FB0];
	_ =	sdelay $0x3  }
0x34: {  	[smem:$0x3FB0] =	sst s10  }
0x35: {  	s10 =	sld [smem:$0x3FAF];
	_ =	sdelay $0x3  }
0x36: {  	p1 =	seq.s32 s10, $0x1;
	s10 =	sld [smem:$0x3FB0];
	_ =	sdelay $0x3  }
0x37: {  	[smem:$0x3FB0] =	sst s10  }
0x38: {  	s10 =	sld [smem:$0x3FB1]  }
0x39: {  	_ = 	snop;
	(pc) =	sbr.ind lr, $3  }
0x3a: {  	_ = 	snop  }
0x3b: {  	_ = 	snop  }
0x3c: {  	p2 =	seq.s32 s10, $0x1;
	s10 =	sld [smem:$0x3FB0]  }
0x3d: {  	_ =	shalt  }
0x3e: {  	_ =	shalt  }
0x3f: {  	_ =	shalt  }
0x40: {  	_ =	shalt  }
0x41: {  	_ =	shalt  }
0x42: {  	_ =	shalt  }
0x43: {  	_ =	shalt  }
0x44: {  	_ =	shalt  }
0x45: {  	_ =	shalt  }
0x46: {  	_ =	shalt  }
0x47: {  	_ =	shalt  }
0x48: {  	_ =	shalt  }
0x49: {  	_ =	shalt  }
0x4a: {  	_ =	shalt  }
0x4b: {  	_ =	shalt  }
0x4c: {  	_ =	shalt  }
0x4d: {  	_ =	shalt  }
0x4e: {  	_ =	shalt  }
0x4f: {  	_ =	shalt  }
0x50: {  	_ =	shalt  }
0x51: {  	_ =	shalt  }
0x52: {  	_ =	shalt  }
0x53: {  	_ =	shalt  }
0x54: {  	_ =	shalt  }
0x55: {  	_ =	shalt  }
0x56: {  	_ =	shalt  }
0x57: {  	_ =	shalt  }
0x58: {  	_ =	shalt  }
0x59: {  	_ =	shalt  }
0x5a: {  	_ =	shalt  }
0x5b: {  	_ =	shalt  }
0x5c: {  	_ =	shalt  }
0x5d: {  	_ =	shalt  }
0x5e: {  	_ =	shalt  }
0x5f: {  	_ =	shalt  }
0x60: {  	_ =	shalt  }
0x61: {  	_ =	shalt  }
0x62: {  	_ =	shalt  }
0x63: {  	_ =	shalt  }
0x64: {  	_ =	shalt  }
0x65: {  	_ =	shalt  }
0x66: {  	_ =	shalt  }
0x67: {  	_ =	shalt  }
0x68: {  	_ =	shalt  }
0x69: {  	_ =	shalt  }
0x6a: {  	_ =	shalt  }
0x6b: {  	_ =	shalt  }
0x6c: {  	_ =	shalt  }
0x6d: {  	_ =	shalt  }
0x6e: {  	_ =	shalt  }
0x6f: {  	_ =	shalt  }
0x70: {  	_ =	shalt  }
0x71: {  	_ =	shalt  }
0x72: {  	_ =	shalt  }
0x73: {  	_ =	shalt  }
0x74: {  	_ =	shalt  }
0x75: {  	_ =	shalt  }
0x76: {  	_ =	shalt  }
0x77: {  	_ =	shalt  }
0x78: {  	_ =	shalt  }
0x79: {  	_ =	shalt  }
0x7a: {  	_ =	shalt  }
0x7b: {  	_ =	shalt  }
0x7c: {  	_ =	shalt  }
0x7d: {  	_ =	shalt  }
0x7e: {  	_ =	shalt  }
0x7f: {  	_ =	shalt  }
0x80: {  	_ =	shalt  }
0x81: {  	_ =	shalt  }
0x82: {  	_ =	shalt  }
0x83: {  	_ =	shalt  }
0x84: {  	_ =	shalt  }
0x85: {  	_ =	shalt  }
0x86: {  	_ =	shalt  }
0x87: {  	_ =	shalt  }
.Lfunc_end0:
.L_simem_size_0:
called_computation.1_lowered:
.L_overlay_start_0:
0x88: {  	s2 =	sld [smem:$0x3FD9]  }
0x89: {  	s3 =	sld [smem:$0x3FFE];
	_ =	sdelay $0x1  }
0x8a: {  	s1 =	srdreg.scid  }
0x8b: {  	s0 =	sand.u32 $0x1, s1  }
0x8c: {  	s17 =	sshll.u32 s0, $0xA;
	s2 =	sadd.s32 s3, s2  }
0x8d: {  	s2 =	sadd.s32 s2, s17  }
0x8e: {  	[smem:$0x3FBC] =	sst s2  }
0x8f: {  	_ = 	snop  }
0x90: {  	s2 =	sld [smem:$0x3FD0];
	(tm) =	ssettm $0x1  }
0x91: {  	s18 =	sld [smem:$0x3FFB];
	_ =	sdelay $0x3  }
0x92: {  	_ =	strace s18  }
0x93: {  	s3 =	sld [smem:$0x3FFC];
	_ =	sdelay $0x3  }
0x94: {  	_ =	strace s3  }
0x95: {  	s3 =	sld [smem:$0x3FFD];
	_ =	sdelay $0x3  }
0x96: {  	_ =	strace s3  }
0x97: {  	_ =	strace $0x8FFFFFFF  }
0x98: {  	s19 =	sld [smem:$0x3FDB];
	_ =	sdelay $0x1  }
0x99: {  	s4 =	simm.s32 $_scs_section_size  }
0x9a: {  	s5 =	simm.s32 $_size__tile_overlayer_lowered;
	s6 =	simm.s32 $_tile_overlayer_lowered  }
0x9b: {  	s22 =	simm.s32 $0x1BFF;
	s21 =	sshll.u32 s6, $0x1;
	s3 =	sadd.s32 s4, s19  }
0x9c: {  	s7 =	simm.s32 $0x0;
	s20 =	sshll.u32 s5, $0x1;
	s5 =	sadd.s32 s21, s3  }
0x9d: {  	[timem:s7], [sflag:s22] =	dma.local [hbm:s5], s20  }
0x9e: {  	_ =	swait.ge [sflag:s22], s20  }
0x9f: {  	s4 =	ssub.s32 $0x0, s20;
	[sflag:s22] =	ssyncset.done $0x0  }
0xa0: {  	[sflag:s22] =	ssyncadd.s32 s4;
	_ =	sdelay $0x1  }
0xa1: {  	s23 =	simm.s32 $0x1B8B  }
0xa2: {  	_ =	swait.ge [sflag:s23], $0x1  }
0xa3: {  	[sflag:s23] =	ssyncset.done $0x0  }
0xa4: {  	s25 =	simm.s32 $0x1B8E;
	s24 =	sld [smem:$0x3FFE];
	[sflag:s23] =	ssyncadd.s32 $0xFFFFFFFF  }
0xa5: {  	s26 =	simm.s32 $execute0_lowered;
	[smem:$0x3FD2] =	sst s25  }
0xa6: {  	s5 =	sshll.u32 s26, $0x1;
	_ =	strace $0x80000049;
	[dreg:$0x1] =	wrdreg $0xFFFFFFFF  }
0xa7: {  	s28 =	simm.s32 $_size_execute0_lowered;
	s3 =	sadd.s32 s3, s5;
	[dreg:$0x0] =	wrdreg $0x0  }
0xa8: {  	s5 =	sshll.u32 s28, $0x1;
	[dreg:$0x2] =	wrdreg s3  }
0xa9: {  	[dreg:$0x3] =	wrdreg s5  }
0xaa: {  	[dreg:$0x4] =	wrdreg $0xC0  }
0xab: {  	_ =	task [dreg:s7], $0x5FFFF  }
0xac: {  	[dreg:$0x1] =	wrdreg $0xFFFFFFFF  }
0xad: {  	[dreg:$0x0] =	wrdreg $0x60  }
0xae: {  	[dreg:$0x2] =	wrdreg s24  }
0xaf: {  	[dreg:$0x3] =	wrdreg s2  }
0xb0: {  	[dreg:$0x4] =	wrdreg $0xA8000  }
0xb1: {  	[dreg:$0x5] =	wrdreg $0x9  }
0xb2: {  	_ =	task.clear_ibuf [dreg:s7], $0x6FFFF;
	_ =	strace $0x90000049  }
0xb3: {  	s29 =	simm.s32 $0x9;
	_ =	strace $0x8000004B  }
0xb4: {  	_ =	swait.ge [sflag:s29], $0x1  }
0xb5: {  	[sflag:s29] =	ssyncadd.s32 $0xFFFFFFFF  }
0xb6: {  	_ =	strace $0x9000004B  }
0xb7: {  	_ =	sfence  }
0xb8: {  	s30 =	sld [smem:$0x0];
	_ =	sdelay $0x2  }
0xb9: {  	s31 =	sshll.u32 s1, $0xD;
	s1 =	sshrl.u32 s1, $0x2  }
0xba: {  	s3 =	sand.u32 $0x4000, s31;
	s1 =	sadd.s32 s1, s30  }
0xbb: {  	s0 =	sor.u32 s3, s0;
	s1 =	sshll.u32 s1, $0x11  }
0xbc: {  	s0 =	sor.u32 s1, s0  }
0xbd: {  	s0 =	sadd.s32 $0x8F2B, s0  }
0xbe: {  	[sflag:s0] =	ssyncadd.remote.s32 $0x1  }
0xbf: {  	_ =	sfence.sel $0xFFFF  }
0xc0: {  	[dreg:$0x0] =	wrdreg $0xFFFFFFFF;
	(pc) =	sbr.abs _section_cstart, $3  }
0xc1: {  	[dreg:$0x1] =	wrdreg $0xFFFFFFFF  }
0xc2: {  	_ =	task.clear_ibuf [dreg:s7], $0x2FFFF;
	_ =	strace $0x9FFFFFFF  }
0xc3: {  	(tm) =	ssettm $0x7FFFFFFF  }
tec
execute0_lowered:
.L_overlay_start_1:
0x0: {  	(tag) =	ssettag $0x1  }
0x1: {  	s5 =	rddreg [dreg:$0x0]  }
0x2: {  	s10 =	rddreg [dreg:$0x1]  }
0x3: {  	s2 =	rddreg [dreg:$0x2]  }
0x4: {  	s0 =	rddreg [dreg:$0x3];
	s3 =	simm.s32 $0x0;
	s1 =	stileid.u32  }
0x5: {  	s4 =	srdreg.scid;
	s16 =	simm.s32 $0x80;
	s17 =	simm.s32 $0x2800  }
0x6: {  	s18 =	simm.s32 $0x6800;
	s19 =	simm.s32 $0x1;
	s20 =	simm.s32 $0x2  }
0x7: {  	s21 =	simm.s32 $0x1380;
	s22 =	simm.s32 $0x2700;
	s23 =	simm.s32 $0x2780  }
0x8: {  	s24 =	simm.s32 $0x0;
	[smem:$0x7FF] =	sst s3;
	s6 =	smul.u32 $0x14000, s1  }
0x9: {  	s7 =	sand.u32 $0x1, s4;
	s4 =	sadd.s32 $0x2B200, s5;
	s9 =	sadd.s32 $0x7BA00, s5  }
0xa: {  	s12 =	smul.u32 $0x50000, s1;
	s30 =	sshll.u32 s1, $0x6;
	_ =	strace $0x8000004A  }
0xb: {  	s8 =	smul.u32 $0x140000, s7;
	s28 =	sshll.u32 s7, $0x4;
	s7 =	ssub.s32 $0x2, s7  }
0xc: {  	s11 =	sshrl.u32 s6, $0x3;
	s13 =	sshrl.u32 s7, $0x1;
	s29 =	sshrl.u32 s12, $0x2  }
0xd: {  	s11 =	sadd.s32 s11, s5;
	s6 =	sadd.s32 s6, s8;
	s8 =	sor.u32 s1, s28  }
0xe: {  	s13 =	ssub.s32 s7, s13;
	s15 =	sadd.s32 s29, s2;
	s6 =	sshrl.u32 s6, $0x3  }
0xf: {  	s8 =	smul.u32 $0x2800, s8;
	s12 =	smax.u32 s13, $0x1;
	s13 =	sshrl.u32 s15, $0x3  }
0x10: {  	s15 =	simm.s32 $0x1400;
	s14 =	sadd.s32 s6, s5;
	s5 =	sadd.s32 $0x3200, s11  }
0x11: {  	s6 =	sor.u32 $0x1C03, s30;
	s8 =	sshrl.u32 s8, $0x3;
	s11 =	sadd.s32 $0x85A00, s14  }
0x12: {  	s14 =	simm.s32 $0x3;
	s31 =	sadd.s32 $0x280, s8;
	s7 =	sadd.s32 s9, s8  }
0x13: {  	s8 =	sadd.s32 s10, s8;
	s9 =	sadd.s32 s9, s31;
	s10 =	sadd.s32 s10, s31  }
.LBB2_1:
0x14: {  	[spmem:s13], [sflag:s6] =	dma.local [hbm:s5], $0x2800  }
0x15: {  	_ =	swait.ge [sflag:s14], $0x2800  }
0x16: {  	[sflag:s14] =	ssyncset.done $0x0  }
0x17: {  	[sflag:s14] =	ssyncadd.s32 $0xFFFFD800  }
0x18: {  	[bflag:$0x0] =	sbarrier.arrive $0xFFFF  }
0x19: {  	[tilespmem:s3], [sflag:$0x3] =	stream.linear.gather [hbm4b:s7+s3], $0x1400, $0x38;
	[tilespmem:$0x1E800] =	vst v63  }
0x1a: {  	_ =	swait.ge [sflag:s14], $0x1400  }
0x1b: {  	[sflag:s14] =	ssyncset.done $0x0  }
0x1c: {  	[sflag:s14] =	ssyncadd.s32 $0xFFFFEC00  }
0x1d: {  	[tilespmem:s15], [sflag:$0x3] =	stream.linear.gather [hbm4b:s8+s3], $0x1400, $0x38;
	[tilespmem:$0x1E800] =	vst v63  }
0x1e: {  	_ =	swait.ge [sflag:s14], $0x1400  }
0x1f: {  	[sflag:s14] =	ssyncset.done $0x0  }
0x20: {  	[sflag:s14] =	ssyncadd.s32 $0xFFFFEC00  }
0x21: {  	[tilespmem:s17], [sflag:$0x1] =	stream.indirect.gather [hbm4b:s4+s16], $0x80, s3, s16, $0xb8;
	[tilespmem:$0x1E800] =	vst v63  }
0x22: {  	s25 =	simm.s32 $0x80  }
0x23: {  	[tilespmem:s18], [sflag:$0x2] =	stream.indirect.gather [hbm4b:s4+s16], $0x80, s25, s16, $0xb8;
	[tilespmem:$0x1E800] =	vst v63  }
0x24: {  	_ =	swait.ge [sflag:s19], $0x4000  }
0x25: {  	[sflag:s19] =	ssyncset.done $0x0  }
0x26: {  	s29 =	simm.s32 $0x1400;
	[sflag:s19] =	ssyncadd.s32 $0xFFFFC000  }
0x27: {  	[spmem:s2] =	stream.indirect.scatter.add.f32 [tilespmem:s17], [sflag:$0x3], $0x80, s29, s16, $0xb8;
	[tilespmem:$0x1E800] =	vst v63  }
0x28: {  	_ =	swait.ge [sflag:s14], $0x4000  }
0x29: {  	[sflag:s14] =	ssyncset.done $0x0  }
0x2a: {  	s30 =	simm.s32 $0x100;
	[sflag:s14] =	ssyncadd.s32 $0xFFFFC000  }
0x2b: {  	[tilespmem:s17], [sflag:$0x1] =	stream.indirect.gather [hbm4b:s4+s16], $0x80, s30, s16, $0xb8;
	[tilespmem:$0x1E800] =	vst v63  }
0x2c: {  	_ =	swait.ge [sflag:s20], $0x4000  }
0x2d: {  	[sflag:s20] =	ssyncset.done $0x0  }
0x2e: {  	s31 =	simm.s32 $0x1480;
	[sflag:s20] =	ssyncadd.s32 $0xFFFFC000  }
0x2f: {  	[spmem:s2] =	stream.indirect.scatter.add.f32 [tilespmem:s18], [sflag:$0x3], $0x80, s31, s16, $0xb8;
	[tilespmem:$0x1E800] =	vst v63  }
0x30: {  	_ =	swait.ge [sflag:s14], $0x4000  }
0x31: {  	s26 =	simm.s32 $0x800;
	s25 =	simm.s32 $0x100;
	[sflag:s14] =	ssyncset.done $0x0  }
.LBB2_2:
0x32: {  	s28 =	sadd.s32 $0x80, s25  }
0x33: {  	[sflag:s14] =	ssyncadd.s32 $0xFFFFC000;
	s29 =	smov.u32 s26;
	s30 =	sadd.s32 $0x400, s26  }
0x34: {  	[tilespmem:s18], [sflag:$0x2] =	stream.indirect.gather [hbm4b:s4+s16], $0x80, s28, s16, $0xb8;
	[tilespmem:$0x1E800] =	vst v63  }
0x35: {  	p0 =	sne.s32 s26, $0x4800;
	_ =	swait.ge [sflag:s19], $0x4000  }
0x36: {  	[sflag:s19] =	ssyncset.done $0x0  }
0x37: {  	s26 =	sadd.s32 $0x1400, s25;
	[sflag:s19] =	ssyncadd.s32 $0xFFFFC000  }
0x38: {  	[spmem:s2] =	stream.indirect.scatter.add.f32 [tilespmem:s17], [sflag:$0x3], $0x80, s26, s16, $0xb8;
	[tilespmem:$0x1E800] =	vst v63  }
0x39: {  	_ =	swait.ge [sflag:s14], $0x4000  }
0x3a: {  	[sflag:s14] =	ssyncset.done $0x0  }
0x3b: {  	s26 =	sadd.s32 $0x100, s25;
	[sflag:s14] =	ssyncadd.s32 $0xFFFFC000  }
0x3c: {  	[tilespmem:s17], [sflag:$0x1] =	stream.indirect.gather [hbm4b:s4+s16], $0x80, s26, s16, $0xb8;
	[tilespmem:$0x1E800] =	vst v63  }
0x3d: {  	_ =	swait.ge [sflag:s20], $0x4000  }
.Ltmp0:
0x3e: {  	[sflag:s20] =	ssyncset.done $0x0;
	(pc) =	sbr.rel @p0 .LBB2_2-.Ltmp0, $4  }
0x3f: {  	s25 =	sadd.s32 $0x1480, s25;
	[sflag:s20] =	ssyncadd.s32 $0xFFFFC000  }
0x40: {  	[spmem:s2] =	stream.indirect.scatter.add.f32 [tilespmem:s18], [sflag:$0x3], $0x80, s25, s16, $0xb8;
	[tilespmem:$0x1E800] =	vst v63  }
0x41: {  	_ =	swait.ge [sflag:s14], $0x4000  }
0x42: {  	s26 =	smov.u32 s30;
	s25 =	sshra.s32 s29, $0x2;
	[sflag:s14] =	ssyncset.done $0x0  }
0x43: {  	s26 =	sadd.s32 $0x80, s25;
	[sflag:s14] =	ssyncadd.s32 $0xFFFFC000  }
0x44: {  	[tilespmem:s18], [sflag:$0x2] =	stream.indirect.gather [hbm4b:s4+s16], $0x80, s26, s16, $0xb8;
	[tilespmem:$0x1E800] =	vst v63  }
0x45: {  	_ =	swait.ge [sflag:s19], $0x4000  }
0x46: {  	[sflag:s19] =	ssyncset.done $0x0  }
0x47: {  	s29 =	sadd.s32 $0x1400, s25;
	[sflag:s19] =	ssyncadd.s32 $0xFFFFC000  }
0x48: {  	[spmem:s2] =	stream.indirect.scatter.add.f32 [tilespmem:s17], [sflag:$0x3], $0x80, s29, s16, $0xb8;
	[tilespmem:$0x1E800] =	vst v63  }
0x49: {  	_ =	swait.ge [sflag:s14], $0x4000  }
0x4a: {  	[sflag:s14] =	ssyncset.done $0x0  }
0x4b: {  	s30 =	sadd.s32 $0x100, s25;
	[sflag:s14] =	ssyncadd.s32 $0xFFFFC000  }
0x4c: {  	[tilespmem:s17], [sflag:$0x1] =	stream.indirect.gather [hbm4b:s4+s16], $0x80, s30, s16, $0xb8;
	[tilespmem:$0x1E800] =	vst v63  }
0x4d: {  	_ =	swait.ge [sflag:s20], $0x4000  }
0x4e: {  	[sflag:s20] =	ssyncset.done $0x0  }
0x4f: {  	s31 =	sadd.s32 $0x1480, s25;
	[sflag:s20] =	ssyncadd.s32 $0xFFFFC000  }
0x50: {  	[spmem:s2] =	stream.indirect.scatter.add.f32 [tilespmem:s18], [sflag:$0x3], $0x80, s31, s16, $0xb8;
	[tilespmem:$0x1E800] =	vst v63  }
0x51: {  	_ =	swait.ge [sflag:s14], $0x4000  }
0x52: {  	[sflag:s14] =	ssyncset.done $0x0  }
0x53: {  	[sflag:s14] =	ssyncadd.s32 $0xFFFFC000  }
0x54: {  	[tilespmem:s18], [sflag:$0x2] =	stream.indirect.gather [hbm4b:s4+s16], $0x80, s21, s16, $0xb8;
	[tilespmem:$0x1E800] =	vst v63  }
0x55: {  	_ =	swait.ge [sflag:s19], $0x4000  }
0x56: {  	[sflag:s19] =	ssyncset.done $0x0  }
0x57: {  	[sflag:s19] =	ssyncadd.s32 $0xFFFFC000  }
0x58: {  	[spmem:s2] =	stream.indirect.scatter.add.f32 [tilespmem:s17], [sflag:$0x3], $0x80, s22, s16, $0xb8;
	[tilespmem:$0x1E800] =	vst v63  }
0x59: {  	_ =	swait.ge [sflag:s14], $0x4000  }
0x5a: {  	[sflag:s14] =	ssyncset.done $0x0  }
0x5b: {  	[sflag:s14] =	ssyncadd.s32 $0xFFFFC000  }
0x5c: {  	_ =	swait.ge [sflag:s20], $0x4000  }
0x5d: {  	[sflag:s20] =	ssyncset.done $0x0  }
0x5e: {  	[sflag:s20] =	ssyncadd.s32 $0xFFFFC000  }
0x5f: {  	[spmem:s2] =	stream.indirect.scatter.add.f32 [tilespmem:s18], [sflag:$0x3], $0x80, s23, s16, $0xb8;
	[tilespmem:$0x1E800] =	vst v63  }
0x60: {  	_ =	swait.ge [sflag:s14], $0x4000  }
0x61: {  	[sflag:s14] =	ssyncset.done $0x0  }
0x62: {  	s26 =	simm.s32 $0x0;
	[sflag:s14] =	ssyncadd.s32 $0xFFFFC000  }
0x63: {  	[tilespmem:s26], [sflag:$0x3] =	stream.linear.gather [hbm4b:s9+s26], $0x1400, $0x38;
	[tilespmem:$0x1E800] =	vst v63  }
0x64: {  	_ =	swait.ge [sflag:s14], $0x1400  }
0x65: {  	[sflag:s14] =	ssyncset.done $0x0  }
0x66: {  	[sflag:s14] =	ssyncadd.s32 $0xFFFFEC00  }
0x67: {  	[tilespmem:s15], [sflag:$0x3] =	stream.linear.gather [hbm4b:s10+s26], $0x1400, $0x38;
	[tilespmem:$0x1E800] =	vst v63  }
0x68: {  	_ =	swait.ge [sflag:s14], $0x1400  }
0x69: {  	[sflag:s14] =	ssyncset.done $0x0  }
0x6a: {  	[sflag:s14] =	ssyncadd.s32 $0xFFFFEC00  }
0x6b: {  	[tilespmem:s17], [sflag:$0x1] =	stream.indirect.gather [hbm4b:s4+s16], $0x80, s26, s16, $0xb8;
	[tilespmem:$0x1E800] =	vst v63  }
0x6c: {  	s28 =	simm.s32 $0x80  }
0x6d: {  	[tilespmem:s18], [sflag:$0x2] =	stream.indirect.gather [hbm4b:s4+s16], $0x80, s28, s16, $0xb8;
	[tilespmem:$0x1E800] =	vst v63  }
0x6e: {  	_ =	swait.ge [sflag:s19], $0x4000  }
0x6f: {  	[sflag:s19] =	ssyncset.done $0x0  }
0x70: {  	s29 =	simm.s32 $0x1400;
	[sflag:s19] =	ssyncadd.s32 $0xFFFFC000  }
0x71: {  	[spmem:s2] =	stream.indirect.scatter.add.f32 [tilespmem:s17], [sflag:$0x3], $0x80, s29, s16, $0xb8;
	[tilespmem:$0x1E800] =	vst v63  }
0x72: {  	_ =	swait.ge [sflag:s14], $0x4000  }
0x73: {  	[sflag:s14] =	ssyncset.done $0x0  }
0x74: {  	s30 =	simm.s32 $0x100;
	[sflag:s14] =	ssyncadd.s32 $0xFFFFC000  }
0x75: {  	[tilespmem:s17], [sflag:$0x1] =	stream.indirect.gather [hbm4b:s4+s16], $0x80, s30, s16, $0xb8;
	[tilespmem:$0x1E800] =	vst v63  }
0x76: {  	_ =	swait.ge [sflag:s20], $0x4000  }
0x77: {  	[sflag:s20] =	ssyncset.done $0x0  }
0x78: {  	s31 =	simm.s32 $0x1480;
	[sflag:s20] =	ssyncadd.s32 $0xFFFFC000  }
0x79: {  	[spmem:s2] =	stream.indirect.scatter.add.f32 [tilespmem:s18], [sflag:$0x3], $0x80, s31, s16, $0xb8;
	[tilespmem:$0x1E800] =	vst v63  }
0x7a: {  	_ =	swait.ge [sflag:s14], $0x4000  }
0x7b: {  	s25 =	simm.s32 $0x100;
	s26 =	simm.s32 $0x800;
	[sflag:s14] =	ssyncset.done $0x0  }
.LBB2_4:
0x7c: {  	s28 =	sadd.s32 $0x80, s25  }
0x7d: {  	[sflag:s14] =	ssyncadd.s32 $0xFFFFC000;
	s29 =	smov.u32 s26;
	s30 =	sadd.s32 $0x400, s26  }
0x7e: {  	[tilespmem:s18], [sflag:$0x2] =	stream.indirect.gather [hbm4b:s4+s16], $0x80, s28, s16, $0xb8;
	[tilespmem:$0x1E800] =	vst v63  }
0x7f: {  	p0 =	sne.s32 s26, $0x4800;
	_ =	swait.ge [sflag:s19], $0x4000  }
0x80: {  	[sflag:s19] =	ssyncset.done $0x0  }
0x81: {  	s26 =	sadd.s32 $0x1400, s25;
	[sflag:s19] =	ssyncadd.s32 $0xFFFFC000  }
0x82: {  	[spmem:s2] =	stream.indirect.scatter.add.f32 [tilespmem:s17], [sflag:$0x3], $0x80, s26, s16, $0xb8;
	[tilespmem:$0x1E800] =	vst v63  }
0x83: {  	_ =	swait.ge [sflag:s14], $0x4000  }
0x84: {  	[sflag:s14] =	ssyncset.done $0x0  }
0x85: {  	s26 =	sadd.s32 $0x100, s25;
	[sflag:s14] =	ssyncadd.s32 $0xFFFFC000  }
0x86: {  	[tilespmem:s17], [sflag:$0x1] =	stream.indirect.gather [hbm4b:s4+s16], $0x80, s26, s16, $0xb8;
	[tilespmem:$0x1E800] =	vst v63  }
0x87: {  	_ =	swait.ge [sflag:s20], $0x4000  }
.Ltmp1:
0x88: {  	[sflag:s20] =	ssyncset.done $0x0;
	(pc) =	sbr.rel @p0 .LBB2_4-.Ltmp1, $4  }
0x89: {  	s25 =	sadd.s32 $0x1480, s25;
	[sflag:s20] =	ssyncadd.s32 $0xFFFFC000  }
0x8a: {  	[spmem:s2] =	stream.indirect.scatter.add.f32 [tilespmem:s18], [sflag:$0x3], $0x80, s25, s16, $0xb8;
	[tilespmem:$0x1E800] =	vst v63  }
0x8b: {  	_ =	swait.ge [sflag:s14], $0x4000  }
0x8c: {  	s26 =	smov.u32 s30;
	s25 =	sshra.s32 s29, $0x2;
	[sflag:s14] =	ssyncset.done $0x0  }
0x8d: {  	s26 =	sadd.s32 $0x80, s25;
	[sflag:s14] =	ssyncadd.s32 $0xFFFFC000  }
0x8e: {  	[tilespmem:s18], [sflag:$0x2] =	stream.indirect.gather [hbm4b:s4+s16], $0x80, s26, s16, $0xb8;
	[tilespmem:$0x1E800] =	vst v63  }
0x8f: {  	_ =	swait.ge [sflag:s19], $0x4000  }
0x90: {  	[sflag:s19] =	ssyncset.done $0x0  }
0x91: {  	s29 =	sadd.s32 $0x1400, s25;
	[sflag:s19] =	ssyncadd.s32 $0xFFFFC000  }
0x92: {  	[spmem:s2] =	stream.indirect.scatter.add.f32 [tilespmem:s17], [sflag:$0x3], $0x80, s29, s16, $0xb8;
	[tilespmem:$0x1E800] =	vst v63  }
0x93: {  	_ =	swait.ge [sflag:s14], $0x4000  }
0x94: {  	[sflag:s14] =	ssyncset.done $0x0  }
0x95: {  	s30 =	sadd.s32 $0x100, s25;
	[sflag:s14] =	ssyncadd.s32 $0xFFFFC000  }
0x96: {  	[tilespmem:s17], [sflag:$0x1] =	stream.indirect.gather [hbm4b:s4+s16], $0x80, s30, s16, $0xb8;
	[tilespmem:$0x1E800] =	vst v63  }
0x97: {  	_ =	swait.ge [sflag:s20], $0x4000  }
0x98: {  	[sflag:s20] =	ssyncset.done $0x0  }
0x99: {  	s31 =	sadd.s32 $0x1480, s25;
	[sflag:s20] =	ssyncadd.s32 $0xFFFFC000  }
0x9a: {  	[spmem:s2] =	stream.indirect.scatter.add.f32 [tilespmem:s18], [sflag:$0x3], $0x80, s31, s16, $0xb8;
	[tilespmem:$0x1E800] =	vst v63  }
0x9b: {  	_ =	swait.ge [sflag:s14], $0x4000  }
0x9c: {  	[sflag:s14] =	ssyncset.done $0x0  }
0x9d: {  	[sflag:s14] =	ssyncadd.s32 $0xFFFFC000  }
0x9e: {  	[tilespmem:s18], [sflag:$0x2] =	stream.indirect.gather [hbm4b:s4+s16], $0x80, s21, s16, $0xb8;
	[tilespmem:$0x1E800] =	vst v63  }
0x9f: {  	_ =	swait.ge [sflag:s19], $0x4000  }
0xa0: {  	[sflag:s19] =	ssyncset.done $0x0  }
0xa1: {  	[sflag:s19] =	ssyncadd.s32 $0xFFFFC000  }
0xa2: {  	[spmem:s2] =	stream.indirect.scatter.add.f32 [tilespmem:s17], [sflag:$0x3], $0x80, s22, s16, $0xb8;
	[tilespmem:$0x1E800] =	vst v63  }
0xa3: {  	_ =	swait.ge [sflag:s14], $0x4000  }
0xa4: {  	[sflag:s14] =	ssyncset.done $0x0  }
0xa5: {  	[sflag:s14] =	ssyncadd.s32 $0xFFFFC000  }
0xa6: {  	_ =	swait.ge [sflag:s20], $0x4000  }
0xa7: {  	[sflag:s20] =	ssyncset.done $0x0  }
0xa8: {  	[sflag:s20] =	ssyncadd.s32 $0xFFFFC000  }
0xa9: {  	[spmem:s2] =	stream.indirect.scatter.add.f32 [tilespmem:s18], [sflag:$0x3], $0x80, s23, s16, $0xb8;
	[tilespmem:$0x1E800] =	vst v63  }
0xaa: {  	_ =	swait.ge [sflag:s14], $0x4000  }
0xab: {  	s24 =	sadd.s32 $0x1, s24;
	[sflag:s14] =	ssyncset.done $0x0  }
0xac: {  	p0 =	sne.s32 s24, s12;
	[sflag:s14] =	ssyncadd.s32 $0xFFFFC000  }
.Ltmp2:
0xad: {  	[bflag:$0x0] =	sbarrier.arrive $0xFFFF;
	(pc) =	sbr.rel @p0 .LBB2_1-.Ltmp2, $4  }
0xae: {  	[hbm:s11], [sflag:s6] =	dma.local [spmem:s13], $0x2800  }
0xaf: {  	_ =	swait.ge [sflag:s14], $0x2800  }
0xb0: {  	[sflag:s14] =	ssyncset.done $0x0  }
0xb1: {  	[sflag:s14] =	ssyncadd.s32 $0xFFFFD800  }
0xb2: {  	_ =	sfence.sel $0x180000  }
0xb3: {  	[bflag:$0x0] =	sbarrier.arrive $0xFFFF  }
0xb4: {  	p0 =	sne.s32 s1, $0x0;
	_ =	strace $0x9000004A  }
0xb5: {  	s0 =	sadd.s32 @!p0 $0x100000, s0;
	[bflag:$0x2] =	sbarrier.arrive $0xFFFF  }
0xb6: {  	[sflag:s0] =	ssyncadd.tile.s32 @!p0 $0x1;
	_ =	shalt  }
.Lfunc_end2:
_tile_overlayer_lowered:
.L_overlay_start_2:
0xb7: {  	(tag) =	ssettag $0x2  }
0xb8: {  	s0 =	rddreg [dreg:$0x0];
	s2 =	stileid.u32  }
0xb9: {  	s1 =	rddreg [dreg:$0x1];
	p0 =	sne.s32 s2, $0x0  }
0xba: {  	s3 =	rddreg [dreg:$0x2];
	[bflag:$0x3] =	sbarrier.arrive $0xFFFF;
	s2 =	simm.s32 @!p0 $0x1C03  }
0xbb: {  	[timem:s3], [sflag:s2] =	dma.local @!p0 [hbm:s0], s1  }
0xbc: {  	s0 =	simm.s32 @!p0 $0x3  }
0xbd: {  	_ =	swait.ge @!p0 [sflag:s0], s1  }
0xbe: {  	s1 =	ssub.s32 @!p0 $0x0, s1;
	[sflag:s0] =	ssyncset.done @!p0 $0x0  }
0xbf: {  	[sflag:s0] =	ssyncadd.s32 @!p0 s1  }
0xc0: {  	[bflag:$0x3] =	sbarrier.arrive $0xFFFF  }
0xc1: {  	_ =	shalt  }

// kernel: kernel.16.cloned.1.call-start
scs
__scs_entry_jumppad:
0x0: {  	(pc) =	sbr.rel $0x88, $3  }
0x1: {  	(tag) =	ssettag $0x0;
	lr =	simm.s32 $0x1  }
0x2: {  	[smem:$0x3F95] =	sst lr;
	_ =	strace $0xD0000000  }
0x3: {  	_ = 	snop  }
0x4: {  	_ = 	snop  }
0x5: {  	_ = 	snop  }
0x6: {  	_ = 	snop  }
0x7: {  	_ = 	snop  }
__scs_overlays_trampoline_lowered:
0x8: {  	[smem:$0x3FA4] =	sst s0  }
0x9: {  	[smem:$0x3FA5] =	sst s1  }
0xa: {  	[smem:$0x3FA6] =	sst s2  }
0xb: {  	[smem:$0x3FA7] =	sst s3  }
0xc: {  	[smem:$0x3FA8] =	sst s4  }
0xd: {  	[smem:$0x3FA9] =	sst s5  }
0xe: {  	[smem:$0x3FAA] =	sst s6  }
0xf: {  	[smem:$0x3FAB] =	sst s7  }
0x10: {  	[smem:$0x3FAC] =	sst s8  }
0x11: {  	[smem:$0x3FAD] =	sst s9;
	s0 =	simm.s32 @!p0 $0x0  }
0x12: {  	s1 =	sld [smem:$0x3F93];
	s0 =	simm.s32 @p0 $0x1  }
0x13: {  	[smem:$0x3FAE] =	sst s0;
	s0 =	simm.s32 @!p1 $0x0  }
0x14: {  	s2 =	sld [smem:$0x3F92];
	s0 =	simm.s32 @p1 $0x1  }
0x15: {  	[smem:$0x3FAF] =	sst s0;
	s0 =	simm.s32 @!p2 $0x0  }
0x16: {  	s3 =	sld [smem:$0x3FDB];
	s0 =	simm.s32 @p2 $0x1  }
0x17: {  	s4 =	simm.s32 $0x1BF5;
	[smem:$0x3FB1] =	sst s0  }
0x18: {  	s0 =	sld [smem:$0x3F94];
	_ =	swait.ge [sflag:s4], $0x0  }
0x19: {  	s7 =	sld [smem:$0x3F95]  }
0x1a: {  	s8 =	sadd.s32 $0xFFFFE003, lr  }
0x1b: {  	s9 =	sadd.s32 $0xFFFFFEF7, lr;
	s5 =	simm.s32 $0xFFFFFFFF;
	p2 =	slt.u32 s8, $0xFFFFF086  }
0x1c: {  	p1 =	slt.u32 s9, $0xF7A;
	s5 =	simm.s32 @!p2 $0x0  }
0x1d: {  	s5 =	simm.s32 @p1 $0x1;
	p0 =	seq.s32 s7, s2  }
0x1e: {  	s7 =	smul.u32 @!p0 $0xF7A, s2;
	p2 =	seq.s32 @!p0 s5, $0x0  }
0x1f: {  	s9 =	smul.u32 $0xF7A, s1;
	s8 =	simm.s32 @!p0 $0x1BF5;
	p2 =	por !p2, p0  }
0x20: {  	[sflag:s8] =	ssyncset.s32 @!p0 $0xFFFFF086;
	s6 =	sadd.s32 @!p0 s3, s7;
	s7 =	simm.s32 @!p0 $0x108  }
0x21: {  	s3 =	sadd.s32 s3, s9;
	s6 =	sadd.s32 @!p0 $0x88, s6;
	s7 =	simm.s32 @p2 $0x1082  }
0x22: {  	[simem:s7], [sflag:s8] =	dma.local @!p0 [hbm:s6], $0xF7A  }
0x23: {  	s9 =	sor.u32 $0xD0000000, s2;
	s6 =	simm.s32 $0x108;
	_ =	swait.ge @!p0 [sflag:s8], $0x0  }
0x24: {  	s3 =	sadd.s32 $0x88, s3;
	s6 =	simm.s32 @!p1 $0x1082;
	[sflag:s4] =	ssyncset.s32 $0xFFFFF086  }
0x25: {  	[simem:s6], [sflag:s4] =	dma.local [hbm:s3], $0xF7A  }
0x26: {  	[smem:$0x3F95] =	sst s1;
	(tag) =	ssettag s2;
	_ =	strace s9  }
0x27: {  	s1 =	sld [smem:$0x3FA5]  }
0x28: {  	s2 =	sld [smem:$0x3FA6]  }
0x29: {  	s4 =	sld [smem:$0x3FA8]  }
0x2a: {  	p0 =	seq.s32 s5, $0x0;
	s5 =	sld [smem:$0x3FA9]  }
0x2b: {  	s6 =	sld [smem:$0x3FAA]  }
0x2c: {  	s7 =	sld [smem:$0x3FAB]  }
0x2d: {  	s3 =	simm.s32 $0x108;
	s8 =	sld [smem:$0x3FAC]  }
0x2e: {  	s3 =	simm.s32 @!p0 $0x1082;
	s9 =	sld [smem:$0x3FAD]  }
0x2f: {  	lr =	sadd.s32 s0, s3;
	s0 =	sld [smem:$0x3FA4]  }
0x30: {  	s3 =	sld [smem:$0x3FA7]  }
0x31: {  	[smem:$0x3FB0] =	sst s10  }
0x32: {  	s10 =	sld [smem:$0x3FAE];
	_ =	sdelay $0x3  }
0x33: {  	p0 =	seq.s32 s10, $0x1;
	s10 =	sld [smem:$0x3FB0];
	_ =	sdelay $0x3  }
0x34: {  	[smem:$0x3FB0] =	sst s10  }
0x35: {  	s10 =	sld [smem:$0x3FAF];
	_ =	sdelay $0x3  }
0x36: {  	p1 =	seq.s32 s10, $0x1;
	s10 =	sld [smem:$0x3FB0];
	_ =	sdelay $0x3  }
0x37: {  	[smem:$0x3FB0] =	sst s10  }
0x38: {  	s10 =	sld [smem:$0x3FB1]  }
0x39: {  	_ = 	snop;
	(pc) =	sbr.ind lr, $3  }
0x3a: {  	_ = 	snop  }
0x3b: {  	_ = 	snop  }
0x3c: {  	p2 =	seq.s32 s10, $0x1;
	s10 =	sld [smem:$0x3FB0]  }
0x3d: {  	_ =	shalt  }
0x3e: {  	_ =	shalt  }
0x3f: {  	_ =	shalt  }
0x40: {  	_ =	shalt  }
0x41: {  	_ =	shalt  }
0x42: {  	_ =	shalt  }
0x43: {  	_ =	shalt  }
0x44: {  	_ =	shalt  }
0x45: {  	_ =	shalt  }
0x46: {  	_ =	shalt  }
0x47: {  	_ =	shalt  }
0x48: {  	_ =	shalt  }
0x49: {  	_ =	shalt  }
0x4a: {  	_ =	shalt  }
0x4b: {  	_ =	shalt  }
0x4c: {  	_ =	shalt  }
0x4d: {  	_ =	shalt  }
0x4e: {  	_ =	shalt  }
0x4f: {  	_ =	shalt  }
0x50: {  	_ =	shalt  }
0x51: {  	_ =	shalt  }
0x52: {  	_ =	shalt  }
0x53: {  	_ =	shalt  }
0x54: {  	_ =	shalt  }
0x55: {  	_ =	shalt  }
0x56: {  	_ =	shalt  }
0x57: {  	_ =	shalt  }
0x58: {  	_ =	shalt  }
0x59: {  	_ =	shalt  }
0x5a: {  	_ =	shalt  }
0x5b: {  	_ =	shalt  }
0x5c: {  	_ =	shalt  }
0x5d: {  	_ =	shalt  }
0x5e: {  	_ =	shalt  }
0x5f: {  	_ =	shalt  }
0x60: {  	_ =	shalt  }
0x61: {  	_ =	shalt  }
0x62: {  	_ =	shalt  }
0x63: {  	_ =	shalt  }
0x64: {  	_ =	shalt  }
0x65: {  	_ =	shalt  }
0x66: {  	_ =	shalt  }
0x67: {  	_ =	shalt  }
0x68: {  	_ =	shalt  }
0x69: {  	_ =	shalt  }
0x6a: {  	_ =	shalt  }
0x6b: {  	_ =	shalt  }
0x6c: {  	_ =	shalt  }
0x6d: {  	_ =	shalt  }
0x6e: {  	_ =	shalt  }
0x6f: {  	_ =	shalt  }
0x70: {  	_ =	shalt  }
0x71: {  	_ =	shalt  }
0x72: {  	_ =	shalt  }
0x73: {  	_ =	shalt  }
0x74: {  	_ =	shalt  }
0x75: {  	_ =	shalt  }
0x76: {  	_ =	shalt  }
0x77: {  	_ =	shalt  }
0x78: {  	_ =	shalt  }
0x79: {  	_ =	shalt  }
0x7a: {  	_ =	shalt  }
0x7b: {  	_ =	shalt  }
0x7c: {  	_ =	shalt  }
0x7d: {  	_ =	shalt  }
0x7e: {  	_ =	shalt  }
0x7f: {  	_ =	shalt  }
0x80: {  	_ =	shalt  }
0x81: {  	_ =	shalt  }
0x82: {  	_ =	shalt  }
0x83: {  	_ =	shalt  }
0x84: {  	_ =	shalt  }
0x85: {  	_ =	shalt  }
0x86: {  	_ =	shalt  }
0x87: {  	_ =	shalt  }
.Lfunc_end0:
.L_simem_size_0:
called_computation.2_lowered:
.L_overlay_start_0:
0x88: {  	s2 =	sld [smem:$0x3FD9]  }
0x89: {  	s3 =	sld [smem:$0x3FFE];
	_ =	sdelay $0x1  }
0x8a: {  	s1 =	srdreg.scid  }
0x8b: {  	s0 =	sand.u32 $0x1, s1  }
0x8c: {  	s17 =	sshll.u32 s0, $0xA;
	s2 =	sadd.s32 s3, s2  }
0x8d: {  	s2 =	sadd.s32 s2, s17  }
0x8e: {  	[smem:$0x3FBC] =	sst s2  }
0x8f: {  	_ = 	snop  }
0x90: {  	s2 =	sld [smem:$0x3FD0];
	(tm) =	ssettm $0x1  }
0x91: {  	s18 =	sld [smem:$0x3FFB];
	_ =	sdelay $0x3  }
0x92: {  	_ =	strace s18  }
0x93: {  	s3 =	sld [smem:$0x3FFC];
	_ =	sdelay $0x3  }
0x94: {  	_ =	strace s3  }
0x95: {  	s3 =	sld [smem:$0x3FFD];
	_ =	sdelay $0x3  }
0x96: {  	_ =	strace s3  }
0x97: {  	_ =	strace $0x8FFFFFFF  }
0x98: {  	s19 =	sld [smem:$0x3FDB];
	_ =	sdelay $0x1  }
0x99: {  	s4 =	simm.s32 $_scs_section_size  }
0x9a: {  	s5 =	simm.s32 $_size__tile_overlayer_lowered;
	s6 =	simm.s32 $_tile_overlayer_lowered  }
0x9b: {  	s22 =	simm.s32 $0x1BFF;
	s21 =	sshll.u32 s6, $0x1;
	s3 =	sadd.s32 s4, s19  }
0x9c: {  	s7 =	simm.s32 $0x0;
	s20 =	sshll.u32 s5, $0x1;
	s5 =	sadd.s32 s21, s3  }
0x9d: {  	[timem:s7], [sflag:s22] =	dma.local [hbm:s5], s20  }
0x9e: {  	_ =	swait.ge [sflag:s22], s20  }
0x9f: {  	s4 =	ssub.s32 $0x0, s20;
	[sflag:s22] =	ssyncset.done $0x0  }
0xa0: {  	[sflag:s22] =	ssyncadd.s32 s4;
	_ =	sdelay $0x1  }
0xa1: {  	s23 =	simm.s32 $0x1B8B  }
0xa2: {  	_ =	swait.ge [sflag:s23], $0x1  }
0xa3: {  	[sflag:s23] =	ssyncset.done $0x0  }
0xa4: {  	s25 =	simm.s32 $0x1B8E;
	s24 =	sld [smem:$0x3FFE];
	[sflag:s23] =	ssyncadd.s32 $0xFFFFFFFF  }
0xa5: {  	s26 =	simm.s32 $execute0_lowered;
	[smem:$0x3FD2] =	sst s25  }
0xa6: {  	s5 =	sshll.u32 s26, $0x1;
	_ =	strace $0x8000004C;
	[dreg:$0x1] =	wrdreg $0xFFFFFFFF  }
0xa7: {  	s28 =	simm.s32 $_size_execute0_lowered;
	s3 =	sadd.s32 s3, s5;
	[dreg:$0x0] =	wrdreg $0x0  }
0xa8: {  	s5 =	sshll.u32 s28, $0x1;
	[dreg:$0x2] =	wrdreg s3  }
0xa9: {  	[dreg:$0x3] =	wrdreg s5  }
0xaa: {  	[dreg:$0x4] =	wrdreg $0xC0  }
0xab: {  	_ =	task [dreg:s7], $0x5FFFF  }
0xac: {  	[dreg:$0x1] =	wrdreg $0xFFFFFFFF  }
0xad: {  	[dreg:$0x0] =	wrdreg $0x60  }
0xae: {  	[dreg:$0x2] =	wrdreg s24  }
0xaf: {  	[dreg:$0x3] =	wrdreg s2  }
0xb0: {  	[dreg:$0x4] =	wrdreg $0xA8000  }
0xb1: {  	[dreg:$0x5] =	wrdreg $0x9  }
0xb2: {  	_ =	task.clear_ibuf [dreg:s7], $0x6FFFF;
	_ =	strace $0x9000004C  }
0xb3: {  	s29 =	simm.s32 $0x9;
	_ =	strace $0x8000004E  }
0xb4: {  	_ =	swait.ge [sflag:s29], $0x1  }
0xb5: {  	[sflag:s29] =	ssyncadd.s32 $0xFFFFFFFF  }
0xb6: {  	_ =	strace $0x9000004E  }
0xb7: {  	_ =	sfence  }
0xb8: {  	s30 =	sld [smem:$0x0];
	_ =	sdelay $0x2  }
0xb9: {  	s31 =	sshll.u32 s1, $0xD;
	s1 =	sshrl.u32 s1, $0x2  }
0xba: {  	s3 =	sand.u32 $0x4000, s31;
	s1 =	sadd.s32 s1, s30  }
0xbb: {  	s0 =	sor.u32 s3, s0;
	s1 =	sshll.u32 s1, $0x11  }
0xbc: {  	s0 =	sor.u32 s1, s0  }
0xbd: {  	s0 =	sadd.s32 $0x8F2B, s0  }
0xbe: {  	[sflag:s0] =	ssyncadd.remote.s32 $0x1  }
0xbf: {  	_ =	sfence.sel $0xFFFF  }
0xc0: {  	[dreg:$0x0] =	wrdreg $0xFFFFFFFF;
	(pc) =	sbr.abs _section_cstart, $3  }
0xc1: {  	[dreg:$0x1] =	wrdreg $0xFFFFFFFF  }
0xc2: {  	_ =	task.clear_ibuf [dreg:s7], $0x2FFFF;
	_ =	strace $0x9FFFFFFF  }
0xc3: {  	(tm) =	ssettm $0x7FFFFFFF  }
tec
execute0_lowered:
.L_overlay_start_1:
0x0: {  	(tag) =	ssettag $0x1  }
0x1: {  	s5 =	rddreg [dreg:$0x0]  }
0x2: {  	s10 =	rddreg [dreg:$0x1]  }
0x3: {  	s2 =	rddreg [dreg:$0x2]  }
0x4: {  	s0 =	rddreg [dreg:$0x3];
	s3 =	simm.s32 $0x0;
	s1 =	stileid.u32  }
0x5: {  	s4 =	srdreg.scid;
	s16 =	simm.s32 $0x80;
	s17 =	simm.s32 $0x2800  }
0x6: {  	s18 =	simm.s32 $0x6800;
	s19 =	simm.s32 $0x1;
	s20 =	simm.s32 $0x2  }
0x7: {  	s21 =	simm.s32 $0x1380;
	s22 =	simm.s32 $0x2700;
	s23 =	simm.s32 $0x2780  }
0x8: {  	s24 =	simm.s32 $0x0;
	[smem:$0x7FF] =	sst s3;
	s6 =	smul.u32 $0x14000, s1  }
0x9: {  	s7 =	sand.u32 $0x1, s4;
	s4 =	sadd.s32 $0x2B200, s5;
	s9 =	sadd.s32 $0x7BA00, s5  }
0xa: {  	s12 =	smul.u32 $0x50000, s1;
	s30 =	sshll.u32 s1, $0x6;
	_ =	strace $0x8000004D  }
0xb: {  	s8 =	smul.u32 $0x140000, s7;
	s28 =	sshll.u32 s7, $0x4;
	s7 =	ssub.s32 $0x2, s7  }
0xc: {  	s11 =	sshrl.u32 s6, $0x3;
	s13 =	sshrl.u32 s7, $0x1;
	s29 =	sshrl.u32 s12, $0x2  }
0xd: {  	s11 =	sadd.s32 s11, s5;
	s6 =	sadd.s32 s6, s8;
	s8 =	sor.u32 s1, s28  }
0xe: {  	s13 =	ssub.s32 s7, s13;
	s15 =	sadd.s32 s29, s2;
	s6 =	sshrl.u32 s6, $0x3  }
0xf: {  	s8 =	smul.u32 $0x2800, s8;
	s12 =	smax.u32 s13, $0x1;
	s13 =	sshrl.u32 s15, $0x3  }
0x10: {  	s15 =	simm.s32 $0x1400;
	s14 =	sadd.s32 s6, s5;
	s5 =	sadd.s32 $0x3200, s11  }
0x11: {  	s6 =	sor.u32 $0x1C03, s30;
	s8 =	sshrl.u32 s8, $0x3;
	s11 =	sadd.s32 $0x85A00, s14  }
0x12: {  	s14 =	simm.s32 $0x3;
	s31 =	sadd.s32 $0x280, s8;
	s7 =	sadd.s32 s9, s8  }
0x13: {  	s8 =	sadd.s32 s10, s8;
	s9 =	sadd.s32 s9, s31;
	s10 =	sadd.s32 s10, s31  }
.LBB2_1:
0x14: {  	[spmem:s13], [sflag:s6] =	dma.local [hbm:s5], $0x2800  }
0x15: {  	_ =	swait.ge [sflag:s14], $0x2800  }
0x16: {  	[sflag:s14] =	ssyncset.done $0x0  }
0x17: {  	[sflag:s14] =	ssyncadd.s32 $0xFFFFD800  }
0x18: {  	[bflag:$0x0] =	sbarrier.arrive $0xFFFF  }
0x19: {  	[tilespmem:s3], [sflag:$0x3] =	stream.linear.gather [hbm4b:s7+s3], $0x1400, $0x38;
	[tilespmem:$0x1E800] =	vst v63  }
0x1a: {  	_ =	swait.ge [sflag:s14], $0x1400  }
0x1b: {  	[sflag:s14] =	ssyncset.done $0x0  }
0x1c: {  	[sflag:s14] =	ssyncadd.s32 $0xFFFFEC00  }
0x1d: {  	[tilespmem:s15], [sflag:$0x3] =	stream.linear.gather [hbm4b:s8+s3], $0x1400, $0x38;
	[tilespmem:$0x1E800] =	vst v63  }
0x1e: {  	_ =	swait.ge [sflag:s14], $0x1400  }
0x1f: {  	[sflag:s14] =	ssyncset.done $0x0  }
0x20: {  	[sflag:s14] =	ssyncadd.s32 $0xFFFFEC00  }
0x21: {  	[tilespmem:s17], [sflag:$0x1] =	stream.indirect.gather [hbm4b:s4+s16], $0x80, s3, s16, $0xb8;
	[tilespmem:$0x1E800] =	vst v63  }
0x22: {  	s25 =	simm.s32 $0x80  }
0x23: {  	[tilespmem:s18], [sflag:$0x2] =	stream.indirect.gather [hbm4b:s4+s16], $0x80, s25, s16, $0xb8;
	[tilespmem:$0x1E800] =	vst v63  }
0x24: {  	_ =	swait.ge [sflag:s19], $0x4000  }
0x25: {  	[sflag:s19] =	ssyncset.done $0x0  }
0x26: {  	s29 =	simm.s32 $0x1400;
	[sflag:s19] =	ssyncadd.s32 $0xFFFFC000  }
0x27: {  	[spmem:s2] =	stream.indirect.scatter.add.f32 [tilespmem:s17], [sflag:$0x3], $0x80, s29, s16, $0xb8;
	[tilespmem:$0x1E800] =	vst v63  }
0x28: {  	_ =	swait.ge [sflag:s14], $0x4000  }
0x29: {  	[sflag:s14] =	ssyncset.done $0x0  }
0x2a: {  	s30 =	simm.s32 $0x100;
	[sflag:s14] =	ssyncadd.s32 $0xFFFFC000  }
0x2b: {  	[tilespmem:s17], [sflag:$0x1] =	stream.indirect.gather [hbm4b:s4+s16], $0x80, s30, s16, $0xb8;
	[tilespmem:$0x1E800] =	vst v63  }
0x2c: {  	_ =	swait.ge [sflag:s20], $0x4000  }
0x2d: {  	[sflag:s20] =	ssyncset.done $0x0  }
0x2e: {  	s31 =	simm.s32 $0x1480;
	[sflag:s20] =	ssyncadd.s32 $0xFFFFC000  }
0x2f: {  	[spmem:s2] =	stream.indirect.scatter.add.f32 [tilespmem:s18], [sflag:$0x3], $0x80, s31, s16, $0xb8;
	[tilespmem:$0x1E800] =	vst v63  }
0x30: {  	_ =	swait.ge [sflag:s14], $0x4000  }
0x31: {  	s26 =	simm.s32 $0x800;
	s25 =	simm.s32 $0x100;
	[sflag:s14] =	ssyncset.done $0x0  }
.LBB2_2:
0x32: {  	s28 =	sadd.s32 $0x80, s25  }
0x33: {  	[sflag:s14] =	ssyncadd.s32 $0xFFFFC000;
	s29 =	smov.u32 s26;
	s30 =	sadd.s32 $0x400, s26  }
0x34: {  	[tilespmem:s18], [sflag:$0x2] =	stream.indirect.gather [hbm4b:s4+s16], $0x80, s28, s16, $0xb8;
	[tilespmem:$0x1E800] =	vst v63  }
0x35: {  	p0 =	sne.s32 s26, $0x4800;
	_ =	swait.ge [sflag:s19], $0x4000  }
0x36: {  	[sflag:s19] =	ssyncset.done $0x0  }
0x37: {  	s26 =	sadd.s32 $0x1400, s25;
	[sflag:s19] =	ssyncadd.s32 $0xFFFFC000  }
0x38: {  	[spmem:s2] =	stream.indirect.scatter.add.f32 [tilespmem:s17], [sflag:$0x3], $0x80, s26, s16, $0xb8;
	[tilespmem:$0x1E800] =	vst v63  }
0x39: {  	_ =	swait.ge [sflag:s14], $0x4000  }
0x3a: {  	[sflag:s14] =	ssyncset.done $0x0  }
0x3b: {  	s26 =	sadd.s32 $0x100, s25;
	[sflag:s14] =	ssyncadd.s32 $0xFFFFC000  }
0x3c: {  	[tilespmem:s17], [sflag:$0x1] =	stream.indirect.gather [hbm4b:s4+s16], $0x80, s26, s16, $0xb8;
	[tilespmem:$0x1E800] =	vst v63  }
0x3d: {  	_ =	swait.ge [sflag:s20], $0x4000  }
.Ltmp0:
0x3e: {  	[sflag:s20] =	ssyncset.done $0x0;
	(pc) =	sbr.rel @p0 .LBB2_2-.Ltmp0, $4  }
0x3f: {  	s25 =	sadd.s32 $0x1480, s25;
	[sflag:s20] =	ssyncadd.s32 $0xFFFFC000  }
0x40: {  	[spmem:s2] =	stream.indirect.scatter.add.f32 [tilespmem:s18], [sflag:$0x3], $0x80, s25, s16, $0xb8;
	[tilespmem:$0x1E800] =	vst v63  }
0x41: {  	_ =	swait.ge [sflag:s14], $0x4000  }
0x42: {  	s26 =	smov.u32 s30;
	s25 =	sshra.s32 s29, $0x2;
	[sflag:s14] =	ssyncset.done $0x0  }
0x43: {  	s26 =	sadd.s32 $0x80, s25;
	[sflag:s14] =	ssyncadd.s32 $0xFFFFC000  }
0x44: {  	[tilespmem:s18], [sflag:$0x2] =	stream.indirect.gather [hbm4b:s4+s16], $0x80, s26, s16, $0xb8;
	[tilespmem:$0x1E800] =	vst v63  }
0x45: {  	_ =	swait.ge [sflag:s19], $0x4000  }
0x46: {  	[sflag:s19] =	ssyncset.done $0x0  }
0x47: {  	s29 =	sadd.s32 $0x1400, s25;
	[sflag:s19] =	ssyncadd.s32 $0xFFFFC000  }
0x48: {  	[spmem:s2] =	stream.indirect.scatter.add.f32 [tilespmem:s17], [sflag:$0x3], $0x80, s29, s16, $0xb8;
	[tilespmem:$0x1E800] =	vst v63  }
0x49: {  	_ =	swait.ge [sflag:s14], $0x4000  }
0x4a: {  	[sflag:s14] =	ssyncset.done $0x0  }
0x4b: {  	s30 =	sadd.s32 $0x100, s25;
	[sflag:s14] =	ssyncadd.s32 $0xFFFFC000  }
0x4c: {  	[tilespmem:s17], [sflag:$0x1] =	stream.indirect.gather [hbm4b:s4+s16], $0x80, s30, s16, $0xb8;
	[tilespmem:$0x1E800] =	vst v63  }
0x4d: {  	_ =	swait.ge [sflag:s20], $0x4000  }
0x4e: {  	[sflag:s20] =	ssyncset.done $0x0  }
0x4f: {  	s31 =	sadd.s32 $0x1480, s25;
	[sflag:s20] =	ssyncadd.s32 $0xFFFFC000  }
0x50: {  	[spmem:s2] =	stream.indirect.scatter.add.f32 [tilespmem:s18], [sflag:$0x3], $0x80, s31, s16, $0xb8;
	[tilespmem:$0x1E800] =	vst v63  }
0x51: {  	_ =	swait.ge [sflag:s14], $0x4000  }
0x52: {  	[sflag:s14] =	ssyncset.done $0x0  }
0x53: {  	[sflag:s14] =	ssyncadd.s32 $0xFFFFC000  }
0x54: {  	[tilespmem:s18], [sflag:$0x2] =	stream.indirect.gather [hbm4b:s4+s16], $0x80, s21, s16, $0xb8;
	[tilespmem:$0x1E800] =	vst v63  }
0x55: {  	_ =	swait.ge [sflag:s19], $0x4000  }
0x56: {  	[sflag:s19] =	ssyncset.done $0x0  }
0x57: {  	[sflag:s19] =	ssyncadd.s32 $0xFFFFC000  }
0x58: {  	[spmem:s2] =	stream.indirect.scatter.add.f32 [tilespmem:s17], [sflag:$0x3], $0x80, s22, s16, $0xb8;
	[tilespmem:$0x1E800] =	vst v63  }
0x59: {  	_ =	swait.ge [sflag:s14], $0x4000  }
0x5a: {  	[sflag:s14] =	ssyncset.done $0x0  }
0x5b: {  	[sflag:s14] =	ssyncadd.s32 $0xFFFFC000  }
0x5c: {  	_ =	swait.ge [sflag:s20], $0x4000  }
0x5d: {  	[sflag:s20] =	ssyncset.done $0x0  }
0x5e: {  	[sflag:s20] =	ssyncadd.s32 $0xFFFFC000  }
0x5f: {  	[spmem:s2] =	stream.indirect.scatter.add.f32 [tilespmem:s18], [sflag:$0x3], $0x80, s23, s16, $0xb8;
	[tilespmem:$0x1E800] =	vst v63  }
0x60: {  	_ =	swait.ge [sflag:s14], $0x4000  }
0x61: {  	[sflag:s14] =	ssyncset.done $0x0  }
0x62: {  	s26 =	simm.s32 $0x0;
	[sflag:s14] =	ssyncadd.s32 $0xFFFFC000  }
0x63: {  	[tilespmem:s26], [sflag:$0x3] =	stream.linear.gather [hbm4b:s9+s26], $0x1400, $0x38;
	[tilespmem:$0x1E800] =	vst v63  }
0x64: {  	_ =	swait.ge [sflag:s14], $0x1400  }
0x65: {  	[sflag:s14] =	ssyncset.done $0x0  }
0x66: {  	[sflag:s14] =	ssyncadd.s32 $0xFFFFEC00  }
0x67: {  	[tilespmem:s15], [sflag:$0x3] =	stream.linear.gather [hbm4b:s10+s26], $0x1400, $0x38;
	[tilespmem:$0x1E800] =	vst v63  }
0x68: {  	_ =	swait.ge [sflag:s14], $0x1400  }
0x69: {  	[sflag:s14] =	ssyncset.done $0x0  }
0x6a: {  	[sflag:s14] =	ssyncadd.s32 $0xFFFFEC00  }
0x6b: {  	[tilespmem:s17], [sflag:$0x1] =	stream.indirect.gather [hbm4b:s4+s16], $0x80, s26, s16, $0xb8;
	[tilespmem:$0x1E800] =	vst v63  }
0x6c: {  	s28 =	simm.s32 $0x80  }
0x6d: {  	[tilespmem:s18], [sflag:$0x2] =	stream.indirect.gather [hbm4b:s4+s16], $0x80, s28, s16, $0xb8;
	[tilespmem:$0x1E800] =	vst v63  }
0x6e: {  	_ =	swait.ge [sflag:s19], $0x4000  }
0x6f: {  	[sflag:s19] =	ssyncset.done $0x0  }
0x70: {  	s29 =	simm.s32 $0x1400;
	[sflag:s19] =	ssyncadd.s32 $0xFFFFC000  }
0x71: {  	[spmem:s2] =	stream.indirect.scatter.add.f32 [tilespmem:s17], [sflag:$0x3], $0x80, s29, s16, $0xb8;
	[tilespmem:$0x1E800] =	vst v63  }
0x72: {  	_ =	swait.ge [sflag:s14], $0x4000  }
0x73: {  	[sflag:s14] =	ssyncset.done $0x0  }
0x74: {  	s30 =	simm.s32 $0x100;
	[sflag:s14] =	ssyncadd.s32 $0xFFFFC000  }
0x75: {  	[tilespmem:s17], [sflag:$0x1] =	stream.indirect.gather [hbm4b:s4+s16], $0x80, s30, s16, $0xb8;
	[tilespmem:$0x1E800] =	vst v63  }
0x76: {  	_ =	swait.ge [sflag:s20], $0x4000  }
0x77: {  	[sflag:s20] =	ssyncset.done $0x0  }
0x78: {  	s31 =	simm.s32 $0x1480;
	[sflag:s20] =	ssyncadd.s32 $0xFFFFC000  }
0x79: {  	[spmem:s2] =	stream.indirect.scatter.add.f32 [tilespmem:s18], [sflag:$0x3], $0x80, s31, s16, $0xb8;
	[tilespmem:$0x1E800] =	vst v63  }
0x7a: {  	_ =	swait.ge [sflag:s14], $0x4000  }
0x7b: {  	s25 =	simm.s32 $0x100;
	s26 =	simm.s32 $0x800;
	[sflag:s14] =	ssyncset.done $0x0  }
.LBB2_4:
0x7c: {  	s28 =	sadd.s32 $0x80, s25  }
0x7d: {  	[sflag:s14] =	ssyncadd.s32 $0xFFFFC000;
	s29 =	smov.u32 s26;
	s30 =	sadd.s32 $0x400, s26  }
0x7e: {  	[tilespmem:s18], [sflag:$0x2] =	stream.indirect.gather [hbm4b:s4+s16], $0x80, s28, s16, $0xb8;
	[tilespmem:$0x1E800] =	vst v63  }
0x7f: {  	p0 =	sne.s32 s26, $0x4800;
	_ =	swait.ge [sflag:s19], $0x4000  }
0x80: {  	[sflag:s19] =	ssyncset.done $0x0  }
0x81: {  	s26 =	sadd.s32 $0x1400, s25;
	[sflag:s19] =	ssyncadd.s32 $0xFFFFC000  }
0x82: {  	[spmem:s2] =	stream.indirect.scatter.add.f32 [tilespmem:s17], [sflag:$0x3], $0x80, s26, s16, $0xb8;
	[tilespmem:$0x1E800] =	vst v63  }
0x83: {  	_ =	swait.ge [sflag:s14], $0x4000  }
0x84: {  	[sflag:s14] =	ssyncset.done $0x0  }
0x85: {  	s26 =	sadd.s32 $0x100, s25;
	[sflag:s14] =	ssyncadd.s32 $0xFFFFC000  }
0x86: {  	[tilespmem:s17], [sflag:$0x1] =	stream.indirect.gather [hbm4b:s4+s16], $0x80, s26, s16, $0xb8;
	[tilespmem:$0x1E800] =	vst v63  }
0x87: {  	_ =	swait.ge [sflag:s20], $0x4000  }
.Ltmp1:
0x88: {  	[sflag:s20] =	ssyncset.done $0x0;
	(pc) =	sbr.rel @p0 .LBB2_4-.Ltmp1, $4  }
0x89: {  	s25 =	sadd.s32 $0x1480, s25;
	[sflag:s20] =	ssyncadd.s32 $0xFFFFC000  }
0x8a: {  	[spmem:s2] =	stream.indirect.scatter.add.f32 [tilespmem:s18], [sflag:$0x3], $0x80, s25, s16, $0xb8;
	[tilespmem:$0x1E800] =	vst v63  }
0x8b: {  	_ =	swait.ge [sflag:s14], $0x4000  }
0x8c: {  	s26 =	smov.u32 s30;
	s25 =	sshra.s32 s29, $0x2;
	[sflag:s14] =	ssyncset.done $0x0  }
0x8d: {  	s26 =	sadd.s32 $0x80, s25;
	[sflag:s14] =	ssyncadd.s32 $0xFFFFC000  }
0x8e: {  	[tilespmem:s18], [sflag:$0x2] =	stream.indirect.gather [hbm4b:s4+s16], $0x80, s26, s16, $0xb8;
	[tilespmem:$0x1E800] =	vst v63  }
0x8f: {  	_ =	swait.ge [sflag:s19], $0x4000  }
0x90: {  	[sflag:s19] =	ssyncset.done $0x0  }
0x91: {  	s29 =	sadd.s32 $0x1400, s25;
	[sflag:s19] =	ssyncadd.s32 $0xFFFFC000  }
0x92: {  	[spmem:s2] =	stream.indirect.scatter.add.f32 [tilespmem:s17], [sflag:$0x3], $0x80, s29, s16, $0xb8;
	[tilespmem:$0x1E800] =	vst v63  }
0x93: {  	_ =	swait.ge [sflag:s14], $0x4000  }
0x94: {  	[sflag:s14] =	ssyncset.done $0x0  }
0x95: {  	s30 =	sadd.s32 $0x100, s25;
	[sflag:s14] =	ssyncadd.s32 $0xFFFFC000  }
0x96: {  	[tilespmem:s17], [sflag:$0x1] =	stream.indirect.gather [hbm4b:s4+s16], $0x80, s30, s16, $0xb8;
	[tilespmem:$0x1E800] =	vst v63  }
0x97: {  	_ =	swait.ge [sflag:s20], $0x4000  }
0x98: {  	[sflag:s20] =	ssyncset.done $0x0  }
0x99: {  	s31 =	sadd.s32 $0x1480, s25;
	[sflag:s20] =	ssyncadd.s32 $0xFFFFC000  }
0x9a: {  	[spmem:s2] =	stream.indirect.scatter.add.f32 [tilespmem:s18], [sflag:$0x3], $0x80, s31, s16, $0xb8;
	[tilespmem:$0x1E800] =	vst v63  }
0x9b: {  	_ =	swait.ge [sflag:s14], $0x4000  }
0x9c: {  	[sflag:s14] =	ssyncset.done $0x0  }
0x9d: {  	[sflag:s14] =	ssyncadd.s32 $0xFFFFC000  }
0x9e: {  	[tilespmem:s18], [sflag:$0x2] =	stream.indirect.gather [hbm4b:s4+s16], $0x80, s21, s16, $0xb8;
	[tilespmem:$0x1E800] =	vst v63  }
0x9f: {  	_ =	swait.ge [sflag:s19], $0x4000  }
0xa0: {  	[sflag:s19] =	ssyncset.done $0x0  }
0xa1: {  	[sflag:s19] =	ssyncadd.s32 $0xFFFFC000  }
0xa2: {  	[spmem:s2] =	stream.indirect.scatter.add.f32 [tilespmem:s17], [sflag:$0x3], $0x80, s22, s16, $0xb8;
	[tilespmem:$0x1E800] =	vst v63  }
0xa3: {  	_ =	swait.ge [sflag:s14], $0x4000  }
0xa4: {  	[sflag:s14] =	ssyncset.done $0x0  }
0xa5: {  	[sflag:s14] =	ssyncadd.s32 $0xFFFFC000  }
0xa6: {  	_ =	swait.ge [sflag:s20], $0x4000  }
0xa7: {  	[sflag:s20] =	ssyncset.done $0x0  }
0xa8: {  	[sflag:s20] =	ssyncadd.s32 $0xFFFFC000  }
0xa9: {  	[spmem:s2] =	stream.indirect.scatter.add.f32 [tilespmem:s18], [sflag:$0x3], $0x80, s23, s16, $0xb8;
	[tilespmem:$0x1E800] =	vst v63  }
0xaa: {  	_ =	swait.ge [sflag:s14], $0x4000  }
0xab: {  	s24 =	sadd.s32 $0x1, s24;
	[sflag:s14] =	ssyncset.done $0x0  }
0xac: {  	p0 =	sne.s32 s24, s12;
	[sflag:s14] =	ssyncadd.s32 $0xFFFFC000  }
.Ltmp2:
0xad: {  	[bflag:$0x0] =	sbarrier.arrive $0xFFFF;
	(pc) =	sbr.rel @p0 .LBB2_1-.Ltmp2, $4  }
0xae: {  	[hbm:s11], [sflag:s6] =	dma.local [spmem:s13], $0x2800  }
0xaf: {  	_ =	swait.ge [sflag:s14], $0x2800  }
0xb0: {  	[sflag:s14] =	ssyncset.done $0x0  }
0xb1: {  	[sflag:s14] =	ssyncadd.s32 $0xFFFFD800  }
0xb2: {  	_ =	sfence.sel $0x180000  }
0xb3: {  	[bflag:$0x0] =	sbarrier.arrive $0xFFFF  }
0xb4: {  	p0 =	sne.s32 s1, $0x0;
	_ =	strace $0x9000004D  }
0xb5: {  	s0 =	sadd.s32 @!p0 $0x100000, s0;
	[bflag:$0x2] =	sbarrier.arrive $0xFFFF  }
0xb6: {  	[sflag:s0] =	ssyncadd.tile.s32 @!p0 $0x1;
	_ =	shalt  }
.Lfunc_end2:
_tile_overlayer_lowered:
.L_overlay_start_2:
0xb7: {  	(tag) =	ssettag $0x2  }
0xb8: {  	s0 =	rddreg [dreg:$0x0];
	s2 =	stileid.u32  }
0xb9: {  	s1 =	rddreg [dreg:$0x1];
	p0 =	sne.s32 s2, $0x0  }
0xba: {  	s3 =	rddreg [dreg:$0x2];
	[bflag:$0x3] =	sbarrier.arrive $0xFFFF;
	s2 =	simm.s32 @!p0 $0x1C03  }
0xbb: {  	[timem:s3], [sflag:s2] =	dma.local @!p0 [hbm:s0], s1  }
0xbc: {  	s0 =	simm.s32 @!p0 $0x3  }
0xbd: {  	_ =	swait.ge @!p0 [sflag:s0], s1  }
0xbe: {  	s1 =	ssub.s32 @!p0 $0x0, s1;
	[sflag:s0] =	ssyncset.done @!p0 $0x0  }
0xbf: {  	[sflag:s0] =	ssyncadd.s32 @!p0 s1  }
0xc0: {  	[bflag:$0x3] =	sbarrier.arrive $0xFFFF  }
0xc1: {  	_ =	shalt  }

// kernel: kernel.19.cloned.1.call-start
scs
__scs_entry_jumppad:
0x0: {  	(pc) =	sbr.rel $0x88, $3  }
0x1: {  	(tag) =	ssettag $0x0;
	lr =	simm.s32 $0x1  }
0x2: {  	[smem:$0x3F95] =	sst lr;
	_ =	strace $0xD0000000  }
0x3: {  	_ = 	snop  }
0x4: {  	_ = 	snop  }
0x5: {  	_ = 	snop  }
0x6: {  	_ = 	snop  }
0x7: {  	_ = 	snop  }
__scs_overlays_trampoline_lowered:
0x8: {  	[smem:$0x3FA4] =	sst s0  }
0x9: {  	[smem:$0x3FA5] =	sst s1  }
0xa: {  	[smem:$0x3FA6] =	sst s2  }
0xb: {  	[smem:$0x3FA7] =	sst s3  }
0xc: {  	[smem:$0x3FA8] =	sst s4  }
0xd: {  	[smem:$0x3FA9] =	sst s5  }
0xe: {  	[smem:$0x3FAA] =	sst s6  }
0xf: {  	[smem:$0x3FAB] =	sst s7  }
0x10: {  	[smem:$0x3FAC] =	sst s8  }
0x11: {  	[smem:$0x3FAD] =	sst s9;
	s0 =	simm.s32 @!p0 $0x0  }
0x12: {  	s1 =	sld [smem:$0x3F93];
	s0 =	simm.s32 @p0 $0x1  }
0x13: {  	[smem:$0x3FAE] =	sst s0;
	s0 =	simm.s32 @!p1 $0x0  }
0x14: {  	s2 =	sld [smem:$0x3F92];
	s0 =	simm.s32 @p1 $0x1  }
0x15: {  	[smem:$0x3FAF] =	sst s0;
	s0 =	simm.s32 @!p2 $0x0  }
0x16: {  	s3 =	sld [smem:$0x3FDB];
	s0 =	simm.s32 @p2 $0x1  }
0x17: {  	s4 =	simm.s32 $0x1BF5;
	[smem:$0x3FB1] =	sst s0  }
0x18: {  	s0 =	sld [smem:$0x3F94];
	_ =	swait.ge [sflag:s4], $0x0  }
0x19: {  	s7 =	sld [smem:$0x3F95]  }
0x1a: {  	s8 =	sadd.s32 $0xFFFFE003, lr  }
0x1b: {  	s9 =	sadd.s32 $0xFFFFFEF7, lr;
	s5 =	simm.s32 $0xFFFFFFFF;
	p2 =	slt.u32 s8, $0xFFFFF086  }
0x1c: {  	p1 =	slt.u32 s9, $0xF7A;
	s5 =	simm.s32 @!p2 $0x0  }
0x1d: {  	s5 =	simm.s32 @p1 $0x1;
	p0 =	seq.s32 s7, s2  }
0x1e: {  	s7 =	smul.u32 @!p0 $0xF7A, s2;
	p2 =	seq.s32 @!p0 s5, $0x0  }
0x1f: {  	s9 =	smul.u32 $0xF7A, s1;
	s8 =	simm.s32 @!p0 $0x1BF5;
	p2 =	por !p2, p0  }
0x20: {  	[sflag:s8] =	ssyncset.s32 @!p0 $0xFFFFF086;
	s6 =	sadd.s32 @!p0 s3, s7;
	s7 =	simm.s32 @!p0 $0x108  }
0x21: {  	s3 =	sadd.s32 s3, s9;
	s6 =	sadd.s32 @!p0 $0x88, s6;
	s7 =	simm.s32 @p2 $0x1082  }
0x22: {  	[simem:s7], [sflag:s8] =	dma.local @!p0 [hbm:s6], $0xF7A  }
0x23: {  	s9 =	sor.u32 $0xD0000000, s2;
	s6 =	simm.s32 $0x108;
	_ =	swait.ge @!p0 [sflag:s8], $0x0  }
0x24: {  	s3 =	sadd.s32 $0x88, s3;
	s6 =	simm.s32 @!p1 $0x1082;
	[sflag:s4] =	ssyncset.s32 $0xFFFFF086  }
0x25: {  	[simem:s6], [sflag:s4] =	dma.local [hbm:s3], $0xF7A  }
0x26: {  	[smem:$0x3F95] =	sst s1;
	(tag) =	ssettag s2;
	_ =	strace s9  }
0x27: {  	s1 =	sld [smem:$0x3FA5]  }
0x28: {  	s2 =	sld [smem:$0x3FA6]  }
0x29: {  	s4 =	sld [smem:$0x3FA8]  }
0x2a: {  	p0 =	seq.s32 s5, $0x0;
	s5 =	sld [smem:$0x3FA9]  }
0x2b: {  	s6 =	sld [smem:$0x3FAA]  }
0x2c: {  	s7 =	sld [smem:$0x3FAB]  }
0x2d: {  	s3 =	simm.s32 $0x108;
	s8 =	sld [smem:$0x3FAC]  }
0x2e: {  	s3 =	simm.s32 @!p0 $0x1082;
	s9 =	sld [smem:$0x3FAD]  }
0x2f: {  	lr =	sadd.s32 s0, s3;
	s0 =	sld [smem:$0x3FA4]  }
0x30: {  	s3 =	sld [smem:$0x3FA7]  }
0x31: {  	[smem:$0x3FB0] =	sst s10  }
0x32: {  	s10 =	sld [smem:$0x3FAE];
	_ =	sdelay $0x3  }
0x33: {  	p0 =	seq.s32 s10, $0x1;
	s10 =	sld [smem:$0x3FB0];
	_ =	sdelay $0x3  }
0x34: {  	[smem:$0x3FB0] =	sst s10  }
0x35: {  	s10 =	sld [smem:$0x3FAF];
	_ =	sdelay $0x3  }
0x36: {  	p1 =	seq.s32 s10, $0x1;
	s10 =	sld [smem:$0x3FB0];
	_ =	sdelay $0x3  }
0x37: {  	[smem:$0x3FB0] =	sst s10  }
0x38: {  	s10 =	sld [smem:$0x3FB1]  }
0x39: {  	_ = 	snop;
	(pc) =	sbr.ind lr, $3  }
0x3a: {  	_ = 	snop  }
0x3b: {  	_ = 	snop  }
0x3c: {  	p2 =	seq.s32 s10, $0x1;
	s10 =	sld [smem:$0x3FB0]  }
0x3d: {  	_ =	shalt  }
0x3e: {  	_ =	shalt  }
0x3f: {  	_ =	shalt  }
0x40: {  	_ =	shalt  }
0x41: {  	_ =	shalt  }
0x42: {  	_ =	shalt  }
0x43: {  	_ =	shalt  }
0x44: {  	_ =	shalt  }
0x45: {  	_ =	shalt  }
0x46: {  	_ =	shalt  }
0x47: {  	_ =	shalt  }
0x48: {  	_ =	shalt  }
0x49: {  	_ =	shalt  }
0x4a: {  	_ =	shalt  }
0x4b: {  	_ =	shalt  }
0x4c: {  	_ =	shalt  }
0x4d: {  	_ =	shalt  }
0x4e: {  	_ =	shalt  }
0x4f: {  	_ =	shalt  }
0x50: {  	_ =	shalt  }
0x51: {  	_ =	shalt  }
0x52: {  	_ =	shalt  }
0x53: {  	_ =	shalt  }
0x54: {  	_ =	shalt  }
0x55: {  	_ =	shalt  }
0x56: {  	_ =	shalt  }
0x57: {  	_ =	shalt  }
0x58: {  	_ =	shalt  }
0x59: {  	_ =	shalt  }
0x5a: {  	_ =	shalt  }
0x5b: {  	_ =	shalt  }
0x5c: {  	_ =	shalt  }
0x5d: {  	_ =	shalt  }
0x5e: {  	_ =	shalt  }
0x5f: {  	_ =	shalt  }
0x60: {  	_ =	shalt  }
0x61: {  	_ =	shalt  }
0x62: {  	_ =	shalt  }
0x63: {  	_ =	shalt  }
0x64: {  	_ =	shalt  }
0x65: {  	_ =	shalt  }
0x66: {  	_ =	shalt  }
0x67: {  	_ =	shalt  }
0x68: {  	_ =	shalt  }
0x69: {  	_ =	shalt  }
0x6a: {  	_ =	shalt  }
0x6b: {  	_ =	shalt  }
0x6c: {  	_ =	shalt  }
0x6d: {  	_ =	shalt  }
0x6e: {  	_ =	shalt  }
0x6f: {  	_ =	shalt  }
0x70: {  	_ =	shalt  }
0x71: {  	_ =	shalt  }
0x72: {  	_ =	shalt  }
0x73: {  	_ =	shalt  }
0x74: {  	_ =	shalt  }
0x75: {  	_ =	shalt  }
0x76: {  	_ =	shalt  }
0x77: {  	_ =	shalt  }
0x78: {  	_ =	shalt  }
0x79: {  	_ =	shalt  }
0x7a: {  	_ =	shalt  }
0x7b: {  	_ =	shalt  }
0x7c: {  	_ =	shalt  }
0x7d: {  	_ =	shalt  }
0x7e: {  	_ =	shalt  }
0x7f: {  	_ =	shalt  }
0x80: {  	_ =	shalt  }
0x81: {  	_ =	shalt  }
0x82: {  	_ =	shalt  }
0x83: {  	_ =	shalt  }
0x84: {  	_ =	shalt  }
0x85: {  	_ =	shalt  }
0x86: {  	_ =	shalt  }
0x87: {  	_ =	shalt  }
.Lfunc_end0:
.L_simem_size_0:
called_computation.3_lowered:
.L_overlay_start_0:
0x88: {  	s2 =	sld [smem:$0x3FD9]  }
0x89: {  	s3 =	sld [smem:$0x3FFE];
	_ =	sdelay $0x1  }
0x8a: {  	s1 =	srdreg.scid  }
0x8b: {  	s0 =	sand.u32 $0x1, s1  }
0x8c: {  	s17 =	sshll.u32 s0, $0xA;
	s2 =	sadd.s32 s3, s2  }
0x8d: {  	s2 =	sadd.s32 s2, s17  }
0x8e: {  	[smem:$0x3FBC] =	sst s2  }
0x8f: {  	_ = 	snop  }
0x90: {  	s2 =	sld [smem:$0x3FD0];
	(tm) =	ssettm $0x1  }
0x91: {  	s18 =	sld [smem:$0x3FFB];
	_ =	sdelay $0x3  }
0x92: {  	_ =	strace s18  }
0x93: {  	s3 =	sld [smem:$0x3FFC];
	_ =	sdelay $0x3  }
0x94: {  	_ =	strace s3  }
0x95: {  	s3 =	sld [smem:$0x3FFD];
	_ =	sdelay $0x3  }
0x96: {  	_ =	strace s3  }
0x97: {  	_ =	strace $0x8FFFFFFF  }
0x98: {  	s19 =	sld [smem:$0x3FDB];
	_ =	sdelay $0x1  }
0x99: {  	s4 =	simm.s32 $_scs_section_size  }
0x9a: {  	s5 =	simm.s32 $_size__tile_overlayer_lowered;
	s6 =	simm.s32 $_tile_overlayer_lowered  }
0x9b: {  	s22 =	simm.s32 $0x1BFF;
	s21 =	sshll.u32 s6, $0x1;
	s3 =	sadd.s32 s4, s19  }
0x9c: {  	s7 =	simm.s32 $0x0;
	s20 =	sshll.u32 s5, $0x1;
	s5 =	sadd.s32 s21, s3  }
0x9d: {  	[timem:s7], [sflag:s22] =	dma.local [hbm:s5], s20  }
0x9e: {  	_ =	swait.ge [sflag:s22], s20  }
0x9f: {  	s4 =	ssub.s32 $0x0, s20;
	[sflag:s22] =	ssyncset.done $0x0  }
0xa0: {  	[sflag:s22] =	ssyncadd.s32 s4;
	_ =	sdelay $0x1  }
0xa1: {  	s23 =	simm.s32 $0x1B8B  }
0xa2: {  	_ =	swait.ge [sflag:s23], $0x1  }
0xa3: {  	[sflag:s23] =	ssyncset.done $0x0  }
0xa4: {  	s25 =	simm.s32 $0x1B8E;
	s24 =	sld [smem:$0x3FFE];
	[sflag:s23] =	ssyncadd.s32 $0xFFFFFFFF  }
0xa5: {  	s26 =	simm.s32 $execute0_lowered;
	[smem:$0x3FD2] =	sst s25  }
0xa6: {  	s5 =	sshll.u32 s26, $0x1;
	_ =	strace $0x8000004F;
	[dreg:$0x1] =	wrdreg $0xFFFFFFFF  }
0xa7: {  	s28 =	simm.s32 $_size_execute0_lowered;
	s3 =	sadd.s32 s3, s5;
	[dreg:$0x0] =	wrdreg $0x0  }
0xa8: {  	s5 =	sshll.u32 s28, $0x1;
	[dreg:$0x2] =	wrdreg s3  }
0xa9: {  	[dreg:$0x3] =	wrdreg s5  }
0xaa: {  	[dreg:$0x4] =	wrdreg $0xC0  }
0xab: {  	_ =	task [dreg:s7], $0x5FFFF  }
0xac: {  	[dreg:$0x1] =	wrdreg $0xFFFFFFFF  }
0xad: {  	[dreg:$0x0] =	wrdreg $0x60  }
0xae: {  	[dreg:$0x2] =	wrdreg s24  }
0xaf: {  	[dreg:$0x3] =	wrdreg s2  }
0xb0: {  	[dreg:$0x4] =	wrdreg $0xA8000  }
0xb1: {  	[dreg:$0x5] =	wrdreg $0x9  }
0xb2: {  	_ =	task.clear_ibuf [dreg:s7], $0x6FFFF;
	_ =	strace $0x9000004F  }
0xb3: {  	s29 =	simm.s32 $0x9;
	_ =	strace $0x80000051  }
0xb4: {  	_ =	swait.ge [sflag:s29], $0x1  }
0xb5: {  	[sflag:s29] =	ssyncadd.s32 $0xFFFFFFFF  }
0xb6: {  	_ =	strace $0x90000051  }
0xb7: {  	_ =	sfence  }
0xb8: {  	s30 =	sld [smem:$0x0];
	_ =	sdelay $0x2  }
0xb9: {  	s31 =	sshll.u32 s1, $0xD;
	s1 =	sshrl.u32 s1, $0x2  }
0xba: {  	s3 =	sand.u32 $0x4000, s31;
	s1 =	sadd.s32 s1, s30  }
0xbb: {  	s0 =	sor.u32 s3, s0;
	s1 =	sshll.u32 s1, $0x11  }
0xbc: {  	s0 =	sor.u32 s1, s0  }
0xbd: {  	s0 =	sadd.s32 $0x8F2B, s0  }
0xbe: {  	[sflag:s0] =	ssyncadd.remote.s32 $0x1  }
0xbf: {  	_ =	sfence.sel $0xFFFF  }
0xc0: {  	[dreg:$0x0] =	wrdreg $0xFFFFFFFF;
	(pc) =	sbr.abs _section_cstart, $3  }
0xc1: {  	[dreg:$0x1] =	wrdreg $0xFFFFFFFF  }
0xc2: {  	_ =	task.clear_ibuf [dreg:s7], $0x2FFFF;
	_ =	strace $0x9FFFFFFF  }
0xc3: {  	(tm) =	ssettm $0x7FFFFFFF  }
tec
execute0_lowered:
.L_overlay_start_1:
0x0: {  	(tag) =	ssettag $0x1  }
0x1: {  	s5 =	rddreg [dreg:$0x0]  }
0x2: {  	s10 =	rddreg [dreg:$0x1]  }
0x3: {  	s2 =	rddreg [dreg:$0x2]  }
0x4: {  	s0 =	rddreg [dreg:$0x3];
	s3 =	simm.s32 $0x0;
	s1 =	stileid.u32  }
0x5: {  	s4 =	srdreg.scid;
	s16 =	simm.s32 $0x80;
	s17 =	simm.s32 $0x2800  }
0x6: {  	s18 =	simm.s32 $0x6800;
	s19 =	simm.s32 $0x1;
	s20 =	simm.s32 $0x2  }
0x7: {  	s21 =	simm.s32 $0x1380;
	s22 =	simm.s32 $0x2700;
	s23 =	simm.s32 $0x2780  }
0x8: {  	s24 =	simm.s32 $0x0;
	[smem:$0x7FF] =	sst s3;
	s6 =	smul.u32 $0x14000, s1  }
0x9: {  	s7 =	sand.u32 $0x1, s4;
	s4 =	sadd.s32 $0x2B200, s5;
	s9 =	sadd.s32 $0x7BA00, s5  }
0xa: {  	s12 =	smul.u32 $0x50000, s1;
	s30 =	sshll.u32 s1, $0x6;
	_ =	strace $0x80000050  }
0xb: {  	s8 =	smul.u32 $0x140000, s7;
	s28 =	sshll.u32 s7, $0x4;
	s7 =	ssub.s32 $0x2, s7  }
0xc: {  	s11 =	sshrl.u32 s6, $0x3;
	s13 =	sshrl.u32 s7, $0x1;
	s29 =	sshrl.u32 s12, $0x2  }
0xd: {  	s11 =	sadd.s32 s11, s5;
	s6 =	sadd.s32 s6, s8;
	s8 =	sor.u32 s1, s28  }
0xe: {  	s13 =	ssub.s32 s7, s13;
	s15 =	sadd.s32 s29, s2;
	s6 =	sshrl.u32 s6, $0x3  }
0xf: {  	s8 =	smul.u32 $0x2800, s8;
	s12 =	smax.u32 s13, $0x1;
	s13 =	sshrl.u32 s15, $0x3  }
0x10: {  	s15 =	simm.s32 $0x1400;
	s14 =	sadd.s32 s6, s5;
	s5 =	sadd.s32 $0x3200, s11  }
0x11: {  	s6 =	sor.u32 $0x1C03, s30;
	s8 =	sshrl.u32 s8, $0x3;
	s11 =	sadd.s32 $0x85A00, s14  }
0x12: {  	s14 =	simm.s32 $0x3;
	s31 =	sadd.s32 $0x280, s8;
	s7 =	sadd.s32 s9, s8  }
0x13: {  	s8 =	sadd.s32 s10, s8;
	s9 =	sadd.s32 s9, s31;
	s10 =	sadd.s32 s10, s31  }
.LBB2_1:
0x14: {  	[spmem:s13], [sflag:s6] =	dma.local [hbm:s5], $0x2800  }
0x15: {  	_ =	swait.ge [sflag:s14], $0x2800  }
0x16: {  	[sflag:s14] =	ssyncset.done $0x0  }
0x17: {  	[sflag:s14] =	ssyncadd.s32 $0xFFFFD800  }
0x18: {  	[bflag:$0x0] =	sbarrier.arrive $0xFFFF  }
0x19: {  	[tilespmem:s3], [sflag:$0x3] =	stream.linear.gather [hbm4b:s7+s3], $0x1400, $0x38;
	[tilespmem:$0x1E800] =	vst v63  }
0x1a: {  	_ =	swait.ge [sflag:s14], $0x1400  }
0x1b: {  	[sflag:s14] =	ssyncset.done $0x0  }
0x1c: {  	[sflag:s14] =	ssyncadd.s32 $0xFFFFEC00  }
0x1d: {  	[tilespmem:s15], [sflag:$0x3] =	stream.linear.gather [hbm4b:s8+s3], $0x1400, $0x38;
	[tilespmem:$0x1E800] =	vst v63  }
0x1e: {  	_ =	swait.ge [sflag:s14], $0x1400  }
0x1f: {  	[sflag:s14] =	ssyncset.done $0x0  }
0x20: {  	[sflag:s14] =	ssyncadd.s32 $0xFFFFEC00  }
0x21: {  	[tilespmem:s17], [sflag:$0x1] =	stream.indirect.gather [hbm4b:s4+s16], $0x80, s3, s16, $0xb8;
	[tilespmem:$0x1E800] =	vst v63  }
0x22: {  	s25 =	simm.s32 $0x80  }
0x23: {  	[tilespmem:s18], [sflag:$0x2] =	stream.indirect.gather [hbm4b:s4+s16], $0x80, s25, s16, $0xb8;
	[tilespmem:$0x1E800] =	vst v63  }
0x24: {  	_ =	swait.ge [sflag:s19], $0x4000  }
0x25: {  	[sflag:s19] =	ssyncset.done $0x0  }
0x26: {  	s29 =	simm.s32 $0x1400;
	[sflag:s19] =	ssyncadd.s32 $0xFFFFC000  }
0x27: {  	[spmem:s2] =	stream.indirect.scatter.add.f32 [tilespmem:s17], [sflag:$0x3], $0x80, s29, s16, $0xb8;
	[tilespmem:$0x1E800] =	vst v63  }
0x28: {  	_ =	swait.ge [sflag:s14], $0x4000  }
0x29: {  	[sflag:s14] =	ssyncset.done $0x0  }
0x2a: {  	s30 =	simm.s32 $0x100;
	[sflag:s14] =	ssyncadd.s32 $0xFFFFC000  }
0x2b: {  	[tilespmem:s17], [sflag:$0x1] =	stream.indirect.gather [hbm4b:s4+s16], $0x80, s30, s16, $0xb8;
	[tilespmem:$0x1E800] =	vst v63  }
0x2c: {  	_ =	swait.ge [sflag:s20], $0x4000  }
0x2d: {  	[sflag:s20] =	ssyncset.done $0x0  }
0x2e: {  	s31 =	simm.s32 $0x1480;
	[sflag:s20] =	ssyncadd.s32 $0xFFFFC000  }
0x2f: {  	[spmem:s2] =	stream.indirect.scatter.add.f32 [tilespmem:s18], [sflag:$0x3], $0x80, s31, s16, $0xb8;
	[tilespmem:$0x1E800] =	vst v63  }
0x30: {  	_ =	swait.ge [sflag:s14], $0x4000  }
0x31: {  	s26 =	simm.s32 $0x800;
	s25 =	simm.s32 $0x100;
	[sflag:s14] =	ssyncset.done $0x0  }
.LBB2_2:
0x32: {  	s28 =	sadd.s32 $0x80, s25  }
0x33: {  	[sflag:s14] =	ssyncadd.s32 $0xFFFFC000;
	s29 =	smov.u32 s26;
	s30 =	sadd.s32 $0x400, s26  }
0x34: {  	[tilespmem:s18], [sflag:$0x2] =	stream.indirect.gather [hbm4b:s4+s16], $0x80, s28, s16, $0xb8;
	[tilespmem:$0x1E800] =	vst v63  }
0x35: {  	p0 =	sne.s32 s26, $0x4800;
	_ =	swait.ge [sflag:s19], $0x4000  }
0x36: {  	[sflag:s19] =	ssyncset.done $0x0  }
0x37: {  	s26 =	sadd.s32 $0x1400, s25;
	[sflag:s19] =	ssyncadd.s32 $0xFFFFC000  }
0x38: {  	[spmem:s2] =	stream.indirect.scatter.add.f32 [tilespmem:s17], [sflag:$0x3], $0x80, s26, s16, $0xb8;
	[tilespmem:$0x1E800] =	vst v63  }
0x39: {  	_ =	swait.ge [sflag:s14], $0x4000  }
0x3a: {  	[sflag:s14] =	ssyncset.done $0x0  }
0x3b: {  	s26 =	sadd.s32 $0x100, s25;
	[sflag:s14] =	ssyncadd.s32 $0xFFFFC000  }
0x3c: {  	[tilespmem:s17], [sflag:$0x1] =	stream.indirect.gather [hbm4b:s4+s16], $0x80, s26, s16, $0xb8;
	[tilespmem:$0x1E800] =	vst v63  }
0x3d: {  	_ =	swait.ge [sflag:s20], $0x4000  }
.Ltmp0:
0x3e: {  	[sflag:s20] =	ssyncset.done $0x0;
	(pc) =	sbr.rel @p0 .LBB2_2-.Ltmp0, $4  }
0x3f: {  	s25 =	sadd.s32 $0x1480, s25;
	[sflag:s20] =	ssyncadd.s32 $0xFFFFC000  }
0x40: {  	[spmem:s2] =	stream.indirect.scatter.add.f32 [tilespmem:s18], [sflag:$0x3], $0x80, s25, s16, $0xb8;
	[tilespmem:$0x1E800] =	vst v63  }
0x41: {  	_ =	swait.ge [sflag:s14], $0x4000  }
0x42: {  	s26 =	smov.u32 s30;
	s25 =	sshra.s32 s29, $0x2;
	[sflag:s14] =	ssyncset.done $0x0  }
0x43: {  	s26 =	sadd.s32 $0x80, s25;
	[sflag:s14] =	ssyncadd.s32 $0xFFFFC000  }
0x44: {  	[tilespmem:s18], [sflag:$0x2] =	stream.indirect.gather [hbm4b:s4+s16], $0x80, s26, s16, $0xb8;
	[tilespmem:$0x1E800] =	vst v63  }
0x45: {  	_ =	swait.ge [sflag:s19], $0x4000  }
0x46: {  	[sflag:s19] =	ssyncset.done $0x0  }
0x47: {  	s29 =	sadd.s32 $0x1400, s25;
	[sflag:s19] =	ssyncadd.s32 $0xFFFFC000  }
0x48: {  	[spmem:s2] =	stream.indirect.scatter.add.f32 [tilespmem:s17], [sflag:$0x3], $0x80, s29, s16, $0xb8;
	[tilespmem:$0x1E800] =	vst v63  }
0x49: {  	_ =	swait.ge [sflag:s14], $0x4000  }
0x4a: {  	[sflag:s14] =	ssyncset.done $0x0  }
0x4b: {  	s30 =	sadd.s32 $0x100, s25;
	[sflag:s14] =	ssyncadd.s32 $0xFFFFC000  }
0x4c: {  	[tilespmem:s17], [sflag:$0x1] =	stream.indirect.gather [hbm4b:s4+s16], $0x80, s30, s16, $0xb8;
	[tilespmem:$0x1E800] =	vst v63  }
0x4d: {  	_ =	swait.ge [sflag:s20], $0x4000  }
0x4e: {  	[sflag:s20] =	ssyncset.done $0x0  }
0x4f: {  	s31 =	sadd.s32 $0x1480, s25;
	[sflag:s20] =	ssyncadd.s32 $0xFFFFC000  }
0x50: {  	[spmem:s2] =	stream.indirect.scatter.add.f32 [tilespmem:s18], [sflag:$0x3], $0x80, s31, s16, $0xb8;
	[tilespmem:$0x1E800] =	vst v63  }
0x51: {  	_ =	swait.ge [sflag:s14], $0x4000  }
0x52: {  	[sflag:s14] =	ssyncset.done $0x0  }
0x53: {  	[sflag:s14] =	ssyncadd.s32 $0xFFFFC000  }
0x54: {  	[tilespmem:s18], [sflag:$0x2] =	stream.indirect.gather [hbm4b:s4+s16], $0x80, s21, s16, $0xb8;
	[tilespmem:$0x1E800] =	vst v63  }
0x55: {  	_ =	swait.ge [sflag:s19], $0x4000  }
0x56: {  	[sflag:s19] =	ssyncset.done $0x0  }
0x57: {  	[sflag:s19] =	ssyncadd.s32 $0xFFFFC000  }
0x58: {  	[spmem:s2] =	stream.indirect.scatter.add.f32 [tilespmem:s17], [sflag:$0x3], $0x80, s22, s16, $0xb8;
	[tilespmem:$0x1E800] =	vst v63  }
0x59: {  	_ =	swait.ge [sflag:s14], $0x4000  }
0x5a: {  	[sflag:s14] =	ssyncset.done $0x0  }
0x5b: {  	[sflag:s14] =	ssyncadd.s32 $0xFFFFC000  }
0x5c: {  	_ =	swait.ge [sflag:s20], $0x4000  }
0x5d: {  	[sflag:s20] =	ssyncset.done $0x0  }
0x5e: {  	[sflag:s20] =	ssyncadd.s32 $0xFFFFC000  }
0x5f: {  	[spmem:s2] =	stream.indirect.scatter.add.f32 [tilespmem:s18], [sflag:$0x3], $0x80, s23, s16, $0xb8;
	[tilespmem:$0x1E800] =	vst v63  }
0x60: {  	_ =	swait.ge [sflag:s14], $0x4000  }
0x61: {  	[sflag:s14] =	ssyncset.done $0x0  }
0x62: {  	s26 =	simm.s32 $0x0;
	[sflag:s14] =	ssyncadd.s32 $0xFFFFC000  }
0x63: {  	[tilespmem:s26], [sflag:$0x3] =	stream.linear.gather [hbm4b:s9+s26], $0x1400, $0x38;
	[tilespmem:$0x1E800] =	vst v63  }
0x64: {  	_ =	swait.ge [sflag:s14], $0x1400  }
0x65: {  	[sflag:s14] =	ssyncset.done $0x0  }
0x66: {  	[sflag:s14] =	ssyncadd.s32 $0xFFFFEC00  }
0x67: {  	[tilespmem:s15], [sflag:$0x3] =	stream.linear.gather [hbm4b:s10+s26], $0x1400, $0x38;
	[tilespmem:$0x1E800] =	vst v63  }
0x68: {  	_ =	swait.ge [sflag:s14], $0x1400  }
0x69: {  	[sflag:s14] =	ssyncset.done $0x0  }
0x6a: {  	[sflag:s14] =	ssyncadd.s32 $0xFFFFEC00  }
0x6b: {  	[tilespmem:s17], [sflag:$0x1] =	stream.indirect.gather [hbm4b:s4+s16], $0x80, s26, s16, $0xb8;
	[tilespmem:$0x1E800] =	vst v63  }
0x6c: {  	s28 =	simm.s32 $0x80  }
0x6d: {  	[tilespmem:s18], [sflag:$0x2] =	stream.indirect.gather [hbm4b:s4+s16], $0x80, s28, s16, $0xb8;
	[tilespmem:$0x1E800] =	vst v63  }
0x6e: {  	_ =	swait.ge [sflag:s19], $0x4000  }
0x6f: {  	[sflag:s19] =	ssyncset.done $0x0  }
0x70: {  	s29 =	simm.s32 $0x1400;
	[sflag:s19] =	ssyncadd.s32 $0xFFFFC000  }
0x71: {  	[spmem:s2] =	stream.indirect.scatter.add.f32 [tilespmem:s17], [sflag:$0x3], $0x80, s29, s16, $0xb8;
	[tilespmem:$0x1E800] =	vst v63  }
0x72: {  	_ =	swait.ge [sflag:s14], $0x4000  }
0x73: {  	[sflag:s14] =	ssyncset.done $0x0  }
0x74: {  	s30 =	simm.s32 $0x100;
	[sflag:s14] =	ssyncadd.s32 $0xFFFFC000  }
0x75: {  	[tilespmem:s17], [sflag:$0x1] =	stream.indirect.gather [hbm4b:s4+s16], $0x80, s30, s16, $0xb8;
	[tilespmem:$0x1E800] =	vst v63  }
0x76: {  	_ =	swait.ge [sflag:s20], $0x4000  }
0x77: {  	[sflag:s20] =	ssyncset.done $0x0  }
0x78: {  	s31 =	simm.s32 $0x1480;
	[sflag:s20] =	ssyncadd.s32 $0xFFFFC000  }
0x79: {  	[spmem:s2] =	stream.indirect.scatter.add.f32 [tilespmem:s18], [sflag:$0x3], $0x80, s31, s16, $0xb8;
	[tilespmem:$0x1E800] =	vst v63  }
0x7a: {  	_ =	swait.ge [sflag:s14], $0x4000  }
0x7b: {  	s25 =	simm.s32 $0x100;
	s26 =	simm.s32 $0x800;
	[sflag:s14] =	ssyncset.done $0x0  }
.LBB2_4:
0x7c: {  	s28 =	sadd.s32 $0x80, s25  }
0x7d: {  	[sflag:s14] =	ssyncadd.s32 $0xFFFFC000;
	s29 =	smov.u32 s26;
	s30 =	sadd.s32 $0x400, s26  }
0x7e: {  	[tilespmem:s18], [sflag:$0x2] =	stream.indirect.gather [hbm4b:s4+s16], $0x80, s28, s16, $0xb8;
	[tilespmem:$0x1E800] =	vst v63  }
0x7f: {  	p0 =	sne.s32 s26, $0x4800;
	_ =	swait.ge [sflag:s19], $0x4000  }
0x80: {  	[sflag:s19] =	ssyncset.done $0x0  }
0x81: {  	s26 =	sadd.s32 $0x1400, s25;
	[sflag:s19] =	ssyncadd.s32 $0xFFFFC000  }
0x82: {  	[spmem:s2] =	stream.indirect.scatter.add.f32 [tilespmem:s17], [sflag:$0x3], $0x80, s26, s16, $0xb8;
	[tilespmem:$0x1E800] =	vst v63  }
0x83: {  	_ =	swait.ge [sflag:s14], $0x4000  }
0x84: {  	[sflag:s14] =	ssyncset.done $0x0  }
0x85: {  	s26 =	sadd.s32 $0x100, s25;
	[sflag:s14] =	ssyncadd.s32 $0xFFFFC000  }
0x86: {  	[tilespmem:s17], [sflag:$0x1] =	stream.indirect.gather [hbm4b:s4+s16], $0x80, s26, s16, $0xb8;
	[tilespmem:$0x1E800] =	vst v63  }
0x87: {  	_ =	swait.ge [sflag:s20], $0x4000  }
.Ltmp1:
0x88: {  	[sflag:s20] =	ssyncset.done $0x0;
	(pc) =	sbr.rel @p0 .LBB2_4-.Ltmp1, $4  }
0x89: {  	s25 =	sadd.s32 $0x1480, s25;
	[sflag:s20] =	ssyncadd.s32 $0xFFFFC000  }
0x8a: {  	[spmem:s2] =	stream.indirect.scatter.add.f32 [tilespmem:s18], [sflag:$0x3], $0x80, s25, s16, $0xb8;
	[tilespmem:$0x1E800] =	vst v63  }
0x8b: {  	_ =	swait.ge [sflag:s14], $0x4000  }
0x8c: {  	s26 =	smov.u32 s30;
	s25 =	sshra.s32 s29, $0x2;
	[sflag:s14] =	ssyncset.done $0x0  }
0x8d: {  	s26 =	sadd.s32 $0x80, s25;
	[sflag:s14] =	ssyncadd.s32 $0xFFFFC000  }
0x8e: {  	[tilespmem:s18], [sflag:$0x2] =	stream.indirect.gather [hbm4b:s4+s16], $0x80, s26, s16, $0xb8;
	[tilespmem:$0x1E800] =	vst v63  }
0x8f: {  	_ =	swait.ge [sflag:s19], $0x4000  }
0x90: {  	[sflag:s19] =	ssyncset.done $0x0  }
0x91: {  	s29 =	sadd.s32 $0x1400, s25;
	[sflag:s19] =	ssyncadd.s32 $0xFFFFC000  }
0x92: {  	[spmem:s2] =	stream.indirect.scatter.add.f32 [tilespmem:s17], [sflag:$0x3], $0x80, s29, s16, $0xb8;
	[tilespmem:$0x1E800] =	vst v63  }
0x93: {  	_ =	swait.ge [sflag:s14], $0x4000  }
0x94: {  	[sflag:s14] =	ssyncset.done $0x0  }
0x95: {  	s30 =	sadd.s32 $0x100, s25;
	[sflag:s14] =	ssyncadd.s32 $0xFFFFC000  }
0x96: {  	[tilespmem:s17], [sflag:$0x1] =	stream.indirect.gather [hbm4b:s4+s16], $0x80, s30, s16, $0xb8;
	[tilespmem:$0x1E800] =	vst v63  }
0x97: {  	_ =	swait.ge [sflag:s20], $0x4000  }
0x98: {  	[sflag:s20] =	ssyncset.done $0x0  }
0x99: {  	s31 =	sadd.s32 $0x1480, s25;
	[sflag:s20] =	ssyncadd.s32 $0xFFFFC000  }
0x9a: {  	[spmem:s2] =	stream.indirect.scatter.add.f32 [tilespmem:s18], [sflag:$0x3], $0x80, s31, s16, $0xb8;
	[tilespmem:$0x1E800] =	vst v63  }
0x9b: {  	_ =	swait.ge [sflag:s14], $0x4000  }
0x9c: {  	[sflag:s14] =	ssyncset.done $0x0  }
0x9d: {  	[sflag:s14] =	ssyncadd.s32 $0xFFFFC000  }
0x9e: {  	[tilespmem:s18], [sflag:$0x2] =	stream.indirect.gather [hbm4b:s4+s16], $0x80, s21, s16, $0xb8;
	[tilespmem:$0x1E800] =	vst v63  }
0x9f: {  	_ =	swait.ge [sflag:s19], $0x4000  }
0xa0: {  	[sflag:s19] =	ssyncset.done $0x0  }
0xa1: {  	[sflag:s19] =	ssyncadd.s32 $0xFFFFC000  }
0xa2: {  	[spmem:s2] =	stream.indirect.scatter.add.f32 [tilespmem:s17], [sflag:$0x3], $0x80, s22, s16, $0xb8;
	[tilespmem:$0x1E800] =	vst v63  }
0xa3: {  	_ =	swait.ge [sflag:s14], $0x4000  }
0xa4: {  	[sflag:s14] =	ssyncset.done $0x0  }
0xa5: {  	[sflag:s14] =	ssyncadd.s32 $0xFFFFC000  }
0xa6: {  	_ =	swait.ge [sflag:s20], $0x4000  }
0xa7: {  	[sflag:s20] =	ssyncset.done $0x0  }
0xa8: {  	[sflag:s20] =	ssyncadd.s32 $0xFFFFC000  }
0xa9: {  	[spmem:s2] =	stream.indirect.scatter.add.f32 [tilespmem:s18], [sflag:$0x3], $0x80, s23, s16, $0xb8;
	[tilespmem:$0x1E800] =	vst v63  }
0xaa: {  	_ =	swait.ge [sflag:s14], $0x4000  }
0xab: {  	s24 =	sadd.s32 $0x1, s24;
	[sflag:s14] =	ssyncset.done $0x0  }
0xac: {  	p0 =	sne.s32 s24, s12;
	[sflag:s14] =	ssyncadd.s32 $0xFFFFC000  }
.Ltmp2:
0xad: {  	[bflag:$0x0] =	sbarrier.arrive $0xFFFF;
	(pc) =	sbr.rel @p0 .LBB2_1-.Ltmp2, $4  }
0xae: {  	[hbm:s11], [sflag:s6] =	dma.local [spmem:s13], $0x2800  }
0xaf: {  	_ =	swait.ge [sflag:s14], $0x2800  }
0xb0: {  	[sflag:s14] =	ssyncset.done $0x0  }
0xb1: {  	[sflag:s14] =	ssyncadd.s32 $0xFFFFD800  }
0xb2: {  	_ =	sfence.sel $0x180000  }
0xb3: {  	[bflag:$0x0] =	sbarrier.arrive $0xFFFF  }
0xb4: {  	p0 =	sne.s32 s1, $0x0;
	_ =	strace $0x90000050  }
0xb5: {  	s0 =	sadd.s32 @!p0 $0x100000, s0;
	[bflag:$0x2] =	sbarrier.arrive $0xFFFF  }
0xb6: {  	[sflag:s0] =	ssyncadd.tile.s32 @!p0 $0x1;
	_ =	shalt  }
.Lfunc_end2:
_tile_overlayer_lowered:
.L_overlay_start_2:
0xb7: {  	(tag) =	ssettag $0x2  }
0xb8: {  	s0 =	rddreg [dreg:$0x0];
	s2 =	stileid.u32  }
0xb9: {  	s1 =	rddreg [dreg:$0x1];
	p0 =	sne.s32 s2, $0x0  }
0xba: {  	s3 =	rddreg [dreg:$0x2];
	[bflag:$0x3] =	sbarrier.arrive $0xFFFF;
	s2 =	simm.s32 @!p0 $0x1C03  }
0xbb: {  	[timem:s3], [sflag:s2] =	dma.local @!p0 [hbm:s0], s1  }
0xbc: {  	s0 =	simm.s32 @!p0 $0x3  }
0xbd: {  	_ =	swait.ge @!p0 [sflag:s0], s1  }
0xbe: {  	s1 =	ssub.s32 @!p0 $0x0, s1;
	[sflag:s0] =	ssyncset.done @!p0 $0x0  }
0xbf: {  	[sflag:s0] =	ssyncadd.s32 @!p0 s1  }
0xc0: {  	[bflag:$0x3] =	sbarrier.arrive $0xFFFF  }
0xc1: {  	_ =	shalt  }

</sc_bundles>
